<compile_context>
chip_gen: v7x
topology: tpu7x:2x2x1
jax: 0.10.2.dev20260603
libtpu: 0.0.44.dev20260713+nightly
codegen_flags: <defaults>
</compile_context>

<pallas_src>
import functools

import jax
import jax.numpy as jnp
from jax import lax
from jax.experimental import pallas as pl
from jax.experimental.pallas import tpu as pltpu
from jax.experimental.pallas import tpu_sc as plsc

N = 10000
D = 128
HD = D // 2
NC = 2
NS = 16
L = 16
NW = NC * NS
CH = 128
PT = 640
NPAD = NS * PT
DUMMY = N
_NB = 5

_mesh = lambda: plsc.VectorSubcoreMesh(core_axis_name="c", subcore_axis_name="s")


def _sc_degree(dst_p, k):

    @functools.partial(
        pl.kernel,
        out_type=jax.ShapeDtypeStruct((NC, NPAD, L), jnp.float32),
        mesh=_mesh(),
        scratch_types=[
            pltpu.VMEM((k, CH), jnp.int32),
            pltpu.VMEM((CH, L), jnp.float32),
            pltpu.VMEM((CH, L), jnp.float32),
            pltpu.VMEM_SHARED((NPAD, L), jnp.float32),
            pltpu.SemaphoreType.DMA,
            pltpu.SemaphoreType.DMA,
        ],
    )
    def deg_kernel(dst_hbm, out_hbm, dst_v, ones_v, zeros_v, deg_sh,
                   sem0, sem1):
        c = lax.axis_index("c")
        s = lax.axis_index("s")
        wid = c * NS + s
        pltpu.sync_copy(dst_hbm.at[wid], dst_v)

        @pl.loop(0, CH)
        def _(r):
            ones_v[r, :] = jnp.ones((L,), jnp.float32)
            zeros_v[r, :] = jnp.zeros((L,), jnp.float32)

        @pl.loop(0, PT, step=CH)
        def _(r0):
            pltpu.sync_copy(zeros_v, deg_sh.at[pl.ds(s * PT + r0, CH)])

        plsc.subcore_barrier()

        @pl.loop(0, k, step=2)
        def _(j):
            pltpu.async_copy(ones_v, deg_sh.at[dst_v.at[j]], sem0, add=True)
            pltpu.async_copy(ones_v, deg_sh.at[dst_v.at[j + 1]], sem1,
                             add=True)
            pltpu.make_async_copy(ones_v, deg_sh.at[dst_v.at[j]],
                                  sem0).wait()
            pltpu.make_async_copy(ones_v, deg_sh.at[dst_v.at[j + 1]],
                                  sem1).wait()

        plsc.subcore_barrier()

        @pl.loop(0, PT, step=CH)
        def _(r0):
            pltpu.sync_copy(deg_sh.at[pl.ds(s * PT + r0, CH)],
                            out_hbm.at[c].at[pl.ds(s * PT + r0, CH)])

    return deg_kernel(dst_p)


def _sc_scatter(g_split, src_p, dst_p, k):

    @functools.partial(
        pl.kernel,
        out_type=jax.ShapeDtypeStruct((NC, NPAD, HD), jnp.float32),
        mesh=_mesh(),
        scratch_types=[
            pltpu.VMEM((k, CH), jnp.int32),
            pltpu.VMEM((k, CH), jnp.int32),
        ] + [pltpu.VMEM((CH, HD), jnp.float32)] * _NB
          + [pltpu.VMEM_SHARED((NPAD, HD), jnp.float32)]
          + [pltpu.SemaphoreType.DMA] * (2 * _NB),
        compiler_params=pltpu.CompilerParams(use_tc_tiling_on_sc=False),
    )
    def scat_kernel(g_hbm, src_hbm, dst_hbm, out_hbm,
                    src_v, dst_v, *rest):
        bufs = rest[:_NB]
        acc_sh = rest[_NB]
        gsems = rest[_NB + 1:2 * _NB + 1]
        ssems = rest[2 * _NB + 1:]
        buf0 = bufs[0]
        c = lax.axis_index("c")
        s = lax.axis_index("s")
        pltpu.async_copy(src_hbm.at[s], src_v, gsems[0])
        pltpu.async_copy(dst_hbm.at[s], dst_v, gsems[1])

        @pl.loop(0, CH)
        def _(r):
            @pl.loop(0, HD, step=L)
            def _(l):
                buf0[r, pl.ds(l, L)] = jnp.zeros((L,), jnp.float32)

        @pl.loop(0, PT, step=CH)
        def _(r0):
            pltpu.sync_copy(buf0, acc_sh.at[pl.ds(s * PT + r0, CH)])

        pltpu.make_async_copy(src_hbm.at[s], src_v, gsems[0]).wait()
        pltpu.make_async_copy(dst_hbm.at[s], dst_v, gsems[1]).wait()
        plsc.subcore_barrier()

        tab = g_hbm.at[c]
        for b in range(_NB):
            pltpu.async_copy(tab.at[src_v.at[b]], bufs[b], gsems[b])

        @pl.loop(0, k, step=_NB)
        def _(j):
            for b in range(_NB):
                pltpu.make_async_copy(tab.at[src_v.at[j + b]], bufs[b],
                                      gsems[b]).wait()
                pltpu.async_copy(bufs[b], acc_sh.at[dst_v.at[j + b]],
                                 ssems[b], add=True)
            for b in range(_NB):
                pltpu.make_async_copy(bufs[b], acc_sh.at[dst_v.at[j + b]],
                                      ssems[b]).wait()

                @pl.when(j + _NB + b < k)
                def _():
                    pltpu.async_copy(tab.at[src_v.at[j + _NB + b]], bufs[b],
                                     gsems[b])

        plsc.subcore_barrier()

        @pl.loop(0, PT, step=CH)
        def _(r0):
            pltpu.sync_copy(acc_sh.at[pl.ds(s * PT + r0, CH)],
                            out_hbm.at[c].at[pl.ds(s * PT + r0, CH)])

    return scat_kernel(g_split, src_p, dst_p)


_ROWS = 1000


def _tc_front(x, W, d0, d1):

    def body(x_ref, w_ref, d0_ref, d1_ref, g_ref, dv_ref):
        deg = d0_ref[...][:, 0:1] + d1_ref[...][:, 0:1] + 1.0
        dinv = lax.rsqrt(deg)
        g = jnp.dot(x_ref[...], w_ref[...],
                    preferred_element_type=jnp.float32) * dinv
        g_ref[0] = g[:, :HD]
        g_ref[1] = g[:, HD:]
        dv_ref[...] = jnp.broadcast_to(dinv, dv_ref.shape)

    return pl.pallas_call(
        body,
        grid=(N // _ROWS,),
        in_specs=[pl.BlockSpec((_ROWS, D), lambda i: (i, 0)),
                  pl.BlockSpec((D, D), lambda i: (0, 0)),
                  pl.BlockSpec((_ROWS, L), lambda i: (i, 0)),
                  pl.BlockSpec((_ROWS, L), lambda i: (i, 0))],
        out_specs=[pl.BlockSpec((NC, _ROWS, HD), lambda i: (0, i, 0)),
                   pl.BlockSpec((_ROWS, D), lambda i: (i, 0))],
        out_shape=[jax.ShapeDtypeStruct((NC, N, HD), jnp.float32),
                   jax.ShapeDtypeStruct((N, D), jnp.float32)],
    )(x, W, d0, d1)


def _tc_mid(acc, gs, dinv, b1, W2):

    def body(a_ref, g_ref, dv_ref, b_ref, w_ref, o_ref):
        s = jnp.concatenate([a_ref[0] + g_ref[0], a_ref[1] + g_ref[1]],
                            axis=1)
        h = jnp.maximum(dv_ref[...] * s + b_ref[...], 0.0)
        g2 = dv_ref[...] * jnp.dot(h, w_ref[...],
                                   preferred_element_type=jnp.float32)
        o_ref[0] = g2[:, :HD]
        o_ref[1] = g2[:, HD:]

    return pl.pallas_call(
        body,
        grid=(N // _ROWS,),
        in_specs=[pl.BlockSpec((NC, _ROWS, HD), lambda i: (0, i, 0)),
                  pl.BlockSpec((NC, _ROWS, HD), lambda i: (0, i, 0)),
                  pl.BlockSpec((_ROWS, D), lambda i: (i, 0)),
                  pl.BlockSpec((1, D), lambda i: (0, 0)),
                  pl.BlockSpec((D, D), lambda i: (0, 0))],
        out_specs=pl.BlockSpec((NC, _ROWS, HD), lambda i: (0, i, 0)),
        out_shape=jax.ShapeDtypeStruct((NC, N, HD), jnp.float32),
    )(acc, gs, dinv, b1, W2)


def _tc_final(acc, gs, dinv, b2):
    def body(a_ref, g_ref, dv_ref, b_ref, o_ref):
        s = jnp.concatenate([a_ref[0] + g_ref[0], a_ref[1] + g_ref[1]],
                            axis=1)
        o_ref[...] = dv_ref[...] * s + b_ref[...]

    return pl.pallas_call(
        body,
        grid=(N // _ROWS,),
        in_specs=[pl.BlockSpec((NC, _ROWS, HD), lambda i: (0, i, 0)),
                  pl.BlockSpec((NC, _ROWS, HD), lambda i: (0, i, 0)),
                  pl.BlockSpec((_ROWS, D), lambda i: (i, 0)),
                  pl.BlockSpec((1, D), lambda i: (0, 0))],
        out_specs=pl.BlockSpec((_ROWS, D), lambda i: (i, 0)),
        out_shape=jax.ShapeDtypeStruct((N, D), jnp.float32),
    )(acc, gs, dinv, b2)


def kernel(x, edge_index, W1, b1, W2, b2):
    ei = edge_index.astype(jnp.int32)
    src, dst = ei[0], ei[1]
    e = src.shape[0]
    kd = -(-e // (NW * CH))
    while (2 * kd) % _NB or kd % 2:
        kd += 1
    ks = 2 * kd
    pad = NW * kd * CH - e
    src_f = jnp.concatenate([src, jnp.zeros((pad,), jnp.int32)])
    dst_f = jnp.concatenate([dst, jnp.full((pad,), DUMMY, jnp.int32)])
    src_p = src_f.reshape(NS, ks, CH)
    dst_p = dst_f.reshape(NS, ks, CH)

    degp = _sc_degree(dst_f.reshape(NW, kd, CH), kd)
    g1s, dinv = _tc_front(x, W1, degp[0, :N], degp[1, :N])
    acc1 = _sc_scatter(g1s, src_p, dst_p, ks)
    g2s = _tc_mid(acc1, g1s, dinv, b1.reshape(1, D), W2)
    acc2 = _sc_scatter(g2s, src_p, dst_p, ks)
    return _tc_final(acc2, g2s, dinv, b2.reshape(1, D))

# --- scband reference (transcript-rebuilt; emitter-appended) ---
"""Pipeline reference for scband-gcnmodel-32384053411896 (READ-ONLY COPY).

The authoritative reference and input builder live on the scoring server;
editing this copy changes nothing except your own understanding.
"""

import jax, jax.numpy as jnp
import numpy as np

N_NODES = 10000
D_IN = 128
D_HID = 128
D_OUT = 128
N_EDGES = 320000


def setup_inputs(seed: int = 0) -> dict:
    key = jax.random.key(seed)
    k1, k2, k3, k4, k5, k6 = jax.random.split(key, 6)
    x = jax.random.normal(k1, (N_NODES, D_IN), dtype=jnp.float32)
    edge_index = jax.random.randint(k2, (2, N_EDGES), 0, N_NODES, dtype=jnp.int64)
    # Glorot-style init for linear weights, zeros for bias (GCNConv default)
    s1 = float(np.sqrt(6.0 / (D_IN + D_HID)))
    s2 = float(np.sqrt(6.0 / (D_HID + D_OUT)))
    W1 = jax.random.uniform(k3, (D_IN, D_HID), dtype=jnp.float32, minval=-s1, maxval=s1)
    b1 = jnp.zeros((D_HID,), dtype=jnp.float32)
    W2 = jax.random.uniform(k4, (D_HID, D_OUT), dtype=jnp.float32, minval=-s2, maxval=s2)
    b2 = jnp.zeros((D_OUT,), dtype=jnp.float32)
    return {"x": x, "edge_index": edge_index, "W1": W1, "b1": b1, "W2": W2, "b2": b2}


def _gcn_conv(x, edge_index, W, b):
    n = x.shape[0]
    src = edge_index[0]
    dst = edge_index[1]
    # add self-loops (GCNConv default)
    loop = jnp.arange(n, dtype=edge_index.dtype)
    src = jnp.concatenate([src, loop])
    dst = jnp.concatenate([dst, loop])
    xw = x @ W
    # symmetric normalization: deg^{-1/2}[src] * deg^{-1/2}[dst]
    ones = jnp.ones_like(dst, dtype=x.dtype)
    deg = jnp.zeros((n,), dtype=x.dtype).at[dst].add(ones)
    dinv = jnp.where(deg > 0, jax.lax.rsqrt(jnp.where(deg > 0, deg, 1.0)), 0.0)
    norm = dinv[src] * dinv[dst]
    msg = xw[src] * norm[:, None]
    out = jnp.zeros((n, W.shape[1]), dtype=x.dtype).at[dst].add(msg)
    return out + b


def reference(x, edge_index, W1, b1, W2, b2):
    h = _gcn_conv(x, edge_index, W1, b1)
    h = jax.nn.relu(h)
    out = _gcn_conv(h, edge_index, W2, b2)
    return out

if __name__ == "__main__":
    import jax
    _d = setup_inputs()
    print(jax.jit(kernel)(*tuple(_d.values())))

</pallas_src>

<mosaic_0001>
#map = affine_map<(d0, d1) -> (0, 0, 0)>
module attributes {stable_mosaic.version = 14 : i64} {
  func.func @deg_kernel(%arg0: i32, %arg1: i32, %arg2: memref<32x80x128xi32, #tpu.memory_space<hbm>>, %arg3: memref<2x10240x16xf32, #tpu.memory_space<hbm>>, %arg4: memref<80x128xi32, #tpu.memory_space<vmem>>, %arg5: memref<128x16xf32, #tpu.memory_space<vmem>>, %arg6: memref<128x16xf32, #tpu.memory_space<vmem>>, %arg7: memref<10240x16xf32, #tpu.memory_space<vmem_shared>>, %arg8: memref<!tpu.dma_semaphore, #tpu.memory_space<semaphore_mem>>, %arg9: memref<!tpu.dma_semaphore, #tpu.memory_space<semaphore_mem>>) attributes {dimension_semantics = [#tpu.dimension_semantics<core_parallel>, #tpu.dimension_semantics<subcore_parallel>], iteration_bounds = array<i64: 2, 16>, scalar_prefetch = 0 : i64, scratch_operands = 6 : i64, tpu.core_type = #tpu.core_type<sc_vector_subcore>, window_params = [{transform_indices = #map}, {transform_indices = #map}]} {
    %mul3A = arith.constant 16 : i32
    %mul3A_0 = arith.muli %arg0, %mul3A : i32
    %add3A = arith.addi %mul3A_0, %arg1 : i32
    "tpu.region"() ({
      %run_scoped3A = tpu.sem_alloc : memref<!tpu.dma_semaphore, #tpu.memory_space<semaphore_mem>>
      %dma_start3A = arith.constant 0 : i32
      %dma_start3A_21 = arith.constant 0 : i32
      %dma_start3A_22 = tpu.memref_slice %arg2[%add3A, %dma_start3A, %dma_start3A_21] : memref<32x80x128xi32, #tpu.memory_space<hbm>> -> memref<1x80x128xi32, #tpu.memory_space<hbm>>
      %dma_start3A_23 = tpu.memref_squeeze %dma_start3A_22 : memref<1x80x128xi32, #tpu.memory_space<hbm>> -> memref<80x128xi32, #tpu.memory_space<hbm>>
      %dma_start3A_24 = arith.constant 0 : i32
      %dma_start3A_25 = arith.constant 0 : i32
      %dma_start3A_26 = tpu.memref_slice %arg2[%add3A, %dma_start3A_24, %dma_start3A_25] : memref<32x80x128xi32, #tpu.memory_space<hbm>> -> memref<1x80x128xi32, #tpu.memory_space<hbm>>
      %dma_start3A_27 = tpu.memref_squeeze %dma_start3A_26 : memref<1x80x128xi32, #tpu.memory_space<hbm>> -> memref<80x128xi32, #tpu.memory_space<hbm>>
      tpu.enqueue_dma source(%dma_start3A_27 : memref<80x128xi32, #tpu.memory_space<hbm>>) target(%arg4 : memref<80x128xi32, #tpu.memory_space<vmem>>) target_semaphore(%run_scoped3A : memref<!tpu.dma_semaphore, #tpu.memory_space<semaphore_mem>>)
      %dma_wait3A = arith.constant 0 : i32
      %dma_wait3A_28 = arith.constant 0 : i32
      %dma_wait3A_29 = tpu.memref_slice %arg2[%add3A, %dma_wait3A, %dma_wait3A_28] : memref<32x80x128xi32, #tpu.memory_space<hbm>> -> memref<1x80x128xi32, #tpu.memory_space<hbm>>
      %dma_wait3A_30 = tpu.memref_squeeze %dma_wait3A_29 : memref<1x80x128xi32, #tpu.memory_space<hbm>> -> memref<80x128xi32, #tpu.memory_space<hbm>>
      %dma_wait3A_31 = arith.constant 0 : i32
      %dma_wait3A_32 = arith.constant 0 : i32
      %dma_wait3A_33 = tpu.memref_slice %arg2[%add3A, %dma_wait3A_31, %dma_wait3A_32] : memref<32x80x128xi32, #tpu.memory_space<hbm>> -> memref<1x80x128xi32, #tpu.memory_space<hbm>>
      %dma_wait3A_34 = tpu.memref_squeeze %dma_wait3A_33 : memref<1x80x128xi32, #tpu.memory_space<hbm>> -> memref<80x128xi32, #tpu.memory_space<hbm>>
      tpu.wait_dma2 semaphore(%run_scoped3A : memref<!tpu.dma_semaphore, #tpu.memory_space<semaphore_mem>>) src(%dma_wait3A_34 : memref<80x128xi32, #tpu.memory_space<hbm>>) dst(%arg4 : memref<80x128xi32, #tpu.memory_space<vmem>>)
      tpu.yield
    }) : () -> ()
    %scan3A = arith.constant 0 : i32
    %scan3A_1 = arith.constant 128 : i32
    %scan3A_2 = arith.addi %scan3A, %scan3A_1 : i32
    %scan3A_3 = arith.constant 1 : i32
    scf.for %scan3A_21 = %scan3A to %scan3A_2 step %scan3A_3  : i32 {
      %mul3A_22 = arith.constant 1 : i32
      %mul3A_23 = arith.muli %scan3A_21, %mul3A_22 : i32
      %add3A_24 = arith.constant 0 : i32
      %add3A_25 = arith.addi %add3A_24, %mul3A_23 : i32
      %broadcast_in_dim3A = arith.constant 1.000000e+00 : f32
      %broadcast_in_dim3A_26 = vector.broadcast %broadcast_in_dim3A : f32 to vector<16xf32>
      %swap3A = arith.index_cast %add3A_25 : i32 to index
      %swap3A_27 = arith.constant 0 : index
      %swap3A_28 = tpu.vector_load %arg5[%swap3A, %swap3A_27] {strides = array<i32>} : memref<128x16xf32, #tpu.memory_space<vmem>>, vector<1x16xf32>,
      %swap3A_29 = vector.shape_cast %swap3A_28 : vector<1x16xf32> to vector<16xf32>
      %swap3A_30 = vector.shape_cast %broadcast_in_dim3A_26 : vector<16xf32> to vector<1x16xf32>
      tpu.vector_store %arg5[%swap3A, %swap3A_27], %swap3A_30 {strides = array<i32>} : memref<128x16xf32, #tpu.memory_space<vmem>>, vector<1x16xf32>,
      %broadcast_in_dim3A_31 = arith.constant 0.000000e+00 : f32
      %broadcast_in_dim3A_32 = vector.broadcast %broadcast_in_dim3A_31 : f32 to vector<16xf32>
      %swap3A_33 = arith.index_cast %add3A_25 : i32 to index
      %swap3A_34 = arith.constant 0 : index
      %swap3A_35 = tpu.vector_load %arg6[%swap3A_33, %swap3A_34] {strides = array<i32>} : memref<128x16xf32, #tpu.memory_space<vmem>>, vector<1x16xf32>,
      %swap3A_36 = vector.shape_cast %swap3A_35 : vector<1x16xf32> to vector<16xf32>
      %swap3A_37 = vector.shape_cast %broadcast_in_dim3A_32 : vector<16xf32> to vector<1x16xf32>
      tpu.vector_store %arg6[%swap3A_33, %swap3A_34], %swap3A_37 {strides = array<i32>} : memref<128x16xf32, #tpu.memory_space<vmem>>, vector<1x16xf32>,
    }
    %scan3A_4 = arith.constant 128 : i32
    %scan3A_5 = arith.constant 0 : i32
    %scan3A_6 = arith.constant 5 : i32
    %scan3A_7 = arith.addi %scan3A_5, %scan3A_6 : i32
    %scan3A_8 = arith.constant 1 : i32
    scf.for %scan3A_21 = %scan3A_5 to %scan3A_7 step %scan3A_8  : i32 {
      %mul3A_22 = arith.constant 128 : i32
      %mul3A_23 = arith.muli %scan3A_21, %mul3A_22 : i32
      %add3A_24 = arith.constant 0 : i32
      %add3A_25 = arith.addi %add3A_24, %mul3A_23 : i32
      %mul3A_26 = arith.constant 640 : i32
      %mul3A_27 = arith.muli %arg1, %mul3A_26 : i32
      %add3A_28 = arith.addi %mul3A_27, %add3A_25 : i32
      "tpu.region"() ({
        %run_scoped3A = tpu.sem_alloc : memref<!tpu.dma_semaphore, #tpu.memory_space<semaphore_mem>>
        %dma_start3A = arith.constant 0 : i32
        %dma_start3A_29 = tpu.memref_slice %arg7[%add3A_28, %dma_start3A] : memref<10240x16xf32, #tpu.memory_space<vmem_shared>> -> memref<128x16xf32, #tpu.memory_space<vmem_shared>>
        %dma_start3A_30 = arith.constant 0 : i32
        %dma_start3A_31 = tpu.memref_slice %arg7[%add3A_28, %dma_start3A_30] : memref<10240x16xf32, #tpu.memory_space<vmem_shared>> -> memref<128x16xf32, #tpu.memory_space<vmem_shared>>
        tpu.enqueue_dma source(%arg6 : memref<128x16xf32, #tpu.memory_space<vmem>>) target(%dma_start3A_31 : memref<128x16xf32, #tpu.memory_space<vmem_shared>>) target_semaphore(%run_scoped3A : memref<!tpu.dma_semaphore, #tpu.memory_space<semaphore_mem>>)
        %dma_wait3A = arith.constant 0 : i32
        %dma_wait3A_32 = tpu.memref_slice %arg7[%add3A_28, %dma_wait3A] : memref<10240x16xf32, #tpu.memory_space<vmem_shared>> -> memref<128x16xf32, #tpu.memory_space<vmem_shared>>
        %dma_wait3A_33 = arith.constant 0 : i32
        %dma_wait3A_34 = tpu.memref_slice %arg7[%add3A_28, %dma_wait3A_33] : memref<10240x16xf32, #tpu.memory_space<vmem_shared>> -> memref<128x16xf32, #tpu.memory_space<vmem_shared>>
        tpu.wait_dma2 semaphore(%run_scoped3A : memref<!tpu.dma_semaphore, #tpu.memory_space<semaphore_mem>>) src(%arg6 : memref<128x16xf32, #tpu.memory_space<vmem>>) dst(%dma_wait3A_34 : memref<128x16xf32, #tpu.memory_space<vmem_shared>>)
        tpu.yield
      }) : () -> ()
    }
    %scan3A_9 = arith.constant 5 : i32
    %barrier3A = arith.constant 0 : index
    tpu.barrier barrier_id(%barrier3A)
    %scan3A_10 = arith.constant 0 : i32
    %scan3A_11 = arith.constant 40 : i32
    %scan3A_12 = arith.addi %scan3A_10, %scan3A_11 : i32
    %scan3A_13 = arith.constant 1 : i32
    scf.for %scan3A_21 = %scan3A_10 to %scan3A_12 step %scan3A_13  : i32 {
      %mul3A_22 = arith.constant 2 : i32
      %mul3A_23 = arith.muli %scan3A_21, %mul3A_22 : i32
      %add3A_24 = arith.constant 0 : i32
      %add3A_25 = arith.addi %add3A_24, %mul3A_23 : i32
      %dma_start3A = arith.constant 0 : i32
      %dma_start3A_26 = tpu.memref_slice %arg4[%add3A_25, %dma_start3A] : memref<80x128xi32, #tpu.memory_space<vmem>> -> memref<1x128xi32, #tpu.memory_space<vmem>>
      %dma_start3A_27 = tpu.memref_squeeze %dma_start3A_26 : memref<1x128xi32, #tpu.memory_space<vmem>> -> memref<128xi32, #tpu.memory_space<vmem>>
      %dma_start3A_28 = arith.constant 0 : i32
      %dma_start3A_29 = arith.constant 0 : i32
      %dma_start3A_30 = tpu.memref_slice %arg7[%dma_start3A_28, %dma_start3A_29] : memref<10240x16xf32, #tpu.memory_space<vmem_shared>> -> memref<10240x16xf32, #tpu.memory_space<vmem_shared>>
      tpu.enqueue_indirect_dma source(%arg5 : memref<128x16xf32, #tpu.memory_space<vmem>>) target(%dma_start3A_30 : memref<10240x16xf32, #tpu.memory_space<vmem_shared>>) offsets(%dma_start3A_27 : memref<128xi32, #tpu.memory_space<vmem>>) semaphore(%arg8 : memref<!tpu.dma_semaphore, #tpu.memory_space<semaphore_mem>>) {add = true}
      %add3A_31 = arith.constant 1 : i32
      %add3A_32 = arith.addi %add3A_25, %add3A_31 : i32
      %dma_start3A_33 = arith.constant 0 : i32
      %dma_start3A_34 = tpu.memref_slice %arg4[%add3A_32, %dma_start3A_33] : memref<80x128xi32, #tpu.memory_space<vmem>> -> memref<1x128xi32, #tpu.memory_space<vmem>>
      %dma_start3A_35 = tpu.memref_squeeze %dma_start3A_34 : memref<1x128xi32, #tpu.memory_space<vmem>> -> memref<128xi32, #tpu.memory_space<vmem>>
      %dma_start3A_36 = arith.constant 0 : i32
      %dma_start3A_37 = arith.constant 0 : i32
      %dma_start3A_38 = tpu.memref_slice %arg7[%dma_start3A_36, %dma_start3A_37] : memref<10240x16xf32, #tpu.memory_space<vmem_shared>> -> memref<10240x16xf32, #tpu.memory_space<vmem_shared>>
      tpu.enqueue_indirect_dma source(%arg5 : memref<128x16xf32, #tpu.memory_space<vmem>>) target(%dma_start3A_38 : memref<10240x16xf32, #tpu.memory_space<vmem_shared>>) offsets(%dma_start3A_35 : memref<128xi32, #tpu.memory_space<vmem>>) semaphore(%arg9 : memref<!tpu.dma_semaphore, #tpu.memory_space<semaphore_mem>>) {add = true}
      %dma_wait3A = arith.constant 0 : i32
      %dma_wait3A_39 = tpu.memref_slice %arg4[%add3A_25, %dma_wait3A] : memref<80x128xi32, #tpu.memory_space<vmem>> -> memref<1x128xi32, #tpu.memory_space<vmem>>
      %dma_wait3A_40 = tpu.memref_squeeze %dma_wait3A_39 : memref<1x128xi32, #tpu.memory_space<vmem>> -> memref<128xi32, #tpu.memory_space<vmem>>
      %dma_wait3A_41 = arith.constant 0 : i32
      %dma_wait3A_42 = arith.constant 0 : i32
      %dma_wait3A_43 = tpu.memref_slice %arg7[%dma_wait3A_41, %dma_wait3A_42] : memref<10240x16xf32, #tpu.memory_space<vmem_shared>> -> memref<10240x16xf32, #tpu.memory_space<vmem_shared>>
      tpu.wait_indirect_dma semaphore(%arg8 : memref<!tpu.dma_semaphore, #tpu.memory_space<semaphore_mem>>) src(%arg5 : memref<128x16xf32, #tpu.memory_space<vmem>>) dst(%dma_wait3A_43 : memref<10240x16xf32, #tpu.memory_space<vmem_shared>>)
      %add3A_44 = arith.constant 1 : i32
      %add3A_45 = arith.addi %add3A_25, %add3A_44 : i32
      %dma_wait3A_46 = arith.constant 0 : i32
      %dma_wait3A_47 = tpu.memref_slice %arg4[%add3A_45, %dma_wait3A_46] : memref<80x128xi32, #tpu.memory_space<vmem>> -> memref<1x128xi32, #tpu.memory_space<vmem>>
      %dma_wait3A_48 = tpu.memref_squeeze %dma_wait3A_47 : memref<1x128xi32, #tpu.memory_space<vmem>> -> memref<128xi32, #tpu.memory_space<vmem>>
      %dma_wait3A_49 = arith.constant 0 : i32
      %dma_wait3A_50 = arith.constant 0 : i32
      %dma_wait3A_51 = tpu.memref_slice %arg7[%dma_wait3A_49, %dma_wait3A_50] : memref<10240x16xf32, #tpu.memory_space<vmem_shared>> -> memref<10240x16xf32, #tpu.memory_space<vmem_shared>>
      tpu.wait_indirect_dma semaphore(%arg9 : memref<!tpu.dma_semaphore, #tpu.memory_space<semaphore_mem>>) src(%arg5 : memref<128x16xf32, #tpu.memory_space<vmem>>) dst(%dma_wait3A_51 : memref<10240x16xf32, #tpu.memory_space<vmem_shared>>)
    }
    %scan3A_14 = arith.constant 40 : i32
    %barrier3A_15 = arith.constant 0 : index
    tpu.barrier barrier_id(%barrier3A_15)
    %scan3A_16 = arith.constant 0 : i32
    %scan3A_17 = arith.constant 5 : i32
    %scan3A_18 = arith.addi %scan3A_16, %scan3A_17 : i32
    %scan3A_19 = arith.constant 1 : i32
    scf.for %scan3A_21 = %scan3A_16 to %scan3A_18 step %scan3A_19  : i32 {
      %mul3A_22 = arith.constant 128 : i32
      %mul3A_23 = arith.muli %scan3A_21, %mul3A_22 : i32
      %add3A_24 = arith.constant 0 : i32
      %add3A_25 = arith.addi %add3A_24, %mul3A_23 : i32
      %mul3A_26 = arith.constant 640 : i32
      %mul3A_27 = arith.muli %arg1, %mul3A_26 : i32
      %add3A_28 = arith.addi %mul3A_27, %add3A_25 : i32
      %mul3A_29 = arith.constant 640 : i32
      %mul3A_30 = arith.muli %arg1, %mul3A_29 : i32
      %add3A_31 = arith.addi %mul3A_30, %add3A_25 : i32
      "tpu.region"() ({
        %run_scoped3A = tpu.sem_alloc : memref<!tpu.dma_semaphore, #tpu.memory_space<semaphore_mem>>
        %dma_start3A = arith.constant 0 : i32
        %dma_start3A_32 = arith.constant 0 : i32
        %dma_start3A_33 = tpu.memref_slice %arg3[%arg0, %dma_start3A, %dma_start3A_32] : memref<2x10240x16xf32, #tpu.memory_space<hbm>> -> memref<1x10240x16xf32, #tpu.memory_space<hbm>>
        %dma_start3A_34 = tpu.memref_squeeze %dma_start3A_33 : memref<1x10240x16xf32, #tpu.memory_space<hbm>> -> memref<10240x16xf32, #tpu.memory_space<hbm>>
        %dma_start3A_35 = arith.constant 0 : i32
        %dma_start3A_36 = tpu.memref_slice %dma_start3A_34[%add3A_31, %dma_start3A_35] : memref<10240x16xf32, #tpu.memory_space<hbm>> -> memref<128x16xf32, #tpu.memory_space<hbm>>
        %dma_start3A_37 = arith.constant 0 : i32
        %dma_start3A_38 = tpu.memref_slice %arg7[%add3A_28, %dma_start3A_37] : memref<10240x16xf32, #tpu.memory_space<vmem_shared>> -> memref<128x16xf32, #tpu.memory_space<vmem_shared>>
        tpu.enqueue_dma source(%dma_start3A_38 : memref<128x16xf32, #tpu.memory_space<vmem_shared>>) target(%dma_start3A_36 : memref<128x16xf32, #tpu.memory_space<hbm>>) target_semaphore(%run_scoped3A : memref<!tpu.dma_semaphore, #tpu.memory_space<semaphore_mem>>)
        %dma_wait3A = arith.constant 0 : i32
        %dma_wait3A_39 = arith.constant 0 : i32
        %dma_wait3A_40 = tpu.memref_slice %arg3[%arg0, %dma_wait3A, %dma_wait3A_39] : memref<2x10240x16xf32, #tpu.memory_space<hbm>> -> memref<1x10240x16xf32, #tpu.memory_space<hbm>>
        %dma_wait3A_41 = tpu.memref_squeeze %dma_wait3A_40 : memref<1x10240x16xf32, #tpu.memory_space<hbm>> -> memref<10240x16xf32, #tpu.memory_space<hbm>>
        %dma_wait3A_42 = arith.constant 0 : i32
        %dma_wait3A_43 = tpu.memref_slice %dma_wait3A_41[%add3A_31, %dma_wait3A_42] : memref<10240x16xf32, #tpu.memory_space<hbm>> -> memref<128x16xf32, #tpu.memory_space<hbm>>
        %dma_wait3A_44 = arith.constant 0 : i32
        %dma_wait3A_45 = tpu.memref_slice %arg7[%add3A_28, %dma_wait3A_44] : memref<10240x16xf32, #tpu.memory_space<vmem_shared>> -> memref<128x16xf32, #tpu.memory_space<vmem_shared>>
        tpu.wait_dma2 semaphore(%run_scoped3A : memref<!tpu.dma_semaphore, #tpu.memory_space<semaphore_mem>>) src(%dma_wait3A_45 : memref<128x16xf32, #tpu.memory_space<vmem_shared>>) dst(%dma_wait3A_43 : memref<128x16xf32, #tpu.memory_space<hbm>>)
        tpu.yield
      }) : () -> ()
    }
    %scan3A_20 = arith.constant 5 : i32
    return
  }
}

#map = affine_map<(d0, d1) -> (0, 0, 0)>
module attributes {stable_mosaic.version = 14 : i64} {
  func.func @scat_kernel(%arg0: i32, %arg1: i32, %arg2: memref<2x10000x64xf32, #tpu.memory_space<hbm>>, %arg3: memref<16x160x128xi32, #tpu.memory_space<hbm>>, %arg4: memref<16x160x128xi32, #tpu.memory_space<hbm>>, %arg5: memref<2x10240x64xf32, #tpu.memory_space<hbm>>, %arg6: memref<160x128xi32, #tpu.memory_space<vmem>>, %arg7: memref<160x128xi32, #tpu.memory_space<vmem>>, %arg8: memref<128x64xf32, #tpu.memory_space<vmem>>, %arg9: memref<128x64xf32, #tpu.memory_space<vmem>>, %arg10: memref<128x64xf32, #tpu.memory_space<vmem>>, %arg11: memref<128x64xf32, #tpu.memory_space<vmem>>, %arg12: memref<128x64xf32, #tpu.memory_space<vmem>>, %arg13: memref<10240x64xf32, #tpu.memory_space<vmem_shared>>, %arg14: memref<!tpu.dma_semaphore, #tpu.memory_space<semaphore_mem>>, %arg15: memref<!tpu.dma_semaphore, #tpu.memory_space<semaphore_mem>>, %arg16: memref<!tpu.dma_semaphore, #tpu.memory_space<semaphore_mem>>, %arg17: memref<!tpu.dma_semaphore, #tpu.memory_space<semaphore_mem>>, %arg18: memref<!tpu.dma_semaphore, #tpu.memory_space<semaphore_mem>>, %arg19: memref<!tpu.dma_semaphore, #tpu.memory_space<semaphore_mem>>, %arg20: memref<!tpu.dma_semaphore, #tpu.memory_space<semaphore_mem>>, %arg21: memref<!tpu.dma_semaphore, #tpu.memory_space<semaphore_mem>>, %arg22: memref<!tpu.dma_semaphore, #tpu.memory_space<semaphore_mem>>, %arg23: memref<!tpu.dma_semaphore, #tpu.memory_space<semaphore_mem>>) attributes {dimension_semantics = [#tpu.dimension_semantics<core_parallel>, #tpu.dimension_semantics<subcore_parallel>], iteration_bounds = array<i64: 2, 16>, scalar_prefetch = 0 : i64, scratch_operands = 18 : i64, tpu.core_type = #tpu.core_type<sc_vector_subcore>, window_params = [{transform_indices = #map}, {transform_indices = #map}, {transform_indices = #map}, {transform_indices = #map}]} {
    %dma_start3A = arith.constant 0 : i32
    %dma_start3A_0 = arith.constant 0 : i32
    %dma_start3A_1 = tpu.memref_slice %arg3[%arg1, %dma_start3A, %dma_start3A_0] : memref<16x160x128xi32, #tpu.memory_space<hbm>> -> memref<1x160x128xi32, #tpu.memory_space<hbm>>
    %dma_start3A_2 = tpu.memref_squeeze %dma_start3A_1 : memref<1x160x128xi32, #tpu.memory_space<hbm>> -> memref<160x128xi32, #tpu.memory_space<hbm>>
    %dma_start3A_3 = arith.constant 0 : i32
    %dma_start3A_4 = arith.constant 0 : i32
    %dma_start3A_5 = tpu.memref_slice %arg3[%arg1, %dma_start3A_3, %dma_start3A_4] : memref<16x160x128xi32, #tpu.memory_space<hbm>> -> memref<1x160x128xi32, #tpu.memory_space<hbm>>
    %dma_start3A_6 = tpu.memref_squeeze %dma_start3A_5 : memref<1x160x128xi32, #tpu.memory_space<hbm>> -> memref<160x128xi32, #tpu.memory_space<hbm>>
    tpu.enqueue_dma source(%dma_start3A_6 : memref<160x128xi32, #tpu.memory_space<hbm>>) target(%arg6 : memref<160x128xi32, #tpu.memory_space<vmem>>) target_semaphore(%arg14 : memref<!tpu.dma_semaphore, #tpu.memory_space<semaphore_mem>>)
    %dma_start3A_7 = arith.constant 0 : i32
    %dma_start3A_8 = arith.constant 0 : i32
    %dma_start3A_9 = tpu.memref_slice %arg4[%arg1, %dma_start3A_7, %dma_start3A_8] : memref<16x160x128xi32, #tpu.memory_space<hbm>> -> memref<1x160x128xi32, #tpu.memory_space<hbm>>
    %dma_start3A_10 = tpu.memref_squeeze %dma_start3A_9 : memref<1x160x128xi32, #tpu.memory_space<hbm>> -> memref<160x128xi32, #tpu.memory_space<hbm>>
    %dma_start3A_11 = arith.constant 0 : i32
    %dma_start3A_12 = arith.constant 0 : i32
    %dma_start3A_13 = tpu.memref_slice %arg4[%arg1, %dma_start3A_11, %dma_start3A_12] : memref<16x160x128xi32, #tpu.memory_space<hbm>> -> memref<1x160x128xi32, #tpu.memory_space<hbm>>
    %dma_start3A_14 = tpu.memref_squeeze %dma_start3A_13 : memref<1x160x128xi32, #tpu.memory_space<hbm>> -> memref<160x128xi32, #tpu.memory_space<hbm>>
    tpu.enqueue_dma source(%dma_start3A_14 : memref<160x128xi32, #tpu.memory_space<hbm>>) target(%arg7 : memref<160x128xi32, #tpu.memory_space<vmem>>) target_semaphore(%arg15 : memref<!tpu.dma_semaphore, #tpu.memory_space<semaphore_mem>>)
    %scan3A = arith.constant 0 : i32
    %scan3A_15 = arith.constant 128 : i32
    %scan3A_16 = arith.addi %scan3A, %scan3A_15 : i32
    %scan3A_17 = arith.constant 1 : i32
    scf.for %scan3A_105 = %scan3A to %scan3A_16 step %scan3A_17  : i32 {
      %mul3A = arith.constant 1 : i32
      %mul3A_106 = arith.muli %scan3A_105, %mul3A : i32
      %add3A = arith.constant 0 : i32
      %add3A_107 = arith.addi %add3A, %mul3A_106 : i32
      %scan3A_108 = arith.constant 0 : i32
      %scan3A_109 = arith.constant 4 : i32
      %scan3A_110 = arith.addi %scan3A_108, %scan3A_109 : i32
      %scan3A_111 = arith.constant 1 : i32
      scf.for %scan3A_113 = %scan3A_108 to %scan3A_110 step %scan3A_111  : i32 {
        %mul3A_114 = arith.constant 16 : i32
        %mul3A_115 = arith.muli %scan3A_113, %mul3A_114 : i32
        %add3A_116 = arith.constant 0 : i32
        %add3A_117 = arith.addi %add3A_116, %mul3A_115 : i32
        %broadcast_in_dim3A = arith.constant 0.000000e+00 : f32
        %broadcast_in_dim3A_118 = vector.broadcast %broadcast_in_dim3A : f32 to vector<16xf32>
        %swap3A = arith.index_cast %add3A_107 : i32 to index
        %swap3A_119 = arith.index_cast %add3A_117 : i32 to index
        %swap3A_120 = tpu.vector_load %arg8[%swap3A, %swap3A_119] {strides = array<i32>} : memref<128x64xf32, #tpu.memory_space<vmem>>, vector<1x16xf32>,
        %swap3A_121 = vector.shape_cast %swap3A_120 : vector<1x16xf32> to vector<16xf32>
        %swap3A_122 = vector.shape_cast %broadcast_in_dim3A_118 : vector<16xf32> to vector<1x16xf32>
        tpu.vector_store %arg8[%swap3A, %swap3A_119], %swap3A_122 {strides = array<i32>} : memref<128x64xf32, #tpu.memory_space<vmem>>, vector<1x16xf32>,
      }
      %scan3A_112 = arith.constant 4 : i32
    }
    %scan3A_18 = arith.constant 128 : i32
    %scan3A_19 = arith.constant 0 : i32
    %scan3A_20 = arith.constant 5 : i32
    %scan3A_21 = arith.addi %scan3A_19, %scan3A_20 : i32
    %scan3A_22 = arith.constant 1 : i32
    scf.for %scan3A_105 = %scan3A_19 to %scan3A_21 step %scan3A_22  : i32 {
      %mul3A = arith.constant 128 : i32
      %mul3A_106 = arith.muli %scan3A_105, %mul3A : i32
      %add3A = arith.constant 0 : i32
      %add3A_107 = arith.addi %add3A, %mul3A_106 : i32
      %mul3A_108 = arith.constant 640 : i32
      %mul3A_109 = arith.muli %arg1, %mul3A_108 : i32
      %add3A_110 = arith.addi %mul3A_109, %add3A_107 : i32
      "tpu.region"() ({
        %run_scoped3A = tpu.sem_alloc : memref<!tpu.dma_semaphore, #tpu.memory_space<semaphore_mem>>
        %dma_start3A_111 = arith.constant 0 : i32
        %dma_start3A_112 = tpu.memref_slice %arg13[%add3A_110, %dma_start3A_111] : memref<10240x64xf32, #tpu.memory_space<vmem_shared>> -> memref<128x64xf32, #tpu.memory_space<vmem_shared>>
        %dma_start3A_113 = arith.constant 0 : i32
        %dma_start3A_114 = tpu.memref_slice %arg13[%add3A_110, %dma_start3A_113] : memref<10240x64xf32, #tpu.memory_space<vmem_shared>> -> memref<128x64xf32, #tpu.memory_space<vmem_shared>>
        tpu.enqueue_dma source(%arg8 : memref<128x64xf32, #tpu.memory_space<vmem>>) target(%dma_start3A_114 : memref<128x64xf32, #tpu.memory_space<vmem_shared>>) target_semaphore(%run_scoped3A : memref<!tpu.dma_semaphore, #tpu.memory_space<semaphore_mem>>)
        %dma_wait3A_115 = arith.constant 0 : i32
        %dma_wait3A_116 = tpu.memref_slice %arg13[%add3A_110, %dma_wait3A_115] : memref<10240x64xf32, #tpu.memory_space<vmem_shared>> -> memref<128x64xf32, #tpu.memory_space<vmem_shared>>
        %dma_wait3A_117 = arith.constant 0 : i32
        %dma_wait3A_118 = tpu.memref_slice %arg13[%add3A_110, %dma_wait3A_117] : memref<10240x64xf32, #tpu.memory_space<vmem_shared>> -> memref<128x64xf32, #tpu.memory_space<vmem_shared>>
        tpu.wait_dma2 semaphore(%run_scoped3A : memref<!tpu.dma_semaphore, #tpu.memory_space<semaphore_mem>>) src(%arg8 : memref<128x64xf32, #tpu.memory_space<vmem>>) dst(%dma_wait3A_118 : memref<128x64xf32, #tpu.memory_space<vmem_shared>>)
        tpu.yield
      }) : () -> ()
    }
    %scan3A_23 = arith.constant 5 : i32
    %dma_wait3A = arith.constant 0 : i32
    %dma_wait3A_24 = arith.constant 0 : i32
    %dma_wait3A_25 = tpu.memref_slice %arg3[%arg1, %dma_wait3A, %dma_wait3A_24] : memref<16x160x128xi32, #tpu.memory_space<hbm>> -> memref<1x160x128xi32, #tpu.memory_space<hbm>>
    %dma_wait3A_26 = tpu.memref_squeeze %dma_wait3A_25 : memref<1x160x128xi32, #tpu.memory_space<hbm>> -> memref<160x128xi32, #tpu.memory_space<hbm>>
    %dma_wait3A_27 = arith.constant 0 : i32
    %dma_wait3A_28 = arith.constant 0 : i32
    %dma_wait3A_29 = tpu.memref_slice %arg3[%arg1, %dma_wait3A_27, %dma_wait3A_28] : memref<16x160x128xi32, #tpu.memory_space<hbm>> -> memref<1x160x128xi32, #tpu.memory_space<hbm>>
    %dma_wait3A_30 = tpu.memref_squeeze %dma_wait3A_29 : memref<1x160x128xi32, #tpu.memory_space<hbm>> -> memref<160x128xi32, #tpu.memory_space<hbm>>
    tpu.wait_dma2 semaphore(%arg14 : memref<!tpu.dma_semaphore, #tpu.memory_space<semaphore_mem>>) src(%dma_wait3A_30 : memref<160x128xi32, #tpu.memory_space<hbm>>) dst(%arg6 : memref<160x128xi32, #tpu.memory_space<vmem>>)
    %dma_wait3A_31 = arith.constant 0 : i32
    %dma_wait3A_32 = arith.constant 0 : i32
    %dma_wait3A_33 = tpu.memref_slice %arg4[%arg1, %dma_wait3A_31, %dma_wait3A_32] : memref<16x160x128xi32, #tpu.memory_space<hbm>> -> memref<1x160x128xi32, #tpu.memory_space<hbm>>
    %dma_wait3A_34 = tpu.memref_squeeze %dma_wait3A_33 : memref<1x160x128xi32, #tpu.memory_space<hbm>> -> memref<160x128xi32, #tpu.memory_space<hbm>>
    %dma_wait3A_35 = arith.constant 0 : i32
    %dma_wait3A_36 = arith.constant 0 : i32
    %dma_wait3A_37 = tpu.memref_slice %arg4[%arg1, %dma_wait3A_35, %dma_wait3A_36] : memref<16x160x128xi32, #tpu.memory_space<hbm>> -> memref<1x160x128xi32, #tpu.memory_space<hbm>>
    %dma_wait3A_38 = tpu.memref_squeeze %dma_wait3A_37 : memref<1x160x128xi32, #tpu.memory_space<hbm>> -> memref<160x128xi32, #tpu.memory_space<hbm>>
    tpu.wait_dma2 semaphore(%arg15 : memref<!tpu.dma_semaphore, #tpu.memory_space<semaphore_mem>>) src(%dma_wait3A_38 : memref<160x128xi32, #tpu.memory_space<hbm>>) dst(%arg7 : memref<160x128xi32, #tpu.memory_space<vmem>>)
    %barrier3A = arith.constant 0 : index
    tpu.barrier barrier_id(%barrier3A)
    %dma_start3A_39 = arith.constant 0 : i32
    %dma_start3A_40 = arith.constant 0 : i32
    %dma_start3A_41 = tpu.memref_slice %arg6[%dma_start3A_39, %dma_start3A_40] : memref<160x128xi32, #tpu.memory_space<vmem>> -> memref<1x128xi32, #tpu.memory_space<vmem>>
    %dma_start3A_42 = tpu.memref_squeeze %dma_start3A_41 : memref<1x128xi32, #tpu.memory_space<vmem>> -> memref<128xi32, #tpu.memory_space<vmem>>
    %dma_start3A_43 = arith.constant 0 : i32
    %dma_start3A_44 = arith.constant 0 : i32
    %dma_start3A_45 = tpu.memref_slice %arg2[%arg0, %dma_start3A_43, %dma_start3A_44] : memref<2x10000x64xf32, #tpu.memory_space<hbm>> -> memref<1x10000x64xf32, #tpu.memory_space<hbm>>
    %dma_start3A_46 = tpu.memref_squeeze %dma_start3A_45 : memref<1x10000x64xf32, #tpu.memory_space<hbm>> -> memref<10000x64xf32, #tpu.memory_space<hbm>>
    %dma_start3A_47 = arith.constant 0 : i32
    %dma_start3A_48 = arith.constant 0 : i32
    %dma_start3A_49 = tpu.memref_slice %dma_start3A_46[%dma_start3A_47, %dma_start3A_48] : memref<10000x64xf32, #tpu.memory_space<hbm>> -> memref<10000x64xf32, #tpu.memory_space<hbm>>
    tpu.enqueue_indirect_dma source(%dma_start3A_49 : memref<10000x64xf32, #tpu.memory_space<hbm>>) target(%arg8 : memref<128x64xf32, #tpu.memory_space<vmem>>) offsets(%dma_start3A_42 : memref<128xi32, #tpu.memory_space<vmem>>) semaphore(%arg14 : memref<!tpu.dma_semaphore, #tpu.memory_space<semaphore_mem>>)
    %dma_start3A_50 = arith.constant 1 : i32
    %dma_start3A_51 = arith.constant 0 : i32
    %dma_start3A_52 = tpu.memref_slice %arg6[%dma_start3A_50, %dma_start3A_51] : memref<160x128xi32, #tpu.memory_space<vmem>> -> memref<1x128xi32, #tpu.memory_space<vmem>>
    %dma_start3A_53 = tpu.memref_squeeze %dma_start3A_52 : memref<1x128xi32, #tpu.memory_space<vmem>> -> memref<128xi32, #tpu.memory_space<vmem>>
    %dma_start3A_54 = arith.constant 0 : i32
    %dma_start3A_55 = arith.constant 0 : i32
    %dma_start3A_56 = tpu.memref_slice %arg2[%arg0, %dma_start3A_54, %dma_start3A_55] : memref<2x10000x64xf32, #tpu.memory_space<hbm>> -> memref<1x10000x64xf32, #tpu.memory_space<hbm>>
    %dma_start3A_57 = tpu.memref_squeeze %dma_start3A_56 : memref<1x10000x64xf32, #tpu.memory_space<hbm>> -> memref<10000x64xf32, #tpu.memory_space<hbm>>
    %dma_start3A_58 = arith.constant 0 : i32
    %dma_start3A_59 = arith.constant 0 : i32
    %dma_start3A_60 = tpu.memref_slice %dma_start3A_57[%dma_start3A_58, %dma_start3A_59] : memref<10000x64xf32, #tpu.memory_space<hbm>> -> memref<10000x64xf32, #tpu.memory_space<hbm>>
    tpu.enqueue_indirect_dma source(%dma_start3A_60 : memref<10000x64xf32, #tpu.memory_space<hbm>>) target(%arg9 : memref<128x64xf32, #tpu.memory_space<vmem>>) offsets(%dma_start3A_53 : memref<128xi32, #tpu.memory_space<vmem>>) semaphore(%arg15 : memref<!tpu.dma_semaphore, #tpu.memory_space<semaphore_mem>>)
    %dma_start3A_61 = arith.constant 2 : i32
    %dma_start3A_62 = arith.constant 0 : i32
    %dma_start3A_63 = tpu.memref_slice %arg6[%dma_start3A_61, %dma_start3A_62] : memref<160x128xi32, #tpu.memory_space<vmem>> -> memref<1x128xi32, #tpu.memory_space<vmem>>
    %dma_start3A_64 = tpu.memref_squeeze %dma_start3A_63 : memref<1x128xi32, #tpu.memory_space<vmem>> -> memref<128xi32, #tpu.memory_space<vmem>>
    %dma_start3A_65 = arith.constant 0 : i32
    %dma_start3A_66 = arith.constant 0 : i32
    %dma_start3A_67 = tpu.memref_slice %arg2[%arg0, %dma_start3A_65, %dma_start3A_66] : memref<2x10000x64xf32, #tpu.memory_space<hbm>> -> memref<1x10000x64xf32, #tpu.memory_space<hbm>>
    %dma_start3A_68 = tpu.memref_squeeze %dma_start3A_67 : memref<1x10000x64xf32, #tpu.memory_space<hbm>> -> memref<10000x64xf32, #tpu.memory_space<hbm>>
    %dma_start3A_69 = arith.constant 0 : i32
    %dma_start3A_70 = arith.constant 0 : i32
    %dma_start3A_71 = tpu.memref_slice %dma_start3A_68[%dma_start3A_69, %dma_start3A_70] : memref<10000x64xf32, #tpu.memory_space<hbm>> -> memref<10000x64xf32, #tpu.memory_space<hbm>>
    tpu.enqueue_indirect_dma source(%dma_start3A_71 : memref<10000x64xf32, #tpu.memory_space<hbm>>) target(%arg10 : memref<128x64xf32, #tpu.memory_space<vmem>>) offsets(%dma_start3A_64 : memref<128xi32, #tpu.memory_space<vmem>>) semaphore(%arg16 : memref<!tpu.dma_semaphore, #tpu.memory_space<semaphore_mem>>)
    %dma_start3A_72 = arith.constant 3 : i32
    %dma_start3A_73 = arith.constant 0 : i32
    %dma_start3A_74 = tpu.memref_slice %arg6[%dma_start3A_72, %dma_start3A_73] : memref<160x128xi32, #tpu.memory_space<vmem>> -> memref<1x128xi32, #tpu.memory_space<vmem>>
    %dma_start3A_75 = tpu.memref_squeeze %dma_start3A_74 : memref<1x128xi32, #tpu.memory_space<vmem>> -> memref<128xi32, #tpu.memory_space<vmem>>
    %dma_start3A_76 = arith.constant 0 : i32
    %dma_start3A_77 = arith.constant 0 : i32
    %dma_start3A_78 = tpu.memref_slice %arg2[%arg0, %dma_start3A_76, %dma_start3A_77] : memref<2x10000x64xf32, #tpu.memory_space<hbm>> -> memref<1x10000x64xf32, #tpu.memory_space<hbm>>
    %dma_start3A_79 = tpu.memref_squeeze %dma_start3A_78 : memref<1x10000x64xf32, #tpu.memory_space<hbm>> -> memref<10000x64xf32, #tpu.memory_space<hbm>>
    %dma_start3A_80 = arith.constant 0 : i32
    %dma_start3A_81 = arith.constant 0 : i32
    %dma_start3A_82 = tpu.memref_slice %dma_start3A_79[%dma_start3A_80, %dma_start3A_81] : memref<10000x64xf32, #tpu.memory_space<hbm>> -> memref<10000x64xf32, #tpu.memory_space<hbm>>
    tpu.enqueue_indirect_dma source(%dma_start3A_82 : memref<10000x64xf32, #tpu.memory_space<hbm>>) target(%arg11 : memref<128x64xf32, #tpu.memory_space<vmem>>) offsets(%dma_start3A_75 : memref<128xi32, #tpu.memory_space<vmem>>) semaphore(%arg17 : memref<!tpu.dma_semaphore, #tpu.memory_space<semaphore_mem>>)
    %dma_start3A_83 = arith.constant 4 : i32
    %dma_start3A_84 = arith.constant 0 : i32
    %dma_start3A_85 = tpu.memref_slice %arg6[%dma_start3A_83, %dma_start3A_84] : memref<160x128xi32, #tpu.memory_space<vmem>> -> memref<1x128xi32, #tpu.memory_space<vmem>>
    %dma_start3A_86 = tpu.memref_squeeze %dma_start3A_85 : memref<1x128xi32, #tpu.memory_space<vmem>> -> memref<128xi32, #tpu.memory_space<vmem>>
    %dma_start3A_87 = arith.constant 0 : i32
    %dma_start3A_88 = arith.constant 0 : i32
    %dma_start3A_89 = tpu.memref_slice %arg2[%arg0, %dma_start3A_87, %dma_start3A_88] : memref<2x10000x64xf32, #tpu.memory_space<hbm>> -> memref<1x10000x64xf32, #tpu.memory_space<hbm>>
    %dma_start3A_90 = tpu.memref_squeeze %dma_start3A_89 : memref<1x10000x64xf32, #tpu.memory_space<hbm>> -> memref<10000x64xf32, #tpu.memory_space<hbm>>
    %dma_start3A_91 = arith.constant 0 : i32
    %dma_start3A_92 = arith.constant 0 : i32
    %dma_start3A_93 = tpu.memref_slice %dma_start3A_90[%dma_start3A_91, %dma_start3A_92] : memref<10000x64xf32, #tpu.memory_space<hbm>> -> memref<10000x64xf32, #tpu.memory_space<hbm>>
    tpu.enqueue_indirect_dma source(%dma_start3A_93 : memref<10000x64xf32, #tpu.memory_space<hbm>>) target(%arg12 : memref<128x64xf32, #tpu.memory_space<vmem>>) offsets(%dma_start3A_86 : memref<128xi32, #tpu.memory_space<vmem>>) semaphore(%arg18 : memref<!tpu.dma_semaphore, #tpu.memory_space<semaphore_mem>>)
    %scan3A_94 = arith.constant 0 : i32
    %scan3A_95 = arith.constant 32 : i32
    %scan3A_96 = arith.addi %scan3A_94, %scan3A_95 : i32
    %scan3A_97 = arith.constant 1 : i32
    scf.for %scan3A_105 = %scan3A_94 to %scan3A_96 step %scan3A_97  : i32 {
      %mul3A = arith.constant 5 : i32
      %mul3A_106 = arith.muli %scan3A_105, %mul3A : i32
      %add3A = arith.constant 0 : i32
      %add3A_107 = arith.addi %add3A, %mul3A_106 : i32
      %add3A_108 = arith.constant 0 : i32
      %add3A_109 = arith.addi %add3A_107, %add3A_108 : i32
      %dma_wait3A_110 = arith.constant 0 : i32
      %dma_wait3A_111 = tpu.memref_slice %arg6[%add3A_109, %dma_wait3A_110] : memref<160x128xi32, #tpu.memory_space<vmem>> -> memref<1x128xi32, #tpu.memory_space<vmem>>
      %dma_wait3A_112 = tpu.memref_squeeze %dma_wait3A_111 : memref<1x128xi32, #tpu.memory_space<vmem>> -> memref<128xi32, #tpu.memory_space<vmem>>
      %dma_wait3A_113 = arith.constant 0 : i32
      %dma_wait3A_114 = arith.constant 0 : i32
      %dma_wait3A_115 = tpu.memref_slice %arg2[%arg0, %dma_wait3A_113, %dma_wait3A_114] : memref<2x10000x64xf32, #tpu.memory_space<hbm>> -> memref<1x10000x64xf32, #tpu.memory_space<hbm>>
      %dma_wait3A_116 = tpu.memref_squeeze %dma_wait3A_115 : memref<1x10000x64xf32, #tpu.memory_space<hbm>> -> memref<10000x64xf32, #tpu.memory_space<hbm>>
      %dma_wait3A_117 = arith.constant 0 : i32
      %dma_wait3A_118 = arith.constant 0 : i32
      %dma_wait3A_119 = tpu.memref_slice %dma_wait3A_116[%dma_wait3A_117, %dma_wait3A_118] : memref<10000x64xf32, #tpu.memory_space<hbm>> -> memref<10000x64xf32, #tpu.memory_space<hbm>>
      tpu.wait_indirect_dma semaphore(%arg14 : memref<!tpu.dma_semaphore, #tpu.memory_space<semaphore_mem>>) src(%dma_wait3A_119 : memref<10000x64xf32, #tpu.memory_space<hbm>>) dst(%arg8 : memref<128x64xf32, #tpu.memory_space<vmem>>)
      %add3A_120 = arith.constant 0 : i32
      %add3A_121 = arith.addi %add3A_107, %add3A_120 : i32
      %dma_start3A_122 = arith.constant 0 : i32
      %dma_start3A_123 = tpu.memref_slice %arg7[%add3A_121, %dma_start3A_122] : memref<160x128xi32, #tpu.memory_space<vmem>> -> memref<1x128xi32, #tpu.memory_space<vmem>>
      %dma_start3A_124 = tpu.memref_squeeze %dma_start3A_123 : memref<1x128xi32, #tpu.memory_space<vmem>> -> memref<128xi32, #tpu.memory_space<vmem>>
      %dma_start3A_125 = arith.constant 0 : i32
      %dma_start3A_126 = arith.constant 0 : i32
      %dma_start3A_127 = tpu.memref_slice %arg13[%dma_start3A_125, %dma_start3A_126] : memref<10240x64xf32, #tpu.memory_space<vmem_shared>> -> memref<10240x64xf32, #tpu.memory_space<vmem_shared>>
      tpu.enqueue_indirect_dma source(%arg8 : memref<128x64xf32, #tpu.memory_space<vmem>>) target(%dma_start3A_127 : memref<10240x64xf32, #tpu.memory_space<vmem_shared>>) offsets(%dma_start3A_124 : memref<128xi32, #tpu.memory_space<vmem>>) semaphore(%arg19 : memref<!tpu.dma_semaphore, #tpu.memory_space<semaphore_mem>>) {add = true}
      %add3A_128 = arith.constant 1 : i32
      %add3A_129 = arith.addi %add3A_107, %add3A_128 : i32
      %dma_wait3A_130 = arith.constant 0 : i32
      %dma_wait3A_131 = tpu.memref_slice %arg6[%add3A_129, %dma_wait3A_130] : memref<160x128xi32, #tpu.memory_space<vmem>> -> memref<1x128xi32, #tpu.memory_space<vmem>>
      %dma_wait3A_132 = tpu.memref_squeeze %dma_wait3A_131 : memref<1x128xi32, #tpu.memory_space<vmem>> -> memref<128xi32, #tpu.memory_space<vmem>>
      %dma_wait3A_133 = arith.constant 0 : i32
      %dma_wait3A_134 = arith.constant 0 : i32
      %dma_wait3A_135 = tpu.memref_slice %arg2[%arg0, %dma_wait3A_133, %dma_wait3A_134] : memref<2x10000x64xf32, #tpu.memory_space<hbm>> -> memref<1x10000x64xf32, #tpu.memory_space<hbm>>
      %dma_wait3A_136 = tpu.memref_squeeze %dma_wait3A_135 : memref<1x10000x64xf32, #tpu.memory_space<hbm>> -> memref<10000x64xf32, #tpu.memory_space<hbm>>
      %dma_wait3A_137 = arith.constant 0 : i32
      %dma_wait3A_138 = arith.constant 0 : i32
      %dma_wait3A_139 = tpu.memref_slice %dma_wait3A_136[%dma_wait3A_137, %dma_wait3A_138] : memref<10000x64xf32, #tpu.memory_space<hbm>> -> memref<10000x64xf32, #tpu.memory_space<hbm>>
      tpu.wait_indirect_dma semaphore(%arg15 : memref<!tpu.dma_semaphore, #tpu.memory_space<semaphore_mem>>) src(%dma_wait3A_139 : memref<10000x64xf32, #tpu.memory_space<hbm>>) dst(%arg9 : memref<128x64xf32, #tpu.memory_space<vmem>>)
      %add3A_140 = arith.constant 1 : i32
      %add3A_141 = arith.addi %add3A_107, %add3A_140 : i32
      %dma_start3A_142 = arith.constant 0 : i32
      %dma_start3A_143 = tpu.memref_slice %arg7[%add3A_141, %dma_start3A_142] : memref<160x128xi32, #tpu.memory_space<vmem>> -> memref<1x128xi32, #tpu.memory_space<vmem>>
      %dma_start3A_144 = tpu.memref_squeeze %dma_start3A_143 : memref<1x128xi32, #tpu.memory_space<vmem>> -> memref<128xi32, #tpu.memory_space<vmem>>
      %dma_start3A_145 = arith.constant 0 : i32
      %dma_start3A_146 = arith.constant 0 : i32
      %dma_start3A_147 = tpu.memref_slice %arg13[%dma_start3A_145, %dma_start3A_146] : memref<10240x64xf32, #tpu.memory_space<vmem_shared>> -> memref<10240x64xf32, #tpu.memory_space<vmem_shared>>
      tpu.enqueue_indirect_dma source(%arg9 : memref<128x64xf32, #tpu.memory_space<vmem>>) target(%dma_start3A_147 : memref<10240x64xf32, #tpu.memory_space<vmem_shared>>) offsets(%dma_start3A_144 : memref<128xi32, #tpu.memory_space<vmem>>) semaphore(%arg20 : memref<!tpu.dma_semaphore, #tpu.memory_space<semaphore_mem>>) {add = true}
      %add3A_148 = arith.constant 2 : i32
      %add3A_149 = arith.addi %add3A_107, %add3A_148 : i32
      %dma_wait3A_150 = arith.constant 0 : i32
      %dma_wait3A_151 = tpu.memref_slice %arg6[%add3A_149, %dma_wait3A_150] : memref<160x128xi32, #tpu.memory_space<vmem>> -> memref<1x128xi32, #tpu.memory_space<vmem>>
      %dma_wait3A_152 = tpu.memref_squeeze %dma_wait3A_151 : memref<1x128xi32, #tpu.memory_space<vmem>> -> memref<128xi32, #tpu.memory_space<vmem>>
      %dma_wait3A_153 = arith.constant 0 : i32
      %dma_wait3A_154 = arith.constant 0 : i32
      %dma_wait3A_155 = tpu.memref_slice %arg2[%arg0, %dma_wait3A_153, %dma_wait3A_154] : memref<2x10000x64xf32, #tpu.memory_space<hbm>> -> memref<1x10000x64xf32, #tpu.memory_space<hbm>>
      %dma_wait3A_156 = tpu.memref_squeeze %dma_wait3A_155 : memref<1x10000x64xf32, #tpu.memory_space<hbm>> -> memref<10000x64xf32, #tpu.memory_space<hbm>>
      %dma_wait3A_157 = arith.constant 0 : i32
      %dma_wait3A_158 = arith.constant 0 : i32
      %dma_wait3A_159 = tpu.memref_slice %dma_wait3A_156[%dma_wait3A_157, %dma_wait3A_158] : memref<10000x64xf32, #tpu.memory_space<hbm>> -> memref<10000x64xf32, #tpu.memory_space<hbm>>
      tpu.wait_indirect_dma semaphore(%arg16 : memref<!tpu.dma_semaphore, #tpu.memory_space<semaphore_mem>>) src(%dma_wait3A_159 : memref<10000x64xf32, #tpu.memory_space<hbm>>) dst(%arg10 : memref<128x64xf32, #tpu.memory_space<vmem>>)
      %add3A_160 = arith.constant 2 : i32
      %add3A_161 = arith.addi %add3A_107, %add3A_160 : i32
      %dma_start3A_162 = arith.constant 0 : i32
      %dma_start3A_163 = tpu.memref_slice %arg7[%add3A_161, %dma_start3A_162] : memref<160x128xi32, #tpu.memory_space<vmem>> -> memref<1x128xi32, #tpu.memory_space<vmem>>
      %dma_start3A_164 = tpu.memref_squeeze %dma_start3A_163 : memref<1x128xi32, #tpu.memory_space<vmem>> -> memref<128xi32, #tpu.memory_space<vmem>>
      %dma_start3A_165 = arith.constant 0 : i32
      %dma_start3A_166 = arith.constant 0 : i32
      %dma_start3A_167 = tpu.memref_slice %arg13[%dma_start3A_165, %dma_start3A_166] : memref<10240x64xf32, #tpu.memory_space<vmem_shared>> -> memref<10240x64xf32, #tpu.memory_space<vmem_shared>>
      tpu.enqueue_indirect_dma source(%arg10 : memref<128x64xf32, #tpu.memory_space<vmem>>) target(%dma_start3A_167 : memref<10240x64xf32, #tpu.memory_space<vmem_shared>>) offsets(%dma_start3A_164 : memref<128xi32, #tpu.memory_space<vmem>>) semaphore(%arg21 : memref<!tpu.dma_semaphore, #tpu.memory_space<semaphore_mem>>) {add = true}
      %add3A_168 = arith.constant 3 : i32
      %add3A_169 = arith.addi %add3A_107, %add3A_168 : i32
      %dma_wait3A_170 = arith.constant 0 : i32
      %dma_wait3A_171 = tpu.memref_slice %arg6[%add3A_169, %dma_wait3A_170] : memref<160x128xi32, #tpu.memory_space<vmem>> -> memref<1x128xi32, #tpu.memory_space<vmem>>
      %dma_wait3A_172 = tpu.memref_squeeze %dma_wait3A_171 : memref<1x128xi32, #tpu.memory_space<vmem>> -> memref<128xi32, #tpu.memory_space<vmem>>
      %dma_wait3A_173 = arith.constant 0 : i32
      %dma_wait3A_174 = arith.constant 0 : i32
      %dma_wait3A_175 = tpu.memref_slice %arg2[%arg0, %dma_wait3A_173, %dma_wait3A_174] : memref<2x10000x64xf32, #tpu.memory_space<hbm>> -> memref<1x10000x64xf32, #tpu.memory_space<hbm>>
      %dma_wait3A_176 = tpu.memref_squeeze %dma_wait3A_175 : memref<1x10000x64xf32, #tpu.memory_space<hbm>> -> memref<10000x64xf32, #tpu.memory_space<hbm>>
      %dma_wait3A_177 = arith.constant 0 : i32
      %dma_wait3A_178 = arith.constant 0 : i32
      %dma_wait3A_179 = tpu.memref_slice %dma_wait3A_176[%dma_wait3A_177, %dma_wait3A_178] : memref<10000x64xf32, #tpu.memory_space<hbm>> -> memref<10000x64xf32, #tpu.memory_space<hbm>>
      tpu.wait_indirect_dma semaphore(%arg17 : memref<!tpu.dma_semaphore, #tpu.memory_space<semaphore_mem>>) src(%dma_wait3A_179 : memref<10000x64xf32, #tpu.memory_space<hbm>>) dst(%arg11 : memref<128x64xf32, #tpu.memory_space<vmem>>)
      %add3A_180 = arith.constant 3 : i32
      %add3A_181 = arith.addi %add3A_107, %add3A_180 : i32
      %dma_start3A_182 = arith.constant 0 : i32
      %dma_start3A_183 = tpu.memref_slice %arg7[%add3A_181, %dma_start3A_182] : memref<160x128xi32, #tpu.memory_space<vmem>> -> memref<1x128xi32, #tpu.memory_space<vmem>>
      %dma_start3A_184 = tpu.memref_squeeze %dma_start3A_183 : memref<1x128xi32, #tpu.memory_space<vmem>> -> memref<128xi32, #tpu.memory_space<vmem>>
      %dma_start3A_185 = arith.constant 0 : i32
      %dma_start3A_186 = arith.constant 0 : i32
      %dma_start3A_187 = tpu.memref_slice %arg13[%dma_start3A_185, %dma_start3A_186] : memref<10240x64xf32, #tpu.memory_space<vmem_shared>> -> memref<10240x64xf32, #tpu.memory_space<vmem_shared>>
      tpu.enqueue_indirect_dma source(%arg11 : memref<128x64xf32, #tpu.memory_space<vmem>>) target(%dma_start3A_187 : memref<10240x64xf32, #tpu.memory_space<vmem_shared>>) offsets(%dma_start3A_184 : memref<128xi32, #tpu.memory_space<vmem>>) semaphore(%arg22 : memref<!tpu.dma_semaphore, #tpu.memory_space<semaphore_mem>>) {add = true}
      %add3A_188 = arith.constant 4 : i32
      %add3A_189 = arith.addi %add3A_107, %add3A_188 : i32
      %dma_wait3A_190 = arith.constant 0 : i32
      %dma_wait3A_191 = tpu.memref_slice %arg6[%add3A_189, %dma_wait3A_190] : memref<160x128xi32, #tpu.memory_space<vmem>> -> memref<1x128xi32, #tpu.memory_space<vmem>>
      %dma_wait3A_192 = tpu.memref_squeeze %dma_wait3A_191 : memref<1x128xi32, #tpu.memory_space<vmem>> -> memref<128xi32, #tpu.memory_space<vmem>>
      %dma_wait3A_193 = arith.constant 0 : i32
      %dma_wait3A_194 = arith.constant 0 : i32
      %dma_wait3A_195 = tpu.memref_slice %arg2[%arg0, %dma_wait3A_193, %dma_wait3A_194] : memref<2x10000x64xf32, #tpu.memory_space<hbm>> -> memref<1x10000x64xf32, #tpu.memory_space<hbm>>
      %dma_wait3A_196 = tpu.memref_squeeze %dma_wait3A_195 : memref<1x10000x64xf32, #tpu.memory_space<hbm>> -> memref<10000x64xf32, #tpu.memory_space<hbm>>
      %dma_wait3A_197 = arith.constant 0 : i32
      %dma_wait3A_198 = arith.constant 0 : i32
      %dma_wait3A_199 = tpu.memref_slice %dma_wait3A_196[%dma_wait3A_197, %dma_wait3A_198] : memref<10000x64xf32, #tpu.memory_space<hbm>> -> memref<10000x64xf32, #tpu.memory_space<hbm>>
      tpu.wait_indirect_dma semaphore(%arg18 : memref<!tpu.dma_semaphore, #tpu.memory_space<semaphore_mem>>) src(%dma_wait3A_199 : memref<10000x64xf32, #tpu.memory_space<hbm>>) dst(%arg12 : memref<128x64xf32, #tpu.memory_space<vmem>>)
      %add3A_200 = arith.constant 4 : i32
      %add3A_201 = arith.addi %add3A_107, %add3A_200 : i32
      %dma_start3A_202 = arith.constant 0 : i32
      %dma_start3A_203 = tpu.memref_slice %arg7[%add3A_201, %dma_start3A_202] : memref<160x128xi32, #tpu.memory_space<vmem>> -> memref<1x128xi32, #tpu.memory_space<vmem>>
      %dma_start3A_204 = tpu.memref_squeeze %dma_start3A_203 : memref<1x128xi32, #tpu.memory_space<vmem>> -> memref<128xi32, #tpu.memory_space<vmem>>
      %dma_start3A_205 = arith.constant 0 : i32
      %dma_start3A_206 = arith.constant 0 : i32
      %dma_start3A_207 = tpu.memref_slice %arg13[%dma_start3A_205, %dma_start3A_206] : memref<10240x64xf32, #tpu.memory_space<vmem_shared>> -> memref<10240x64xf32, #tpu.memory_space<vmem_shared>>
      tpu.enqueue_indirect_dma source(%arg12 : memref<128x64xf32, #tpu.memory_space<vmem>>) target(%dma_start3A_207 : memref<10240x64xf32, #tpu.memory_space<vmem_shared>>) offsets(%dma_start3A_204 : memref<128xi32, #tpu.memory_space<vmem>>) semaphore(%arg23 : memref<!tpu.dma_semaphore, #tpu.memory_space<semaphore_mem>>) {add = true}
      %add3A_208 = arith.constant 0 : i32
      %add3A_209 = arith.addi %add3A_107, %add3A_208 : i32
      %dma_wait3A_210 = arith.constant 0 : i32
      %dma_wait3A_211 = tpu.memref_slice %arg7[%add3A_209, %dma_wait3A_210] : memref<160x128xi32, #tpu.memory_space<vmem>> -> memref<1x128xi32, #tpu.memory_space<vmem>>
      %dma_wait3A_212 = tpu.memref_squeeze %dma_wait3A_211 : memref<1x128xi32, #tpu.memory_space<vmem>> -> memref<128xi32, #tpu.memory_space<vmem>>
      %dma_wait3A_213 = arith.constant 0 : i32
      %dma_wait3A_214 = arith.constant 0 : i32
      %dma_wait3A_215 = tpu.memref_slice %arg13[%dma_wait3A_213, %dma_wait3A_214] : memref<10240x64xf32, #tpu.memory_space<vmem_shared>> -> memref<10240x64xf32, #tpu.memory_space<vmem_shared>>
      tpu.wait_indirect_dma semaphore(%arg19 : memref<!tpu.dma_semaphore, #tpu.memory_space<semaphore_mem>>) src(%arg8 : memref<128x64xf32, #tpu.memory_space<vmem>>) dst(%dma_wait3A_215 : memref<10240x64xf32, #tpu.memory_space<vmem_shared>>)
      %add3A_216 = arith.constant 5 : i32
      %add3A_217 = arith.addi %add3A_107, %add3A_216 : i32
      %add3A_218 = arith.constant 0 : i32
      %add3A_219 = arith.addi %add3A_217, %add3A_218 : i32
      %lt3A = arith.constant 160 : i32
      %lt3A_220 = arith.cmpi slt, %add3A_219, %lt3A : i32
      %convert_element_type3A = arith.extui %lt3A_220 : i1 to i32
      %cond3A = arith.constant 0 : i32
      %cond3A_221 = arith.cmpi ne, %convert_element_type3A, %cond3A : i32
      scf.if %cond3A_221 {
        %add3A_290 = arith.constant 5 : i32
        %add3A_291 = arith.addi %add3A_107, %add3A_290 : i32
        %add3A_292 = arith.constant 0 : i32
        %add3A_293 = arith.addi %add3A_291, %add3A_292 : i32
        %dma_start3A_294 = arith.constant 0 : i32
        %dma_start3A_295 = tpu.memref_slice %arg6[%add3A_293, %dma_start3A_294] : memref<160x128xi32, #tpu.memory_space<vmem>> -> memref<1x128xi32, #tpu.memory_space<vmem>>
        %dma_start3A_296 = tpu.memref_squeeze %dma_start3A_295 : memref<1x128xi32, #tpu.memory_space<vmem>> -> memref<128xi32, #tpu.memory_space<vmem>>
        %dma_start3A_297 = arith.constant 0 : i32
        %dma_start3A_298 = arith.constant 0 : i32
        %dma_start3A_299 = tpu.memref_slice %arg2[%arg0, %dma_start3A_297, %dma_start3A_298] : memref<2x10000x64xf32, #tpu.memory_space<hbm>> -> memref<1x10000x64xf32, #tpu.memory_space<hbm>>
        %dma_start3A_300 = tpu.memref_squeeze %dma_start3A_299 : memref<1x10000x64xf32, #tpu.memory_space<hbm>> -> memref<10000x64xf32, #tpu.memory_space<hbm>>
        %dma_start3A_301 = arith.constant 0 : i32
        %dma_start3A_302 = arith.constant 0 : i32
        %dma_start3A_303 = tpu.memref_slice %dma_start3A_300[%dma_start3A_301, %dma_start3A_302] : memref<10000x64xf32, #tpu.memory_space<hbm>> -> memref<10000x64xf32, #tpu.memory_space<hbm>>
        tpu.enqueue_indirect_dma source(%dma_start3A_303 : memref<10000x64xf32, #tpu.memory_space<hbm>>) target(%arg8 : memref<128x64xf32, #tpu.memory_space<vmem>>) offsets(%dma_start3A_296 : memref<128xi32, #tpu.memory_space<vmem>>) semaphore(%arg14 : memref<!tpu.dma_semaphore, #tpu.memory_space<semaphore_mem>>)
      } else {
      }
      %add3A_222 = arith.constant 1 : i32
      %add3A_223 = arith.addi %add3A_107, %add3A_222 : i32
      %dma_wait3A_224 = arith.constant 0 : i32
      %dma_wait3A_225 = tpu.memref_slice %arg7[%add3A_223, %dma_wait3A_224] : memref<160x128xi32, #tpu.memory_space<vmem>> -> memref<1x128xi32, #tpu.memory_space<vmem>>
      %dma_wait3A_226 = tpu.memref_squeeze %dma_wait3A_225 : memref<1x128xi32, #tpu.memory_space<vmem>> -> memref<128xi32, #tpu.memory_space<vmem>>
      %dma_wait3A_227 = arith.constant 0 : i32
      %dma_wait3A_228 = arith.constant 0 : i32
      %dma_wait3A_229 = tpu.memref_slice %arg13[%dma_wait3A_227, %dma_wait3A_228] : memref<10240x64xf32, #tpu.memory_space<vmem_shared>> -> memref<10240x64xf32, #tpu.memory_space<vmem_shared>>
      tpu.wait_indirect_dma semaphore(%arg20 : memref<!tpu.dma_semaphore, #tpu.memory_space<semaphore_mem>>) src(%arg9 : memref<128x64xf32, #tpu.memory_space<vmem>>) dst(%dma_wait3A_229 : memref<10240x64xf32, #tpu.memory_space<vmem_shared>>)
      %add3A_230 = arith.constant 5 : i32
      %add3A_231 = arith.addi %add3A_107, %add3A_230 : i32
      %add3A_232 = arith.constant 1 : i32
      %add3A_233 = arith.addi %add3A_231, %add3A_232 : i32
      %lt3A_234 = arith.constant 160 : i32
      %lt3A_235 = arith.cmpi slt, %add3A_233, %lt3A_234 : i32
      %convert_element_type3A_236 = arith.extui %lt3A_235 : i1 to i32
      %cond3A_237 = arith.constant 0 : i32
      %cond3A_238 = arith.cmpi ne, %convert_element_type3A_236, %cond3A_237 : i32
      scf.if %cond3A_238 {
        %add3A_290 = arith.constant 5 : i32
        %add3A_291 = arith.addi %add3A_107, %add3A_290 : i32
        %add3A_292 = arith.constant 1 : i32
        %add3A_293 = arith.addi %add3A_291, %add3A_292 : i32
        %dma_start3A_294 = arith.constant 0 : i32
        %dma_start3A_295 = tpu.memref_slice %arg6[%add3A_293, %dma_start3A_294] : memref<160x128xi32, #tpu.memory_space<vmem>> -> memref<1x128xi32, #tpu.memory_space<vmem>>
        %dma_start3A_296 = tpu.memref_squeeze %dma_start3A_295 : memref<1x128xi32, #tpu.memory_space<vmem>> -> memref<128xi32, #tpu.memory_space<vmem>>
        %dma_start3A_297 = arith.constant 0 : i32
        %dma_start3A_298 = arith.constant 0 : i32
        %dma_start3A_299 = tpu.memref_slice %arg2[%arg0, %dma_start3A_297, %dma_start3A_298] : memref<2x10000x64xf32, #tpu.memory_space<hbm>> -> memref<1x10000x64xf32, #tpu.memory_space<hbm>>
        %dma_start3A_300 = tpu.memref_squeeze %dma_start3A_299 : memref<1x10000x64xf32, #tpu.memory_space<hbm>> -> memref<10000x64xf32, #tpu.memory_space<hbm>>
        %dma_start3A_301 = arith.constant 0 : i32
        %dma_start3A_302 = arith.constant 0 : i32
        %dma_start3A_303 = tpu.memref_slice %dma_start3A_300[%dma_start3A_301, %dma_start3A_302] : memref<10000x64xf32, #tpu.memory_space<hbm>> -> memref<10000x64xf32, #tpu.memory_space<hbm>>
        tpu.enqueue_indirect_dma source(%dma_start3A_303 : memref<10000x64xf32, #tpu.memory_space<hbm>>) target(%arg9 : memref<128x64xf32, #tpu.memory_space<vmem>>) offsets(%dma_start3A_296 : memref<128xi32, #tpu.memory_space<vmem>>) semaphore(%arg15 : memref<!tpu.dma_semaphore, #tpu.memory_space<semaphore_mem>>)
      } else {
      }
      %add3A_239 = arith.constant 2 : i32
      %add3A_240 = arith.addi %add3A_107, %add3A_239 : i32
      %dma_wait3A_241 = arith.constant 0 : i32
      %dma_wait3A_242 = tpu.memref_slice %arg7[%add3A_240, %dma_wait3A_241] : memref<160x128xi32, #tpu.memory_space<vmem>> -> memref<1x128xi32, #tpu.memory_space<vmem>>
      %dma_wait3A_243 = tpu.memref_squeeze %dma_wait3A_242 : memref<1x128xi32, #tpu.memory_space<vmem>> -> memref<128xi32, #tpu.memory_space<vmem>>
      %dma_wait3A_244 = arith.constant 0 : i32
      %dma_wait3A_245 = arith.constant 0 : i32
      %dma_wait3A_246 = tpu.memref_slice %arg13[%dma_wait3A_244, %dma_wait3A_245] : memref<10240x64xf32, #tpu.memory_space<vmem_shared>> -> memref<10240x64xf32, #tpu.memory_space<vmem_shared>>
      tpu.wait_indirect_dma semaphore(%arg21 : memref<!tpu.dma_semaphore, #tpu.memory_space<semaphore_mem>>) src(%arg10 : memref<128x64xf32, #tpu.memory_space<vmem>>) dst(%dma_wait3A_246 : memref<10240x64xf32, #tpu.memory_space<vmem_shared>>)
      %add3A_247 = arith.constant 5 : i32
      %add3A_248 = arith.addi %add3A_107, %add3A_247 : i32
      %add3A_249 = arith.constant 2 : i32
      %add3A_250 = arith.addi %add3A_248, %add3A_249 : i32
      %lt3A_251 = arith.constant 160 : i32
      %lt3A_252 = arith.cmpi slt, %add3A_250, %lt3A_251 : i32
      %convert_element_type3A_253 = arith.extui %lt3A_252 : i1 to i32
      %cond3A_254 = arith.constant 0 : i32
      %cond3A_255 = arith.cmpi ne, %convert_element_type3A_253, %cond3A_254 : i32
      scf.if %cond3A_255 {
        %add3A_290 = arith.constant 5 : i32
        %add3A_291 = arith.addi %add3A_107, %add3A_290 : i32
        %add3A_292 = arith.constant 2 : i32
        %add3A_293 = arith.addi %add3A_291, %add3A_292 : i32
        %dma_start3A_294 = arith.constant 0 : i32
        %dma_start3A_295 = tpu.memref_slice %arg6[%add3A_293, %dma_start3A_294] : memref<160x128xi32, #tpu.memory_space<vmem>> -> memref<1x128xi32, #tpu.memory_space<vmem>>
        %dma_start3A_296 = tpu.memref_squeeze %dma_start3A_295 : memref<1x128xi32, #tpu.memory_space<vmem>> -> memref<128xi32, #tpu.memory_space<vmem>>
        %dma_start3A_297 = arith.constant 0 : i32
        %dma_start3A_298 = arith.constant 0 : i32
        %dma_start3A_299 = tpu.memref_slice %arg2[%arg0, %dma_start3A_297, %dma_start3A_298] : memref<2x10000x64xf32, #tpu.memory_space<hbm>> -> memref<1x10000x64xf32, #tpu.memory_space<hbm>>
        %dma_start3A_300 = tpu.memref_squeeze %dma_start3A_299 : memref<1x10000x64xf32, #tpu.memory_space<hbm>> -> memref<10000x64xf32, #tpu.memory_space<hbm>>
        %dma_start3A_301 = arith.constant 0 : i32
        %dma_start3A_302 = arith.constant 0 : i32
        %dma_start3A_303 = tpu.memref_slice %dma_start3A_300[%dma_start3A_301, %dma_start3A_302] : memref<10000x64xf32, #tpu.memory_space<hbm>> -> memref<10000x64xf32, #tpu.memory_space<hbm>>
        tpu.enqueue_indirect_dma source(%dma_start3A_303 : memref<10000x64xf32, #tpu.memory_space<hbm>>) target(%arg10 : memref<128x64xf32, #tpu.memory_space<vmem>>) offsets(%dma_start3A_296 : memref<128xi32, #tpu.memory_space<vmem>>) semaphore(%arg16 : memref<!tpu.dma_semaphore, #tpu.memory_space<semaphore_mem>>)
      } else {
      }
      %add3A_256 = arith.constant 3 : i32
      %add3A_257 = arith.addi %add3A_107, %add3A_256 : i32
      %dma_wait3A_258 = arith.constant 0 : i32
      %dma_wait3A_259 = tpu.memref_slice %arg7[%add3A_257, %dma_wait3A_258] : memref<160x128xi32, #tpu.memory_space<vmem>> -> memref<1x128xi32, #tpu.memory_space<vmem>>
      %dma_wait3A_260 = tpu.memref_squeeze %dma_wait3A_259 : memref<1x128xi32, #tpu.memory_space<vmem>> -> memref<128xi32, #tpu.memory_space<vmem>>
      %dma_wait3A_261 = arith.constant 0 : i32
      %dma_wait3A_262 = arith.constant 0 : i32
      %dma_wait3A_263 = tpu.memref_slice %arg13[%dma_wait3A_261, %dma_wait3A_262] : memref<10240x64xf32, #tpu.memory_space<vmem_shared>> -> memref<10240x64xf32, #tpu.memory_space<vmem_shared>>
      tpu.wait_indirect_dma semaphore(%arg22 : memref<!tpu.dma_semaphore, #tpu.memory_space<semaphore_mem>>) src(%arg11 : memref<128x64xf32, #tpu.memory_space<vmem>>) dst(%dma_wait3A_263 : memref<10240x64xf32, #tpu.memory_space<vmem_shared>>)
      %add3A_264 = arith.constant 5 : i32
      %add3A_265 = arith.addi %add3A_107, %add3A_264 : i32
      %add3A_266 = arith.constant 3 : i32
      %add3A_267 = arith.addi %add3A_265, %add3A_266 : i32
      %lt3A_268 = arith.constant 160 : i32
      %lt3A_269 = arith.cmpi slt, %add3A_267, %lt3A_268 : i32
      %convert_element_type3A_270 = arith.extui %lt3A_269 : i1 to i32
      %cond3A_271 = arith.constant 0 : i32
      %cond3A_272 = arith.cmpi ne, %convert_element_type3A_270, %cond3A_271 : i32
      scf.if %cond3A_272 {
        %add3A_290 = arith.constant 5 : i32
        %add3A_291 = arith.addi %add3A_107, %add3A_290 : i32
        %add3A_292 = arith.constant 3 : i32
        %add3A_293 = arith.addi %add3A_291, %add3A_292 : i32
        %dma_start3A_294 = arith.constant 0 : i32
        %dma_start3A_295 = tpu.memref_slice %arg6[%add3A_293, %dma_start3A_294] : memref<160x128xi32, #tpu.memory_space<vmem>> -> memref<1x128xi32, #tpu.memory_space<vmem>>
        %dma_start3A_296 = tpu.memref_squeeze %dma_start3A_295 : memref<1x128xi32, #tpu.memory_space<vmem>> -> memref<128xi32, #tpu.memory_space<vmem>>
        %dma_start3A_297 = arith.constant 0 : i32
        %dma_start3A_298 = arith.constant 0 : i32
        %dma_start3A_299 = tpu.memref_slice %arg2[%arg0, %dma_start3A_297, %dma_start3A_298] : memref<2x10000x64xf32, #tpu.memory_space<hbm>> -> memref<1x10000x64xf32, #tpu.memory_space<hbm>>
        %dma_start3A_300 = tpu.memref_squeeze %dma_start3A_299 : memref<1x10000x64xf32, #tpu.memory_space<hbm>> -> memref<10000x64xf32, #tpu.memory_space<hbm>>
        %dma_start3A_301 = arith.constant 0 : i32
        %dma_start3A_302 = arith.constant 0 : i32
        %dma_start3A_303 = tpu.memref_slice %dma_start3A_300[%dma_start3A_301, %dma_start3A_302] : memref<10000x64xf32, #tpu.memory_space<hbm>> -> memref<10000x64xf32, #tpu.memory_space<hbm>>
        tpu.enqueue_indirect_dma source(%dma_start3A_303 : memref<10000x64xf32, #tpu.memory_space<hbm>>) target(%arg11 : memref<128x64xf32, #tpu.memory_space<vmem>>) offsets(%dma_start3A_296 : memref<128xi32, #tpu.memory_space<vmem>>) semaphore(%arg17 : memref<!tpu.dma_semaphore, #tpu.memory_space<semaphore_mem>>)
      } else {
      }
      %add3A_273 = arith.constant 4 : i32
      %add3A_274 = arith.addi %add3A_107, %add3A_273 : i32
      %dma_wait3A_275 = arith.constant 0 : i32
      %dma_wait3A_276 = tpu.memref_slice %arg7[%add3A_274, %dma_wait3A_275] : memref<160x128xi32, #tpu.memory_space<vmem>> -> memref<1x128xi32, #tpu.memory_space<vmem>>
      %dma_wait3A_277 = tpu.memref_squeeze %dma_wait3A_276 : memref<1x128xi32, #tpu.memory_space<vmem>> -> memref<128xi32, #tpu.memory_space<vmem>>
      %dma_wait3A_278 = arith.constant 0 : i32
      %dma_wait3A_279 = arith.constant 0 : i32
      %dma_wait3A_280 = tpu.memref_slice %arg13[%dma_wait3A_278, %dma_wait3A_279] : memref<10240x64xf32, #tpu.memory_space<vmem_shared>> -> memref<10240x64xf32, #tpu.memory_space<vmem_shared>>
      tpu.wait_indirect_dma semaphore(%arg23 : memref<!tpu.dma_semaphore, #tpu.memory_space<semaphore_mem>>) src(%arg12 : memref<128x64xf32, #tpu.memory_space<vmem>>) dst(%dma_wait3A_280 : memref<10240x64xf32, #tpu.memory_space<vmem_shared>>)
      %add3A_281 = arith.constant 5 : i32
      %add3A_282 = arith.addi %add3A_107, %add3A_281 : i32
      %add3A_283 = arith.constant 4 : i32
      %add3A_284 = arith.addi %add3A_282, %add3A_283 : i32
      %lt3A_285 = arith.constant 160 : i32
      %lt3A_286 = arith.cmpi slt, %add3A_284, %lt3A_285 : i32
      %convert_element_type3A_287 = arith.extui %lt3A_286 : i1 to i32
      %cond3A_288 = arith.constant 0 : i32
      %cond3A_289 = arith.cmpi ne, %convert_element_type3A_287, %cond3A_288 : i32
      scf.if %cond3A_289 {
        %add3A_290 = arith.constant 5 : i32
        %add3A_291 = arith.addi %add3A_107, %add3A_290 : i32
        %add3A_292 = arith.constant 4 : i32
        %add3A_293 = arith.addi %add3A_291, %add3A_292 : i32
        %dma_start3A_294 = arith.constant 0 : i32
        %dma_start3A_295 = tpu.memref_slice %arg6[%add3A_293, %dma_start3A_294] : memref<160x128xi32, #tpu.memory_space<vmem>> -> memref<1x128xi32, #tpu.memory_space<vmem>>
        %dma_start3A_296 = tpu.memref_squeeze %dma_start3A_295 : memref<1x128xi32, #tpu.memory_space<vmem>> -> memref<128xi32, #tpu.memory_space<vmem>>
        %dma_start3A_297 = arith.constant 0 : i32
        %dma_start3A_298 = arith.constant 0 : i32
        %dma_start3A_299 = tpu.memref_slice %arg2[%arg0, %dma_start3A_297, %dma_start3A_298] : memref<2x10000x64xf32, #tpu.memory_space<hbm>> -> memref<1x10000x64xf32, #tpu.memory_space<hbm>>
        %dma_start3A_300 = tpu.memref_squeeze %dma_start3A_299 : memref<1x10000x64xf32, #tpu.memory_space<hbm>> -> memref<10000x64xf32, #tpu.memory_space<hbm>>
        %dma_start3A_301 = arith.constant 0 : i32
        %dma_start3A_302 = arith.constant 0 : i32
        %dma_start3A_303 = tpu.memref_slice %dma_start3A_300[%dma_start3A_301, %dma_start3A_302] : memref<10000x64xf32, #tpu.memory_space<hbm>> -> memref<10000x64xf32, #tpu.memory_space<hbm>>
        tpu.enqueue_indirect_dma source(%dma_start3A_303 : memref<10000x64xf32, #tpu.memory_space<hbm>>) target(%arg12 : memref<128x64xf32, #tpu.memory_space<vmem>>) offsets(%dma_start3A_296 : memref<128xi32, #tpu.memory_space<vmem>>) semaphore(%arg18 : memref<!tpu.dma_semaphore, #tpu.memory_space<semaphore_mem>>)
      } else {
      }
    }
    %scan3A_98 = arith.constant 32 : i32
    %barrier3A_99 = arith.constant 0 : index
    tpu.barrier barrier_id(%barrier3A_99)
    %scan3A_100 = arith.constant 0 : i32
    %scan3A_101 = arith.constant 5 : i32
    %scan3A_102 = arith.addi %scan3A_100, %scan3A_101 : i32
    %scan3A_103 = arith.constant 1 : i32
    scf.for %scan3A_105 = %scan3A_100 to %scan3A_102 step %scan3A_103  : i32 {
      %mul3A = arith.constant 128 : i32
      %mul3A_106 = arith.muli %scan3A_105, %mul3A : i32
      %add3A = arith.constant 0 : i32
      %add3A_107 = arith.addi %add3A, %mul3A_106 : i32
      %mul3A_108 = arith.constant 640 : i32
      %mul3A_109 = arith.muli %arg1, %mul3A_108 : i32
      %add3A_110 = arith.addi %mul3A_109, %add3A_107 : i32
      %mul3A_111 = arith.constant 640 : i32
      %mul3A_112 = arith.muli %arg1, %mul3A_111 : i32
      %add3A_113 = arith.addi %mul3A_112, %add3A_107 : i32
      "tpu.region"() ({
        %run_scoped3A = tpu.sem_alloc : memref<!tpu.dma_semaphore, #tpu.memory_space<semaphore_mem>>
        %dma_start3A_114 = arith.constant 0 : i32
        %dma_start3A_115 = arith.constant 0 : i32
        %dma_start3A_116 = tpu.memref_slice %arg5[%arg0, %dma_start3A_114, %dma_start3A_115] : memref<2x10240x64xf32, #tpu.memory_space<hbm>> -> memref<1x10240x64xf32, #tpu.memory_space<hbm>>
        %dma_start3A_117 = tpu.memref_squeeze %dma_start3A_116 : memref<1x10240x64xf32, #tpu.memory_space<hbm>> -> memref<10240x64xf32, #tpu.memory_space<hbm>>
        %dma_start3A_118 = arith.constant 0 : i32
        %dma_start3A_119 = tpu.memref_slice %dma_start3A_117[%add3A_113, %dma_start3A_118] : memref<10240x64xf32, #tpu.memory_space<hbm>> -> memref<128x64xf32, #tpu.memory_space<hbm>>
        %dma_start3A_120 = arith.constant 0 : i32
        %dma_start3A_121 = tpu.memref_slice %arg13[%add3A_110, %dma_start3A_120] : memref<10240x64xf32, #tpu.memory_space<vmem_shared>> -> memref<128x64xf32, #tpu.memory_space<vmem_shared>>
        tpu.enqueue_dma source(%dma_start3A_121 : memref<128x64xf32, #tpu.memory_space<vmem_shared>>) target(%dma_start3A_119 : memref<128x64xf32, #tpu.memory_space<hbm>>) target_semaphore(%run_scoped3A : memref<!tpu.dma_semaphore, #tpu.memory_space<semaphore_mem>>)
        %dma_wait3A_122 = arith.constant 0 : i32
        %dma_wait3A_123 = arith.constant 0 : i32
        %dma_wait3A_124 = tpu.memref_slice %arg5[%arg0, %dma_wait3A_122, %dma_wait3A_123] : memref<2x10240x64xf32, #tpu.memory_space<hbm>> -> memref<1x10240x64xf32, #tpu.memory_space<hbm>>
        %dma_wait3A_125 = tpu.memref_squeeze %dma_wait3A_124 : memref<1x10240x64xf32, #tpu.memory_space<hbm>> -> memref<10240x64xf32, #tpu.memory_space<hbm>>
        %dma_wait3A_126 = arith.constant 0 : i32
        %dma_wait3A_127 = tpu.memref_slice %dma_wait3A_125[%add3A_113, %dma_wait3A_126] : memref<10240x64xf32, #tpu.memory_space<hbm>> -> memref<128x64xf32, #tpu.memory_space<hbm>>
        %dma_wait3A_128 = arith.constant 0 : i32
        %dma_wait3A_129 = tpu.memref_slice %arg13[%add3A_110, %dma_wait3A_128] : memref<10240x64xf32, #tpu.memory_space<vmem_shared>> -> memref<128x64xf32, #tpu.memory_space<vmem_shared>>
        tpu.wait_dma2 semaphore(%run_scoped3A : memref<!tpu.dma_semaphore, #tpu.memory_space<semaphore_mem>>) src(%dma_wait3A_129 : memref<128x64xf32, #tpu.memory_space<vmem_shared>>) dst(%dma_wait3A_127 : memref<128x64xf32, #tpu.memory_space<hbm>>)
        tpu.yield
      }) : () -> ()
    }
    %scan3A_104 = arith.constant 5 : i32
    return
  }
}

#map = affine_map<(d0, d1) -> (0, 0, 0)>
module attributes {stable_mosaic.version = 14 : i64} {
  func.func @scat_kernel(%arg0: i32, %arg1: i32, %arg2: memref<2x10000x64xf32, #tpu.memory_space<hbm>>, %arg3: memref<16x160x128xi32, #tpu.memory_space<hbm>>, %arg4: memref<16x160x128xi32, #tpu.memory_space<hbm>>, %arg5: memref<2x10240x64xf32, #tpu.memory_space<hbm>>, %arg6: memref<160x128xi32, #tpu.memory_space<vmem>>, %arg7: memref<160x128xi32, #tpu.memory_space<vmem>>, %arg8: memref<128x64xf32, #tpu.memory_space<vmem>>, %arg9: memref<128x64xf32, #tpu.memory_space<vmem>>, %arg10: memref<128x64xf32, #tpu.memory_space<vmem>>, %arg11: memref<128x64xf32, #tpu.memory_space<vmem>>, %arg12: memref<128x64xf32, #tpu.memory_space<vmem>>, %arg13: memref<10240x64xf32, #tpu.memory_space<vmem_shared>>, %arg14: memref<!tpu.dma_semaphore, #tpu.memory_space<semaphore_mem>>, %arg15: memref<!tpu.dma_semaphore, #tpu.memory_space<semaphore_mem>>, %arg16: memref<!tpu.dma_semaphore, #tpu.memory_space<semaphore_mem>>, %arg17: memref<!tpu.dma_semaphore, #tpu.memory_space<semaphore_mem>>, %arg18: memref<!tpu.dma_semaphore, #tpu.memory_space<semaphore_mem>>, %arg19: memref<!tpu.dma_semaphore, #tpu.memory_space<semaphore_mem>>, %arg20: memref<!tpu.dma_semaphore, #tpu.memory_space<semaphore_mem>>, %arg21: memref<!tpu.dma_semaphore, #tpu.memory_space<semaphore_mem>>, %arg22: memref<!tpu.dma_semaphore, #tpu.memory_space<semaphore_mem>>, %arg23: memref<!tpu.dma_semaphore, #tpu.memory_space<semaphore_mem>>) attributes {dimension_semantics = [#tpu.dimension_semantics<core_parallel>, #tpu.dimension_semantics<subcore_parallel>], iteration_bounds = array<i64: 2, 16>, scalar_prefetch = 0 : i64, scratch_operands = 18 : i64, tpu.core_type = #tpu.core_type<sc_vector_subcore>, window_params = [{transform_indices = #map}, {transform_indices = #map}, {transform_indices = #map}, {transform_indices = #map}]} {
    %dma_start3A = arith.constant 0 : i32
    %dma_start3A_0 = arith.constant 0 : i32
    %dma_start3A_1 = tpu.memref_slice %arg3[%arg1, %dma_start3A, %dma_start3A_0] : memref<16x160x128xi32, #tpu.memory_space<hbm>> -> memref<1x160x128xi32, #tpu.memory_space<hbm>>
    %dma_start3A_2 = tpu.memref_squeeze %dma_start3A_1 : memref<1x160x128xi32, #tpu.memory_space<hbm>> -> memref<160x128xi32, #tpu.memory_space<hbm>>
    %dma_start3A_3 = arith.constant 0 : i32
    %dma_start3A_4 = arith.constant 0 : i32
    %dma_start3A_5 = tpu.memref_slice %arg3[%arg1, %dma_start3A_3, %dma_start3A_4] : memref<16x160x128xi32, #tpu.memory_space<hbm>> -> memref<1x160x128xi32, #tpu.memory_space<hbm>>
    %dma_start3A_6 = tpu.memref_squeeze %dma_start3A_5 : memref<1x160x128xi32, #tpu.memory_space<hbm>> -> memref<160x128xi32, #tpu.memory_space<hbm>>
    tpu.enqueue_dma source(%dma_start3A_6 : memref<160x128xi32, #tpu.memory_space<hbm>>) target(%arg6 : memref<160x128xi32, #tpu.memory_space<vmem>>) target_semaphore(%arg14 : memref<!tpu.dma_semaphore, #tpu.memory_space<semaphore_mem>>)
    %dma_start3A_7 = arith.constant 0 : i32
    %dma_start3A_8 = arith.constant 0 : i32
    %dma_start3A_9 = tpu.memref_slice %arg4[%arg1, %dma_start3A_7, %dma_start3A_8] : memref<16x160x128xi32, #tpu.memory_space<hbm>> -> memref<1x160x128xi32, #tpu.memory_space<hbm>>
    %dma_start3A_10 = tpu.memref_squeeze %dma_start3A_9 : memref<1x160x128xi32, #tpu.memory_space<hbm>> -> memref<160x128xi32, #tpu.memory_space<hbm>>
    %dma_start3A_11 = arith.constant 0 : i32
    %dma_start3A_12 = arith.constant 0 : i32
    %dma_start3A_13 = tpu.memref_slice %arg4[%arg1, %dma_start3A_11, %dma_start3A_12] : memref<16x160x128xi32, #tpu.memory_space<hbm>> -> memref<1x160x128xi32, #tpu.memory_space<hbm>>
    %dma_start3A_14 = tpu.memref_squeeze %dma_start3A_13 : memref<1x160x128xi32, #tpu.memory_space<hbm>> -> memref<160x128xi32, #tpu.memory_space<hbm>>
    tpu.enqueue_dma source(%dma_start3A_14 : memref<160x128xi32, #tpu.memory_space<hbm>>) target(%arg7 : memref<160x128xi32, #tpu.memory_space<vmem>>) target_semaphore(%arg15 : memref<!tpu.dma_semaphore, #tpu.memory_space<semaphore_mem>>)
    %scan3A = arith.constant 0 : i32
    %scan3A_15 = arith.constant 128 : i32
    %scan3A_16 = arith.addi %scan3A, %scan3A_15 : i32
    %scan3A_17 = arith.constant 1 : i32
    scf.for %scan3A_105 = %scan3A to %scan3A_16 step %scan3A_17  : i32 {
      %mul3A = arith.constant 1 : i32
      %mul3A_106 = arith.muli %scan3A_105, %mul3A : i32
      %add3A = arith.constant 0 : i32
      %add3A_107 = arith.addi %add3A, %mul3A_106 : i32
      %scan3A_108 = arith.constant 0 : i32
      %scan3A_109 = arith.constant 4 : i32
      %scan3A_110 = arith.addi %scan3A_108, %scan3A_109 : i32
      %scan3A_111 = arith.constant 1 : i32
      scf.for %scan3A_113 = %scan3A_108 to %scan3A_110 step %scan3A_111  : i32 {
        %mul3A_114 = arith.constant 16 : i32
        %mul3A_115 = arith.muli %scan3A_113, %mul3A_114 : i32
        %add3A_116 = arith.constant 0 : i32
        %add3A_117 = arith.addi %add3A_116, %mul3A_115 : i32
        %broadcast_in_dim3A = arith.constant 0.000000e+00 : f32
        %broadcast_in_dim3A_118 = vector.broadcast %broadcast_in_dim3A : f32 to vector<16xf32>
        %swap3A = arith.index_cast %add3A_107 : i32 to index
        %swap3A_119 = arith.index_cast %add3A_117 : i32 to index
        %swap3A_120 = tpu.vector_load %arg8[%swap3A, %swap3A_119] {strides = array<i32>} : memref<128x64xf32, #tpu.memory_space<vmem>>, vector<1x16xf32>,
        %swap3A_121 = vector.shape_cast %swap3A_120 : vector<1x16xf32> to vector<16xf32>
        %swap3A_122 = vector.shape_cast %broadcast_in_dim3A_118 : vector<16xf32> to vector<1x16xf32>
        tpu.vector_store %arg8[%swap3A, %swap3A_119], %swap3A_122 {strides = array<i32>} : memref<128x64xf32, #tpu.memory_space<vmem>>, vector<1x16xf32>,
      }
      %scan3A_112 = arith.constant 4 : i32
    }
    %scan3A_18 = arith.constant 128 : i32
    %scan3A_19 = arith.constant 0 : i32
    %scan3A_20 = arith.constant 5 : i32
    %scan3A_21 = arith.addi %scan3A_19, %scan3A_20 : i32
    %scan3A_22 = arith.constant 1 : i32
    scf.for %scan3A_105 = %scan3A_19 to %scan3A_21 step %scan3A_22  : i32 {
      %mul3A = arith.constant 128 : i32
      %mul3A_106 = arith.muli %scan3A_105, %mul3A : i32
      %add3A = arith.constant 0 : i32
      %add3A_107 = arith.addi %add3A, %mul3A_106 : i32
      %mul3A_108 = arith.constant 640 : i32
      %mul3A_109 = arith.muli %arg1, %mul3A_108 : i32
      %add3A_110 = arith.addi %mul3A_109, %add3A_107 : i32
      "tpu.region"() ({
        %run_scoped3A = tpu.sem_alloc : memref<!tpu.dma_semaphore, #tpu.memory_space<semaphore_mem>>
        %dma_start3A_111 = arith.constant 0 : i32
        %dma_start3A_112 = tpu.memref_slice %arg13[%add3A_110, %dma_start3A_111] : memref<10240x64xf32, #tpu.memory_space<vmem_shared>> -> memref<128x64xf32, #tpu.memory_space<vmem_shared>>
        %dma_start3A_113 = arith.constant 0 : i32
        %dma_start3A_114 = tpu.memref_slice %arg13[%add3A_110, %dma_start3A_113] : memref<10240x64xf32, #tpu.memory_space<vmem_shared>> -> memref<128x64xf32, #tpu.memory_space<vmem_shared>>
        tpu.enqueue_dma source(%arg8 : memref<128x64xf32, #tpu.memory_space<vmem>>) target(%dma_start3A_114 : memref<128x64xf32, #tpu.memory_space<vmem_shared>>) target_semaphore(%run_scoped3A : memref<!tpu.dma_semaphore, #tpu.memory_space<semaphore_mem>>)
        %dma_wait3A_115 = arith.constant 0 : i32
        %dma_wait3A_116 = tpu.memref_slice %arg13[%add3A_110, %dma_wait3A_115] : memref<10240x64xf32, #tpu.memory_space<vmem_shared>> -> memref<128x64xf32, #tpu.memory_space<vmem_shared>>
        %dma_wait3A_117 = arith.constant 0 : i32
        %dma_wait3A_118 = tpu.memref_slice %arg13[%add3A_110, %dma_wait3A_117] : memref<10240x64xf32, #tpu.memory_space<vmem_shared>> -> memref<128x64xf32, #tpu.memory_space<vmem_shared>>
        tpu.wait_dma2 semaphore(%run_scoped3A : memref<!tpu.dma_semaphore, #tpu.memory_space<semaphore_mem>>) src(%arg8 : memref<128x64xf32, #tpu.memory_space<vmem>>) dst(%dma_wait3A_118 : memref<128x64xf32, #tpu.memory_space<vmem_shared>>)
        tpu.yield
      }) : () -> ()
    }
    %scan3A_23 = arith.constant 5 : i32
    %dma_wait3A = arith.constant 0 : i32
    %dma_wait3A_24 = arith.constant 0 : i32
    %dma_wait3A_25 = tpu.memref_slice %arg3[%arg1, %dma_wait3A, %dma_wait3A_24] : memref<16x160x128xi32, #tpu.memory_space<hbm>> -> memref<1x160x128xi32, #tpu.memory_space<hbm>>
    %dma_wait3A_26 = tpu.memref_squeeze %dma_wait3A_25 : memref<1x160x128xi32, #tpu.memory_space<hbm>> -> memref<160x128xi32, #tpu.memory_space<hbm>>
    %dma_wait3A_27 = arith.constant 0 : i32
    %dma_wait3A_28 = arith.constant 0 : i32
    %dma_wait3A_29 = tpu.memref_slice %arg3[%arg1, %dma_wait3A_27, %dma_wait3A_28] : memref<16x160x128xi32, #tpu.memory_space<hbm>> -> memref<1x160x128xi32, #tpu.memory_space<hbm>>
    %dma_wait3A_30 = tpu.memref_squeeze %dma_wait3A_29 : memref<1x160x128xi32, #tpu.memory_space<hbm>> -> memref<160x128xi32, #tpu.memory_space<hbm>>
    tpu.wait_dma2 semaphore(%arg14 : memref<!tpu.dma_semaphore, #tpu.memory_space<semaphore_mem>>) src(%dma_wait3A_30 : memref<160x128xi32, #tpu.memory_space<hbm>>) dst(%arg6 : memref<160x128xi32, #tpu.memory_space<vmem>>)
    %dma_wait3A_31 = arith.constant 0 : i32
    %dma_wait3A_32 = arith.constant 0 : i32
    %dma_wait3A_33 = tpu.memref_slice %arg4[%arg1, %dma_wait3A_31, %dma_wait3A_32] : memref<16x160x128xi32, #tpu.memory_space<hbm>> -> memref<1x160x128xi32, #tpu.memory_space<hbm>>
    %dma_wait3A_34 = tpu.memref_squeeze %dma_wait3A_33 : memref<1x160x128xi32, #tpu.memory_space<hbm>> -> memref<160x128xi32, #tpu.memory_space<hbm>>
    %dma_wait3A_35 = arith.constant 0 : i32
    %dma_wait3A_36 = arith.constant 0 : i32
    %dma_wait3A_37 = tpu.memref_slice %arg4[%arg1, %dma_wait3A_35, %dma_wait3A_36] : memref<16x160x128xi32, #tpu.memory_space<hbm>> -> memref<1x160x128xi32, #tpu.memory_space<hbm>>
    %dma_wait3A_38 = tpu.memref_squeeze %dma_wait3A_37 : memref<1x160x128xi32, #tpu.memory_space<hbm>> -> memref<160x128xi32, #tpu.memory_space<hbm>>
    tpu.wait_dma2 semaphore(%arg15 : memref<!tpu.dma_semaphore, #tpu.memory_space<semaphore_mem>>) src(%dma_wait3A_38 : memref<160x128xi32, #tpu.memory_space<hbm>>) dst(%arg7 : memref<160x128xi32, #tpu.memory_space<vmem>>)
    %barrier3A = arith.constant 0 : index
    tpu.barrier barrier_id(%barrier3A)
    %dma_start3A_39 = arith.constant 0 : i32
    %dma_start3A_40 = arith.constant 0 : i32
    %dma_start3A_41 = tpu.memref_slice %arg6[%dma_start3A_39, %dma_start3A_40] : memref<160x128xi32, #tpu.memory_space<vmem>> -> memref<1x128xi32, #tpu.memory_space<vmem>>
    %dma_start3A_42 = tpu.memref_squeeze %dma_start3A_41 : memref<1x128xi32, #tpu.memory_space<vmem>> -> memref<128xi32, #tpu.memory_space<vmem>>
    %dma_start3A_43 = arith.constant 0 : i32
    %dma_start3A_44 = arith.constant 0 : i32
    %dma_start3A_45 = tpu.memref_slice %arg2[%arg0, %dma_start3A_43, %dma_start3A_44] : memref<2x10000x64xf32, #tpu.memory_space<hbm>> -> memref<1x10000x64xf32, #tpu.memory_space<hbm>>
    %dma_start3A_46 = tpu.memref_squeeze %dma_start3A_45 : memref<1x10000x64xf32, #tpu.memory_space<hbm>> -> memref<10000x64xf32, #tpu.memory_space<hbm>>
    %dma_start3A_47 = arith.constant 0 : i32
    %dma_start3A_48 = arith.constant 0 : i32
    %dma_start3A_49 = tpu.memref_slice %dma_start3A_46[%dma_start3A_47, %dma_start3A_48] : memref<10000x64xf32, #tpu.memory_space<hbm>> -> memref<10000x64xf32, #tpu.memory_space<hbm>>
    tpu.enqueue_indirect_dma source(%dma_start3A_49 : memref<10000x64xf32, #tpu.memory_space<hbm>>) target(%arg8 : memref<128x64xf32, #tpu.memory_space<vmem>>) offsets(%dma_start3A_42 : memref<128xi32, #tpu.memory_space<vmem>>) semaphore(%arg14 : memref<!tpu.dma_semaphore, #tpu.memory_space<semaphore_mem>>)
    %dma_start3A_50 = arith.constant 1 : i32
    %dma_start3A_51 = arith.constant 0 : i32
    %dma_start3A_52 = tpu.memref_slice %arg6[%dma_start3A_50, %dma_start3A_51] : memref<160x128xi32, #tpu.memory_space<vmem>> -> memref<1x128xi32, #tpu.memory_space<vmem>>
    %dma_start3A_53 = tpu.memref_squeeze %dma_start3A_52 : memref<1x128xi32, #tpu.memory_space<vmem>> -> memref<128xi32, #tpu.memory_space<vmem>>
    %dma_start3A_54 = arith.constant 0 : i32
    %dma_start3A_55 = arith.constant 0 : i32
    %dma_start3A_56 = tpu.memref_slice %arg2[%arg0, %dma_start3A_54, %dma_start3A_55] : memref<2x10000x64xf32, #tpu.memory_space<hbm>> -> memref<1x10000x64xf32, #tpu.memory_space<hbm>>
    %dma_start3A_57 = tpu.memref_squeeze %dma_start3A_56 : memref<1x10000x64xf32, #tpu.memory_space<hbm>> -> memref<10000x64xf32, #tpu.memory_space<hbm>>
    %dma_start3A_58 = arith.constant 0 : i32
    %dma_start3A_59 = arith.constant 0 : i32
    %dma_start3A_60 = tpu.memref_slice %dma_start3A_57[%dma_start3A_58, %dma_start3A_59] : memref<10000x64xf32, #tpu.memory_space<hbm>> -> memref<10000x64xf32, #tpu.memory_space<hbm>>
    tpu.enqueue_indirect_dma source(%dma_start3A_60 : memref<10000x64xf32, #tpu.memory_space<hbm>>) target(%arg9 : memref<128x64xf32, #tpu.memory_space<vmem>>) offsets(%dma_start3A_53 : memref<128xi32, #tpu.memory_space<vmem>>) semaphore(%arg15 : memref<!tpu.dma_semaphore, #tpu.memory_space<semaphore_mem>>)
    %dma_start3A_61 = arith.constant 2 : i32
    %dma_start3A_62 = arith.constant 0 : i32
    %dma_start3A_63 = tpu.memref_slice %arg6[%dma_start3A_61, %dma_start3A_62] : memref<160x128xi32, #tpu.memory_space<vmem>> -> memref<1x128xi32, #tpu.memory_space<vmem>>
    %dma_start3A_64 = tpu.memref_squeeze %dma_start3A_63 : memref<1x128xi32, #tpu.memory_space<vmem>> -> memref<128xi32, #tpu.memory_space<vmem>>
    %dma_start3A_65 = arith.constant 0 : i32
    %dma_start3A_66 = arith.constant 0 : i32
    %dma_start3A_67 = tpu.memref_slice %arg2[%arg0, %dma_start3A_65, %dma_start3A_66] : memref<2x10000x64xf32, #tpu.memory_space<hbm>> -> memref<1x10000x64xf32, #tpu.memory_space<hbm>>
    %dma_start3A_68 = tpu.memref_squeeze %dma_start3A_67 : memref<1x10000x64xf32, #tpu.memory_space<hbm>> -> memref<10000x64xf32, #tpu.memory_space<hbm>>
    %dma_start3A_69 = arith.constant 0 : i32
    %dma_start3A_70 = arith.constant 0 : i32
    %dma_start3A_71 = tpu.memref_slice %dma_start3A_68[%dma_start3A_69, %dma_start3A_70] : memref<10000x64xf32, #tpu.memory_space<hbm>> -> memref<10000x64xf32, #tpu.memory_space<hbm>>
    tpu.enqueue_indirect_dma source(%dma_start3A_71 : memref<10000x64xf32, #tpu.memory_space<hbm>>) target(%arg10 : memref<128x64xf32, #tpu.memory_space<vmem>>) offsets(%dma_start3A_64 : memref<128xi32, #tpu.memory_space<vmem>>) semaphore(%arg16 : memref<!tpu.dma_semaphore, #tpu.memory_space<semaphore_mem>>)
    %dma_start3A_72 = arith.constant 3 : i32
    %dma_start3A_73 = arith.constant 0 : i32
    %dma_start3A_74 = tpu.memref_slice %arg6[%dma_start3A_72, %dma_start3A_73] : memref<160x128xi32, #tpu.memory_space<vmem>> -> memref<1x128xi32, #tpu.memory_space<vmem>>
    %dma_start3A_75 = tpu.memref_squeeze %dma_start3A_74 : memref<1x128xi32, #tpu.memory_space<vmem>> -> memref<128xi32, #tpu.memory_space<vmem>>
    %dma_start3A_76 = arith.constant 0 : i32
    %dma_start3A_77 = arith.constant 0 : i32
    %dma_start3A_78 = tpu.memref_slice %arg2[%arg0, %dma_start3A_76, %dma_start3A_77] : memref<2x10000x64xf32, #tpu.memory_space<hbm>> -> memref<1x10000x64xf32, #tpu.memory_space<hbm>>
    %dma_start3A_79 = tpu.memref_squeeze %dma_start3A_78 : memref<1x10000x64xf32, #tpu.memory_space<hbm>> -> memref<10000x64xf32, #tpu.memory_space<hbm>>
    %dma_start3A_80 = arith.constant 0 : i32
    %dma_start3A_81 = arith.constant 0 : i32
    %dma_start3A_82 = tpu.memref_slice %dma_start3A_79[%dma_start3A_80, %dma_start3A_81] : memref<10000x64xf32, #tpu.memory_space<hbm>> -> memref<10000x64xf32, #tpu.memory_space<hbm>>
    tpu.enqueue_indirect_dma source(%dma_start3A_82 : memref<10000x64xf32, #tpu.memory_space<hbm>>) target(%arg11 : memref<128x64xf32, #tpu.memory_space<vmem>>) offsets(%dma_start3A_75 : memref<128xi32, #tpu.memory_space<vmem>>) semaphore(%arg17 : memref<!tpu.dma_semaphore, #tpu.memory_space<semaphore_mem>>)
    %dma_start3A_83 = arith.constant 4 : i32
    %dma_start3A_84 = arith.constant 0 : i32
    %dma_start3A_85 = tpu.memref_slice %arg6[%dma_start3A_83, %dma_start3A_84] : memref<160x128xi32, #tpu.memory_space<vmem>> -> memref<1x128xi32, #tpu.memory_space<vmem>>
    %dma_start3A_86 = tpu.memref_squeeze %dma_start3A_85 : memref<1x128xi32, #tpu.memory_space<vmem>> -> memref<128xi32, #tpu.memory_space<vmem>>
    %dma_start3A_87 = arith.constant 0 : i32
    %dma_start3A_88 = arith.constant 0 : i32
    %dma_start3A_89 = tpu.memref_slice %arg2[%arg0, %dma_start3A_87, %dma_start3A_88] : memref<2x10000x64xf32, #tpu.memory_space<hbm>> -> memref<1x10000x64xf32, #tpu.memory_space<hbm>>
    %dma_start3A_90 = tpu.memref_squeeze %dma_start3A_89 : memref<1x10000x64xf32, #tpu.memory_space<hbm>> -> memref<10000x64xf32, #tpu.memory_space<hbm>>
    %dma_start3A_91 = arith.constant 0 : i32
    %dma_start3A_92 = arith.constant 0 : i32
    %dma_start3A_93 = tpu.memref_slice %dma_start3A_90[%dma_start3A_91, %dma_start3A_92] : memref<10000x64xf32, #tpu.memory_space<hbm>> -> memref<10000x64xf32, #tpu.memory_space<hbm>>
    tpu.enqueue_indirect_dma source(%dma_start3A_93 : memref<10000x64xf32, #tpu.memory_space<hbm>>) target(%arg12 : memref<128x64xf32, #tpu.memory_space<vmem>>) offsets(%dma_start3A_86 : memref<128xi32, #tpu.memory_space<vmem>>) semaphore(%arg18 : memref<!tpu.dma_semaphore, #tpu.memory_space<semaphore_mem>>)
    %scan3A_94 = arith.constant 0 : i32
    %scan3A_95 = arith.constant 32 : i32
    %scan3A_96 = arith.addi %scan3A_94, %scan3A_95 : i32
    %scan3A_97 = arith.constant 1 : i32
    scf.for %scan3A_105 = %scan3A_94 to %scan3A_96 step %scan3A_97  : i32 {
      %mul3A = arith.constant 5 : i32
      %mul3A_106 = arith.muli %scan3A_105, %mul3A : i32
      %add3A = arith.constant 0 : i32
      %add3A_107 = arith.addi %add3A, %mul3A_106 : i32
      %add3A_108 = arith.constant 0 : i32
      %add3A_109 = arith.addi %add3A_107, %add3A_108 : i32
      %dma_wait3A_110 = arith.constant 0 : i32
      %dma_wait3A_111 = tpu.memref_slice %arg6[%add3A_109, %dma_wait3A_110] : memref<160x128xi32, #tpu.memory_space<vmem>> -> memref<1x128xi32, #tpu.memory_space<vmem>>
      %dma_wait3A_112 = tpu.memref_squeeze %dma_wait3A_111 : memref<1x128xi32, #tpu.memory_space<vmem>> -> memref<128xi32, #tpu.memory_space<vmem>>
      %dma_wait3A_113 = arith.constant 0 : i32
      %dma_wait3A_114 = arith.constant 0 : i32
      %dma_wait3A_115 = tpu.memref_slice %arg2[%arg0, %dma_wait3A_113, %dma_wait3A_114] : memref<2x10000x64xf32, #tpu.memory_space<hbm>> -> memref<1x10000x64xf32, #tpu.memory_space<hbm>>
      %dma_wait3A_116 = tpu.memref_squeeze %dma_wait3A_115 : memref<1x10000x64xf32, #tpu.memory_space<hbm>> -> memref<10000x64xf32, #tpu.memory_space<hbm>>
      %dma_wait3A_117 = arith.constant 0 : i32
      %dma_wait3A_118 = arith.constant 0 : i32
      %dma_wait3A_119 = tpu.memref_slice %dma_wait3A_116[%dma_wait3A_117, %dma_wait3A_118] : memref<10000x64xf32, #tpu.memory_space<hbm>> -> memref<10000x64xf32, #tpu.memory_space<hbm>>
      tpu.wait_indirect_dma semaphore(%arg14 : memref<!tpu.dma_semaphore, #tpu.memory_space<semaphore_mem>>) src(%dma_wait3A_119 : memref<10000x64xf32, #tpu.memory_space<hbm>>) dst(%arg8 : memref<128x64xf32, #tpu.memory_space<vmem>>)
      %add3A_120 = arith.constant 0 : i32
      %add3A_121 = arith.addi %add3A_107, %add3A_120 : i32
      %dma_start3A_122 = arith.constant 0 : i32
      %dma_start3A_123 = tpu.memref_slice %arg7[%add3A_121, %dma_start3A_122] : memref<160x128xi32, #tpu.memory_space<vmem>> -> memref<1x128xi32, #tpu.memory_space<vmem>>
      %dma_start3A_124 = tpu.memref_squeeze %dma_start3A_123 : memref<1x128xi32, #tpu.memory_space<vmem>> -> memref<128xi32, #tpu.memory_space<vmem>>
      %dma_start3A_125 = arith.constant 0 : i32
      %dma_start3A_126 = arith.constant 0 : i32
      %dma_start3A_127 = tpu.memref_slice %arg13[%dma_start3A_125, %dma_start3A_126] : memref<10240x64xf32, #tpu.memory_space<vmem_shared>> -> memref<10240x64xf32, #tpu.memory_space<vmem_shared>>
      tpu.enqueue_indirect_dma source(%arg8 : memref<128x64xf32, #tpu.memory_space<vmem>>) target(%dma_start3A_127 : memref<10240x64xf32, #tpu.memory_space<vmem_shared>>) offsets(%dma_start3A_124 : memref<128xi32, #tpu.memory_space<vmem>>) semaphore(%arg19 : memref<!tpu.dma_semaphore, #tpu.memory_space<semaphore_mem>>) {add = true}
      %add3A_128 = arith.constant 1 : i32
      %add3A_129 = arith.addi %add3A_107, %add3A_128 : i32
      %dma_wait3A_130 = arith.constant 0 : i32
      %dma_wait3A_131 = tpu.memref_slice %arg6[%add3A_129, %dma_wait3A_130] : memref<160x128xi32, #tpu.memory_space<vmem>> -> memref<1x128xi32, #tpu.memory_space<vmem>>
      %dma_wait3A_132 = tpu.memref_squeeze %dma_wait3A_131 : memref<1x128xi32, #tpu.memory_space<vmem>> -> memref<128xi32, #tpu.memory_space<vmem>>
      %dma_wait3A_133 = arith.constant 0 : i32
      %dma_wait3A_134 = arith.constant 0 : i32
      %dma_wait3A_135 = tpu.memref_slice %arg2[%arg0, %dma_wait3A_133, %dma_wait3A_134] : memref<2x10000x64xf32, #tpu.memory_space<hbm>> -> memref<1x10000x64xf32, #tpu.memory_space<hbm>>
      %dma_wait3A_136 = tpu.memref_squeeze %dma_wait3A_135 : memref<1x10000x64xf32, #tpu.memory_space<hbm>> -> memref<10000x64xf32, #tpu.memory_space<hbm>>
      %dma_wait3A_137 = arith.constant 0 : i32
      %dma_wait3A_138 = arith.constant 0 : i32
      %dma_wait3A_139 = tpu.memref_slice %dma_wait3A_136[%dma_wait3A_137, %dma_wait3A_138] : memref<10000x64xf32, #tpu.memory_space<hbm>> -> memref<10000x64xf32, #tpu.memory_space<hbm>>
      tpu.wait_indirect_dma semaphore(%arg15 : memref<!tpu.dma_semaphore, #tpu.memory_space<semaphore_mem>>) src(%dma_wait3A_139 : memref<10000x64xf32, #tpu.memory_space<hbm>>) dst(%arg9 : memref<128x64xf32, #tpu.memory_space<vmem>>)
      %add3A_140 = arith.constant 1 : i32
      %add3A_141 = arith.addi %add3A_107, %add3A_140 : i32
      %dma_start3A_142 = arith.constant 0 : i32
      %dma_start3A_143 = tpu.memref_slice %arg7[%add3A_141, %dma_start3A_142] : memref<160x128xi32, #tpu.memory_space<vmem>> -> memref<1x128xi32, #tpu.memory_space<vmem>>
      %dma_start3A_144 = tpu.memref_squeeze %dma_start3A_143 : memref<1x128xi32, #tpu.memory_space<vmem>> -> memref<128xi32, #tpu.memory_space<vmem>>
      %dma_start3A_145 = arith.constant 0 : i32
      %dma_start3A_146 = arith.constant 0 : i32
      %dma_start3A_147 = tpu.memref_slice %arg13[%dma_start3A_145, %dma_start3A_146] : memref<10240x64xf32, #tpu.memory_space<vmem_shared>> -> memref<10240x64xf32, #tpu.memory_space<vmem_shared>>
      tpu.enqueue_indirect_dma source(%arg9 : memref<128x64xf32, #tpu.memory_space<vmem>>) target(%dma_start3A_147 : memref<10240x64xf32, #tpu.memory_space<vmem_shared>>) offsets(%dma_start3A_144 : memref<128xi32, #tpu.memory_space<vmem>>) semaphore(%arg20 : memref<!tpu.dma_semaphore, #tpu.memory_space<semaphore_mem>>) {add = true}
      %add3A_148 = arith.constant 2 : i32
      %add3A_149 = arith.addi %add3A_107, %add3A_148 : i32
      %dma_wait3A_150 = arith.constant 0 : i32
      %dma_wait3A_151 = tpu.memref_slice %arg6[%add3A_149, %dma_wait3A_150] : memref<160x128xi32, #tpu.memory_space<vmem>> -> memref<1x128xi32, #tpu.memory_space<vmem>>
      %dma_wait3A_152 = tpu.memref_squeeze %dma_wait3A_151 : memref<1x128xi32, #tpu.memory_space<vmem>> -> memref<128xi32, #tpu.memory_space<vmem>>
      %dma_wait3A_153 = arith.constant 0 : i32
      %dma_wait3A_154 = arith.constant 0 : i32
      %dma_wait3A_155 = tpu.memref_slice %arg2[%arg0, %dma_wait3A_153, %dma_wait3A_154] : memref<2x10000x64xf32, #tpu.memory_space<hbm>> -> memref<1x10000x64xf32, #tpu.memory_space<hbm>>
      %dma_wait3A_156 = tpu.memref_squeeze %dma_wait3A_155 : memref<1x10000x64xf32, #tpu.memory_space<hbm>> -> memref<10000x64xf32, #tpu.memory_space<hbm>>
      %dma_wait3A_157 = arith.constant 0 : i32
      %dma_wait3A_158 = arith.constant 0 : i32
      %dma_wait3A_159 = tpu.memref_slice %dma_wait3A_156[%dma_wait3A_157, %dma_wait3A_158] : memref<10000x64xf32, #tpu.memory_space<hbm>> -> memref<10000x64xf32, #tpu.memory_space<hbm>>
      tpu.wait_indirect_dma semaphore(%arg16 : memref<!tpu.dma_semaphore, #tpu.memory_space<semaphore_mem>>) src(%dma_wait3A_159 : memref<10000x64xf32, #tpu.memory_space<hbm>>) dst(%arg10 : memref<128x64xf32, #tpu.memory_space<vmem>>)
      %add3A_160 = arith.constant 2 : i32
      %add3A_161 = arith.addi %add3A_107, %add3A_160 : i32
      %dma_start3A_162 = arith.constant 0 : i32
      %dma_start3A_163 = tpu.memref_slice %arg7[%add3A_161, %dma_start3A_162] : memref<160x128xi32, #tpu.memory_space<vmem>> -> memref<1x128xi32, #tpu.memory_space<vmem>>
      %dma_start3A_164 = tpu.memref_squeeze %dma_start3A_163 : memref<1x128xi32, #tpu.memory_space<vmem>> -> memref<128xi32, #tpu.memory_space<vmem>>
      %dma_start3A_165 = arith.constant 0 : i32
      %dma_start3A_166 = arith.constant 0 : i32
      %dma_start3A_167 = tpu.memref_slice %arg13[%dma_start3A_165, %dma_start3A_166] : memref<10240x64xf32, #tpu.memory_space<vmem_shared>> -> memref<10240x64xf32, #tpu.memory_space<vmem_shared>>
      tpu.enqueue_indirect_dma source(%arg10 : memref<128x64xf32, #tpu.memory_space<vmem>>) target(%dma_start3A_167 : memref<10240x64xf32, #tpu.memory_space<vmem_shared>>) offsets(%dma_start3A_164 : memref<128xi32, #tpu.memory_space<vmem>>) semaphore(%arg21 : memref<!tpu.dma_semaphore, #tpu.memory_space<semaphore_mem>>) {add = true}
      %add3A_168 = arith.constant 3 : i32
      %add3A_169 = arith.addi %add3A_107, %add3A_168 : i32
      %dma_wait3A_170 = arith.constant 0 : i32
      %dma_wait3A_171 = tpu.memref_slice %arg6[%add3A_169, %dma_wait3A_170] : memref<160x128xi32, #tpu.memory_space<vmem>> -> memref<1x128xi32, #tpu.memory_space<vmem>>
      %dma_wait3A_172 = tpu.memref_squeeze %dma_wait3A_171 : memref<1x128xi32, #tpu.memory_space<vmem>> -> memref<128xi32, #tpu.memory_space<vmem>>
      %dma_wait3A_173 = arith.constant 0 : i32
      %dma_wait3A_174 = arith.constant 0 : i32
      %dma_wait3A_175 = tpu.memref_slice %arg2[%arg0, %dma_wait3A_173, %dma_wait3A_174] : memref<2x10000x64xf32, #tpu.memory_space<hbm>> -> memref<1x10000x64xf32, #tpu.memory_space<hbm>>
      %dma_wait3A_176 = tpu.memref_squeeze %dma_wait3A_175 : memref<1x10000x64xf32, #tpu.memory_space<hbm>> -> memref<10000x64xf32, #tpu.memory_space<hbm>>
      %dma_wait3A_177 = arith.constant 0 : i32
      %dma_wait3A_178 = arith.constant 0 : i32
      %dma_wait3A_179 = tpu.memref_slice %dma_wait3A_176[%dma_wait3A_177, %dma_wait3A_178] : memref<10000x64xf32, #tpu.memory_space<hbm>> -> memref<10000x64xf32, #tpu.memory_space<hbm>>
      tpu.wait_indirect_dma semaphore(%arg17 : memref<!tpu.dma_semaphore, #tpu.memory_space<semaphore_mem>>) src(%dma_wait3A_179 : memref<10000x64xf32, #tpu.memory_space<hbm>>) dst(%arg11 : memref<128x64xf32, #tpu.memory_space<vmem>>)
      %add3A_180 = arith.constant 3 : i32
      %add3A_181 = arith.addi %add3A_107, %add3A_180 : i32
      %dma_start3A_182 = arith.constant 0 : i32
      %dma_start3A_183 = tpu.memref_slice %arg7[%add3A_181, %dma_start3A_182] : memref<160x128xi32, #tpu.memory_space<vmem>> -> memref<1x128xi32, #tpu.memory_space<vmem>>
      %dma_start3A_184 = tpu.memref_squeeze %dma_start3A_183 : memref<1x128xi32, #tpu.memory_space<vmem>> -> memref<128xi32, #tpu.memory_space<vmem>>
      %dma_start3A_185 = arith.constant 0 : i32
      %dma_start3A_186 = arith.constant 0 : i32
      %dma_start3A_187 = tpu.memref_slice %arg13[%dma_start3A_185, %dma_start3A_186] : memref<10240x64xf32, #tpu.memory_space<vmem_shared>> -> memref<10240x64xf32, #tpu.memory_space<vmem_shared>>
      tpu.enqueue_indirect_dma source(%arg11 : memref<128x64xf32, #tpu.memory_space<vmem>>) target(%dma_start3A_187 : memref<10240x64xf32, #tpu.memory_space<vmem_shared>>) offsets(%dma_start3A_184 : memref<128xi32, #tpu.memory_space<vmem>>) semaphore(%arg22 : memref<!tpu.dma_semaphore, #tpu.memory_space<semaphore_mem>>) {add = true}
      %add3A_188 = arith.constant 4 : i32
      %add3A_189 = arith.addi %add3A_107, %add3A_188 : i32
      %dma_wait3A_190 = arith.constant 0 : i32
      %dma_wait3A_191 = tpu.memref_slice %arg6[%add3A_189, %dma_wait3A_190] : memref<160x128xi32, #tpu.memory_space<vmem>> -> memref<1x128xi32, #tpu.memory_space<vmem>>
      %dma_wait3A_192 = tpu.memref_squeeze %dma_wait3A_191 : memref<1x128xi32, #tpu.memory_space<vmem>> -> memref<128xi32, #tpu.memory_space<vmem>>
      %dma_wait3A_193 = arith.constant 0 : i32
      %dma_wait3A_194 = arith.constant 0 : i32
      %dma_wait3A_195 = tpu.memref_slice %arg2[%arg0, %dma_wait3A_193, %dma_wait3A_194] : memref<2x10000x64xf32, #tpu.memory_space<hbm>> -> memref<1x10000x64xf32, #tpu.memory_space<hbm>>
      %dma_wait3A_196 = tpu.memref_squeeze %dma_wait3A_195 : memref<1x10000x64xf32, #tpu.memory_space<hbm>> -> memref<10000x64xf32, #tpu.memory_space<hbm>>
      %dma_wait3A_197 = arith.constant 0 : i32
      %dma_wait3A_198 = arith.constant 0 : i32
      %dma_wait3A_199 = tpu.memref_slice %dma_wait3A_196[%dma_wait3A_197, %dma_wait3A_198] : memref<10000x64xf32, #tpu.memory_space<hbm>> -> memref<10000x64xf32, #tpu.memory_space<hbm>>
      tpu.wait_indirect_dma semaphore(%arg18 : memref<!tpu.dma_semaphore, #tpu.memory_space<semaphore_mem>>) src(%dma_wait3A_199 : memref<10000x64xf32, #tpu.memory_space<hbm>>) dst(%arg12 : memref<128x64xf32, #tpu.memory_space<vmem>>)
      %add3A_200 = arith.constant 4 : i32
      %add3A_201 = arith.addi %add3A_107, %add3A_200 : i32
      %dma_start3A_202 = arith.constant 0 : i32
      %dma_start3A_203 = tpu.memref_slice %arg7[%add3A_201, %dma_start3A_202] : memref<160x128xi32, #tpu.memory_space<vmem>> -> memref<1x128xi32, #tpu.memory_space<vmem>>
      %dma_start3A_204 = tpu.memref_squeeze %dma_start3A_203 : memref<1x128xi32, #tpu.memory_space<vmem>> -> memref<128xi32, #tpu.memory_space<vmem>>
      %dma_start3A_205 = arith.constant 0 : i32
      %dma_start3A_206 = arith.constant 0 : i32
      %dma_start3A_207 = tpu.memref_slice %arg13[%dma_start3A_205, %dma_start3A_206] : memref<10240x64xf32, #tpu.memory_space<vmem_shared>> -> memref<10240x64xf32, #tpu.memory_space<vmem_shared>>
      tpu.enqueue_indirect_dma source(%arg12 : memref<128x64xf32, #tpu.memory_space<vmem>>) target(%dma_start3A_207 : memref<10240x64xf32, #tpu.memory_space<vmem_shared>>) offsets(%dma_start3A_204 : memref<128xi32, #tpu.memory_space<vmem>>) semaphore(%arg23 : memref<!tpu.dma_semaphore, #tpu.memory_space<semaphore_mem>>) {add = true}
      %add3A_208 = arith.constant 0 : i32
      %add3A_209 = arith.addi %add3A_107, %add3A_208 : i32
      %dma_wait3A_210 = arith.constant 0 : i32
      %dma_wait3A_211 = tpu.memref_slice %arg7[%add3A_209, %dma_wait3A_210] : memref<160x128xi32, #tpu.memory_space<vmem>> -> memref<1x128xi32, #tpu.memory_space<vmem>>
      %dma_wait3A_212 = tpu.memref_squeeze %dma_wait3A_211 : memref<1x128xi32, #tpu.memory_space<vmem>> -> memref<128xi32, #tpu.memory_space<vmem>>
      %dma_wait3A_213 = arith.constant 0 : i32
      %dma_wait3A_214 = arith.constant 0 : i32
      %dma_wait3A_215 = tpu.memref_slice %arg13[%dma_wait3A_213, %dma_wait3A_214] : memref<10240x64xf32, #tpu.memory_space<vmem_shared>> -> memref<10240x64xf32, #tpu.memory_space<vmem_shared>>
      tpu.wait_indirect_dma semaphore(%arg19 : memref<!tpu.dma_semaphore, #tpu.memory_space<semaphore_mem>>) src(%arg8 : memref<128x64xf32, #tpu.memory_space<vmem>>) dst(%dma_wait3A_215 : memref<10240x64xf32, #tpu.memory_space<vmem_shared>>)
      %add3A_216 = arith.constant 5 : i32
      %add3A_217 = arith.addi %add3A_107, %add3A_216 : i32
      %add3A_218 = arith.constant 0 : i32
      %add3A_219 = arith.addi %add3A_217, %add3A_218 : i32
      %lt3A = arith.constant 160 : i32
      %lt3A_220 = arith.cmpi slt, %add3A_219, %lt3A : i32
      %convert_element_type3A = arith.extui %lt3A_220 : i1 to i32
      %cond3A = arith.constant 0 : i32
      %cond3A_221 = arith.cmpi ne, %convert_element_type3A, %cond3A : i32
      scf.if %cond3A_221 {
        %add3A_290 = arith.constant 5 : i32
        %add3A_291 = arith.addi %add3A_107, %add3A_290 : i32
        %add3A_292 = arith.constant 0 : i32
        %add3A_293 = arith.addi %add3A_291, %add3A_292 : i32
        %dma_start3A_294 = arith.constant 0 : i32
        %dma_start3A_295 = tpu.memref_slice %arg6[%add3A_293, %dma_start3A_294] : memref<160x128xi32, #tpu.memory_space<vmem>> -> memref<1x128xi32, #tpu.memory_space<vmem>>
        %dma_start3A_296 = tpu.memref_squeeze %dma_start3A_295 : memref<1x128xi32, #tpu.memory_space<vmem>> -> memref<128xi32, #tpu.memory_space<vmem>>
        %dma_start3A_297 = arith.constant 0 : i32
        %dma_start3A_298 = arith.constant 0 : i32
        %dma_start3A_299 = tpu.memref_slice %arg2[%arg0, %dma_start3A_297, %dma_start3A_298] : memref<2x10000x64xf32, #tpu.memory_space<hbm>> -> memref<1x10000x64xf32, #tpu.memory_space<hbm>>
        %dma_start3A_300 = tpu.memref_squeeze %dma_start3A_299 : memref<1x10000x64xf32, #tpu.memory_space<hbm>> -> memref<10000x64xf32, #tpu.memory_space<hbm>>
        %dma_start3A_301 = arith.constant 0 : i32
        %dma_start3A_302 = arith.constant 0 : i32
        %dma_start3A_303 = tpu.memref_slice %dma_start3A_300[%dma_start3A_301, %dma_start3A_302] : memref<10000x64xf32, #tpu.memory_space<hbm>> -> memref<10000x64xf32, #tpu.memory_space<hbm>>
        tpu.enqueue_indirect_dma source(%dma_start3A_303 : memref<10000x64xf32, #tpu.memory_space<hbm>>) target(%arg8 : memref<128x64xf32, #tpu.memory_space<vmem>>) offsets(%dma_start3A_296 : memref<128xi32, #tpu.memory_space<vmem>>) semaphore(%arg14 : memref<!tpu.dma_semaphore, #tpu.memory_space<semaphore_mem>>)
      } else {
      }
      %add3A_222 = arith.constant 1 : i32
      %add3A_223 = arith.addi %add3A_107, %add3A_222 : i32
      %dma_wait3A_224 = arith.constant 0 : i32
      %dma_wait3A_225 = tpu.memref_slice %arg7[%add3A_223, %dma_wait3A_224] : memref<160x128xi32, #tpu.memory_space<vmem>> -> memref<1x128xi32, #tpu.memory_space<vmem>>
      %dma_wait3A_226 = tpu.memref_squeeze %dma_wait3A_225 : memref<1x128xi32, #tpu.memory_space<vmem>> -> memref<128xi32, #tpu.memory_space<vmem>>
      %dma_wait3A_227 = arith.constant 0 : i32
      %dma_wait3A_228 = arith.constant 0 : i32
      %dma_wait3A_229 = tpu.memref_slice %arg13[%dma_wait3A_227, %dma_wait3A_228] : memref<10240x64xf32, #tpu.memory_space<vmem_shared>> -> memref<10240x64xf32, #tpu.memory_space<vmem_shared>>
      tpu.wait_indirect_dma semaphore(%arg20 : memref<!tpu.dma_semaphore, #tpu.memory_space<semaphore_mem>>) src(%arg9 : memref<128x64xf32, #tpu.memory_space<vmem>>) dst(%dma_wait3A_229 : memref<10240x64xf32, #tpu.memory_space<vmem_shared>>)
      %add3A_230 = arith.constant 5 : i32
      %add3A_231 = arith.addi %add3A_107, %add3A_230 : i32
      %add3A_232 = arith.constant 1 : i32
      %add3A_233 = arith.addi %add3A_231, %add3A_232 : i32
      %lt3A_234 = arith.constant 160 : i32
      %lt3A_235 = arith.cmpi slt, %add3A_233, %lt3A_234 : i32
      %convert_element_type3A_236 = arith.extui %lt3A_235 : i1 to i32
      %cond3A_237 = arith.constant 0 : i32
      %cond3A_238 = arith.cmpi ne, %convert_element_type3A_236, %cond3A_237 : i32
      scf.if %cond3A_238 {
        %add3A_290 = arith.constant 5 : i32
        %add3A_291 = arith.addi %add3A_107, %add3A_290 : i32
        %add3A_292 = arith.constant 1 : i32
        %add3A_293 = arith.addi %add3A_291, %add3A_292 : i32
        %dma_start3A_294 = arith.constant 0 : i32
        %dma_start3A_295 = tpu.memref_slice %arg6[%add3A_293, %dma_start3A_294] : memref<160x128xi32, #tpu.memory_space<vmem>> -> memref<1x128xi32, #tpu.memory_space<vmem>>
        %dma_start3A_296 = tpu.memref_squeeze %dma_start3A_295 : memref<1x128xi32, #tpu.memory_space<vmem>> -> memref<128xi32, #tpu.memory_space<vmem>>
        %dma_start3A_297 = arith.constant 0 : i32
        %dma_start3A_298 = arith.constant 0 : i32
        %dma_start3A_299 = tpu.memref_slice %arg2[%arg0, %dma_start3A_297, %dma_start3A_298] : memref<2x10000x64xf32, #tpu.memory_space<hbm>> -> memref<1x10000x64xf32, #tpu.memory_space<hbm>>
        %dma_start3A_300 = tpu.memref_squeeze %dma_start3A_299 : memref<1x10000x64xf32, #tpu.memory_space<hbm>> -> memref<10000x64xf32, #tpu.memory_space<hbm>>
        %dma_start3A_301 = arith.constant 0 : i32
        %dma_start3A_302 = arith.constant 0 : i32
        %dma_start3A_303 = tpu.memref_slice %dma_start3A_300[%dma_start3A_301, %dma_start3A_302] : memref<10000x64xf32, #tpu.memory_space<hbm>> -> memref<10000x64xf32, #tpu.memory_space<hbm>>
        tpu.enqueue_indirect_dma source(%dma_start3A_303 : memref<10000x64xf32, #tpu.memory_space<hbm>>) target(%arg9 : memref<128x64xf32, #tpu.memory_space<vmem>>) offsets(%dma_start3A_296 : memref<128xi32, #tpu.memory_space<vmem>>) semaphore(%arg15 : memref<!tpu.dma_semaphore, #tpu.memory_space<semaphore_mem>>)
      } else {
      }
      %add3A_239 = arith.constant 2 : i32
      %add3A_240 = arith.addi %add3A_107, %add3A_239 : i32
      %dma_wait3A_241 = arith.constant 0 : i32
      %dma_wait3A_242 = tpu.memref_slice %arg7[%add3A_240, %dma_wait3A_241] : memref<160x128xi32, #tpu.memory_space<vmem>> -> memref<1x128xi32, #tpu.memory_space<vmem>>
      %dma_wait3A_243 = tpu.memref_squeeze %dma_wait3A_242 : memref<1x128xi32, #tpu.memory_space<vmem>> -> memref<128xi32, #tpu.memory_space<vmem>>
      %dma_wait3A_244 = arith.constant 0 : i32
      %dma_wait3A_245 = arith.constant 0 : i32
      %dma_wait3A_246 = tpu.memref_slice %arg13[%dma_wait3A_244, %dma_wait3A_245] : memref<10240x64xf32, #tpu.memory_space<vmem_shared>> -> memref<10240x64xf32, #tpu.memory_space<vmem_shared>>
      tpu.wait_indirect_dma semaphore(%arg21 : memref<!tpu.dma_semaphore, #tpu.memory_space<semaphore_mem>>) src(%arg10 : memref<128x64xf32, #tpu.memory_space<vmem>>) dst(%dma_wait3A_246 : memref<10240x64xf32, #tpu.memory_space<vmem_shared>>)
      %add3A_247 = arith.constant 5 : i32
      %add3A_248 = arith.addi %add3A_107, %add3A_247 : i32
      %add3A_249 = arith.constant 2 : i32
      %add3A_250 = arith.addi %add3A_248, %add3A_249 : i32
      %lt3A_251 = arith.constant 160 : i32
      %lt3A_252 = arith.cmpi slt, %add3A_250, %lt3A_251 : i32
      %convert_element_type3A_253 = arith.extui %lt3A_252 : i1 to i32
      %cond3A_254 = arith.constant 0 : i32
      %cond3A_255 = arith.cmpi ne, %convert_element_type3A_253, %cond3A_254 : i32
      scf.if %cond3A_255 {
        %add3A_290 = arith.constant 5 : i32
        %add3A_291 = arith.addi %add3A_107, %add3A_290 : i32
        %add3A_292 = arith.constant 2 : i32
        %add3A_293 = arith.addi %add3A_291, %add3A_292 : i32
        %dma_start3A_294 = arith.constant 0 : i32
        %dma_start3A_295 = tpu.memref_slice %arg6[%add3A_293, %dma_start3A_294] : memref<160x128xi32, #tpu.memory_space<vmem>> -> memref<1x128xi32, #tpu.memory_space<vmem>>
        %dma_start3A_296 = tpu.memref_squeeze %dma_start3A_295 : memref<1x128xi32, #tpu.memory_space<vmem>> -> memref<128xi32, #tpu.memory_space<vmem>>
        %dma_start3A_297 = arith.constant 0 : i32
        %dma_start3A_298 = arith.constant 0 : i32
        %dma_start3A_299 = tpu.memref_slice %arg2[%arg0, %dma_start3A_297, %dma_start3A_298] : memref<2x10000x64xf32, #tpu.memory_space<hbm>> -> memref<1x10000x64xf32, #tpu.memory_space<hbm>>
        %dma_start3A_300 = tpu.memref_squeeze %dma_start3A_299 : memref<1x10000x64xf32, #tpu.memory_space<hbm>> -> memref<10000x64xf32, #tpu.memory_space<hbm>>
        %dma_start3A_301 = arith.constant 0 : i32
        %dma_start3A_302 = arith.constant 0 : i32
        %dma_start3A_303 = tpu.memref_slice %dma_start3A_300[%dma_start3A_301, %dma_start3A_302] : memref<10000x64xf32, #tpu.memory_space<hbm>> -> memref<10000x64xf32, #tpu.memory_space<hbm>>
        tpu.enqueue_indirect_dma source(%dma_start3A_303 : memref<10000x64xf32, #tpu.memory_space<hbm>>) target(%arg10 : memref<128x64xf32, #tpu.memory_space<vmem>>) offsets(%dma_start3A_296 : memref<128xi32, #tpu.memory_space<vmem>>) semaphore(%arg16 : memref<!tpu.dma_semaphore, #tpu.memory_space<semaphore_mem>>)
      } else {
      }
      %add3A_256 = arith.constant 3 : i32
      %add3A_257 = arith.addi %add3A_107, %add3A_256 : i32
      %dma_wait3A_258 = arith.constant 0 : i32
      %dma_wait3A_259 = tpu.memref_slice %arg7[%add3A_257, %dma_wait3A_258] : memref<160x128xi32, #tpu.memory_space<vmem>> -> memref<1x128xi32, #tpu.memory_space<vmem>>
      %dma_wait3A_260 = tpu.memref_squeeze %dma_wait3A_259 : memref<1x128xi32, #tpu.memory_space<vmem>> -> memref<128xi32, #tpu.memory_space<vmem>>
      %dma_wait3A_261 = arith.constant 0 : i32
      %dma_wait3A_262 = arith.constant 0 : i32
      %dma_wait3A_263 = tpu.memref_slice %arg13[%dma_wait3A_261, %dma_wait3A_262] : memref<10240x64xf32, #tpu.memory_space<vmem_shared>> -> memref<10240x64xf32, #tpu.memory_space<vmem_shared>>
      tpu.wait_indirect_dma semaphore(%arg22 : memref<!tpu.dma_semaphore, #tpu.memory_space<semaphore_mem>>) src(%arg11 : memref<128x64xf32, #tpu.memory_space<vmem>>) dst(%dma_wait3A_263 : memref<10240x64xf32, #tpu.memory_space<vmem_shared>>)
      %add3A_264 = arith.constant 5 : i32
      %add3A_265 = arith.addi %add3A_107, %add3A_264 : i32
      %add3A_266 = arith.constant 3 : i32
      %add3A_267 = arith.addi %add3A_265, %add3A_266 : i32
      %lt3A_268 = arith.constant 160 : i32
      %lt3A_269 = arith.cmpi slt, %add3A_267, %lt3A_268 : i32
      %convert_element_type3A_270 = arith.extui %lt3A_269 : i1 to i32
      %cond3A_271 = arith.constant 0 : i32
      %cond3A_272 = arith.cmpi ne, %convert_element_type3A_270, %cond3A_271 : i32
      scf.if %cond3A_272 {
        %add3A_290 = arith.constant 5 : i32
        %add3A_291 = arith.addi %add3A_107, %add3A_290 : i32
        %add3A_292 = arith.constant 3 : i32
        %add3A_293 = arith.addi %add3A_291, %add3A_292 : i32
        %dma_start3A_294 = arith.constant 0 : i32
        %dma_start3A_295 = tpu.memref_slice %arg6[%add3A_293, %dma_start3A_294] : memref<160x128xi32, #tpu.memory_space<vmem>> -> memref<1x128xi32, #tpu.memory_space<vmem>>
        %dma_start3A_296 = tpu.memref_squeeze %dma_start3A_295 : memref<1x128xi32, #tpu.memory_space<vmem>> -> memref<128xi32, #tpu.memory_space<vmem>>
        %dma_start3A_297 = arith.constant 0 : i32
        %dma_start3A_298 = arith.constant 0 : i32
        %dma_start3A_299 = tpu.memref_slice %arg2[%arg0, %dma_start3A_297, %dma_start3A_298] : memref<2x10000x64xf32, #tpu.memory_space<hbm>> -> memref<1x10000x64xf32, #tpu.memory_space<hbm>>
        %dma_start3A_300 = tpu.memref_squeeze %dma_start3A_299 : memref<1x10000x64xf32, #tpu.memory_space<hbm>> -> memref<10000x64xf32, #tpu.memory_space<hbm>>
        %dma_start3A_301 = arith.constant 0 : i32
        %dma_start3A_302 = arith.constant 0 : i32
        %dma_start3A_303 = tpu.memref_slice %dma_start3A_300[%dma_start3A_301, %dma_start3A_302] : memref<10000x64xf32, #tpu.memory_space<hbm>> -> memref<10000x64xf32, #tpu.memory_space<hbm>>
        tpu.enqueue_indirect_dma source(%dma_start3A_303 : memref<10000x64xf32, #tpu.memory_space<hbm>>) target(%arg11 : memref<128x64xf32, #tpu.memory_space<vmem>>) offsets(%dma_start3A_296 : memref<128xi32, #tpu.memory_space<vmem>>) semaphore(%arg17 : memref<!tpu.dma_semaphore, #tpu.memory_space<semaphore_mem>>)
      } else {
      }
      %add3A_273 = arith.constant 4 : i32
      %add3A_274 = arith.addi %add3A_107, %add3A_273 : i32
      %dma_wait3A_275 = arith.constant 0 : i32
      %dma_wait3A_276 = tpu.memref_slice %arg7[%add3A_274, %dma_wait3A_275] : memref<160x128xi32, #tpu.memory_space<vmem>> -> memref<1x128xi32, #tpu.memory_space<vmem>>
      %dma_wait3A_277 = tpu.memref_squeeze %dma_wait3A_276 : memref<1x128xi32, #tpu.memory_space<vmem>> -> memref<128xi32, #tpu.memory_space<vmem>>
      %dma_wait3A_278 = arith.constant 0 : i32
      %dma_wait3A_279 = arith.constant 0 : i32
      %dma_wait3A_280 = tpu.memref_slice %arg13[%dma_wait3A_278, %dma_wait3A_279] : memref<10240x64xf32, #tpu.memory_space<vmem_shared>> -> memref<10240x64xf32, #tpu.memory_space<vmem_shared>>
      tpu.wait_indirect_dma semaphore(%arg23 : memref<!tpu.dma_semaphore, #tpu.memory_space<semaphore_mem>>) src(%arg12 : memref<128x64xf32, #tpu.memory_space<vmem>>) dst(%dma_wait3A_280 : memref<10240x64xf32, #tpu.memory_space<vmem_shared>>)
      %add3A_281 = arith.constant 5 : i32
      %add3A_282 = arith.addi %add3A_107, %add3A_281 : i32
      %add3A_283 = arith.constant 4 : i32
      %add3A_284 = arith.addi %add3A_282, %add3A_283 : i32
      %lt3A_285 = arith.constant 160 : i32
      %lt3A_286 = arith.cmpi slt, %add3A_284, %lt3A_285 : i32
      %convert_element_type3A_287 = arith.extui %lt3A_286 : i1 to i32
      %cond3A_288 = arith.constant 0 : i32
      %cond3A_289 = arith.cmpi ne, %convert_element_type3A_287, %cond3A_288 : i32
      scf.if %cond3A_289 {
        %add3A_290 = arith.constant 5 : i32
        %add3A_291 = arith.addi %add3A_107, %add3A_290 : i32
        %add3A_292 = arith.constant 4 : i32
        %add3A_293 = arith.addi %add3A_291, %add3A_292 : i32
        %dma_start3A_294 = arith.constant 0 : i32
        %dma_start3A_295 = tpu.memref_slice %arg6[%add3A_293, %dma_start3A_294] : memref<160x128xi32, #tpu.memory_space<vmem>> -> memref<1x128xi32, #tpu.memory_space<vmem>>
        %dma_start3A_296 = tpu.memref_squeeze %dma_start3A_295 : memref<1x128xi32, #tpu.memory_space<vmem>> -> memref<128xi32, #tpu.memory_space<vmem>>
        %dma_start3A_297 = arith.constant 0 : i32
        %dma_start3A_298 = arith.constant 0 : i32
        %dma_start3A_299 = tpu.memref_slice %arg2[%arg0, %dma_start3A_297, %dma_start3A_298] : memref<2x10000x64xf32, #tpu.memory_space<hbm>> -> memref<1x10000x64xf32, #tpu.memory_space<hbm>>
        %dma_start3A_300 = tpu.memref_squeeze %dma_start3A_299 : memref<1x10000x64xf32, #tpu.memory_space<hbm>> -> memref<10000x64xf32, #tpu.memory_space<hbm>>
        %dma_start3A_301 = arith.constant 0 : i32
        %dma_start3A_302 = arith.constant 0 : i32
        %dma_start3A_303 = tpu.memref_slice %dma_start3A_300[%dma_start3A_301, %dma_start3A_302] : memref<10000x64xf32, #tpu.memory_space<hbm>> -> memref<10000x64xf32, #tpu.memory_space<hbm>>
        tpu.enqueue_indirect_dma source(%dma_start3A_303 : memref<10000x64xf32, #tpu.memory_space<hbm>>) target(%arg12 : memref<128x64xf32, #tpu.memory_space<vmem>>) offsets(%dma_start3A_296 : memref<128xi32, #tpu.memory_space<vmem>>) semaphore(%arg18 : memref<!tpu.dma_semaphore, #tpu.memory_space<semaphore_mem>>)
      } else {
      }
    }
    %scan3A_98 = arith.constant 32 : i32
    %barrier3A_99 = arith.constant 0 : index
    tpu.barrier barrier_id(%barrier3A_99)
    %scan3A_100 = arith.constant 0 : i32
    %scan3A_101 = arith.constant 5 : i32
    %scan3A_102 = arith.addi %scan3A_100, %scan3A_101 : i32
    %scan3A_103 = arith.constant 1 : i32
    scf.for %scan3A_105 = %scan3A_100 to %scan3A_102 step %scan3A_103  : i32 {
      %mul3A = arith.constant 128 : i32
      %mul3A_106 = arith.muli %scan3A_105, %mul3A : i32
      %add3A = arith.constant 0 : i32
      %add3A_107 = arith.addi %add3A, %mul3A_106 : i32
      %mul3A_108 = arith.constant 640 : i32
      %mul3A_109 = arith.muli %arg1, %mul3A_108 : i32
      %add3A_110 = arith.addi %mul3A_109, %add3A_107 : i32
      %mul3A_111 = arith.constant 640 : i32
      %mul3A_112 = arith.muli %arg1, %mul3A_111 : i32
      %add3A_113 = arith.addi %mul3A_112, %add3A_107 : i32
      "tpu.region"() ({
        %run_scoped3A = tpu.sem_alloc : memref<!tpu.dma_semaphore, #tpu.memory_space<semaphore_mem>>
        %dma_start3A_114 = arith.constant 0 : i32
        %dma_start3A_115 = arith.constant 0 : i32
        %dma_start3A_116 = tpu.memref_slice %arg5[%arg0, %dma_start3A_114, %dma_start3A_115] : memref<2x10240x64xf32, #tpu.memory_space<hbm>> -> memref<1x10240x64xf32, #tpu.memory_space<hbm>>
        %dma_start3A_117 = tpu.memref_squeeze %dma_start3A_116 : memref<1x10240x64xf32, #tpu.memory_space<hbm>> -> memref<10240x64xf32, #tpu.memory_space<hbm>>
        %dma_start3A_118 = arith.constant 0 : i32
        %dma_start3A_119 = tpu.memref_slice %dma_start3A_117[%add3A_113, %dma_start3A_118] : memref<10240x64xf32, #tpu.memory_space<hbm>> -> memref<128x64xf32, #tpu.memory_space<hbm>>
        %dma_start3A_120 = arith.constant 0 : i32
        %dma_start3A_121 = tpu.memref_slice %arg13[%add3A_110, %dma_start3A_120] : memref<10240x64xf32, #tpu.memory_space<vmem_shared>> -> memref<128x64xf32, #tpu.memory_space<vmem_shared>>
        tpu.enqueue_dma source(%dma_start3A_121 : memref<128x64xf32, #tpu.memory_space<vmem_shared>>) target(%dma_start3A_119 : memref<128x64xf32, #tpu.memory_space<hbm>>) target_semaphore(%run_scoped3A : memref<!tpu.dma_semaphore, #tpu.memory_space<semaphore_mem>>)
        %dma_wait3A_122 = arith.constant 0 : i32
        %dma_wait3A_123 = arith.constant 0 : i32
        %dma_wait3A_124 = tpu.memref_slice %arg5[%arg0, %dma_wait3A_122, %dma_wait3A_123] : memref<2x10240x64xf32, #tpu.memory_space<hbm>> -> memref<1x10240x64xf32, #tpu.memory_space<hbm>>
        %dma_wait3A_125 = tpu.memref_squeeze %dma_wait3A_124 : memref<1x10240x64xf32, #tpu.memory_space<hbm>> -> memref<10240x64xf32, #tpu.memory_space<hbm>>
        %dma_wait3A_126 = arith.constant 0 : i32
        %dma_wait3A_127 = tpu.memref_slice %dma_wait3A_125[%add3A_113, %dma_wait3A_126] : memref<10240x64xf32, #tpu.memory_space<hbm>> -> memref<128x64xf32, #tpu.memory_space<hbm>>
        %dma_wait3A_128 = arith.constant 0 : i32
        %dma_wait3A_129 = tpu.memref_slice %arg13[%add3A_110, %dma_wait3A_128] : memref<10240x64xf32, #tpu.memory_space<vmem_shared>> -> memref<128x64xf32, #tpu.memory_space<vmem_shared>>
        tpu.wait_dma2 semaphore(%run_scoped3A : memref<!tpu.dma_semaphore, #tpu.memory_space<semaphore_mem>>) src(%dma_wait3A_129 : memref<128x64xf32, #tpu.memory_space<vmem_shared>>) dst(%dma_wait3A_127 : memref<128x64xf32, #tpu.memory_space<hbm>>)
        tpu.yield
      }) : () -> ()
    }
    %scan3A_104 = arith.constant 5 : i32
    return
  }
}

module attributes {stable_mosaic.version = 14 : i64} {
  func.func @body(%arg0: i32, %arg1: memref<1000x128xf32, #tpu.memory_space<vmem>>, %arg2: memref<128x128xf32, #tpu.memory_space<vmem>>, %arg3: memref<1000x16xf32, #tpu.memory_space<vmem>>, %arg4: memref<1000x16xf32, #tpu.memory_space<vmem>>, %arg5: memref<2x1000x64xf32, #tpu.memory_space<vmem>>, %arg6: memref<1000x128xf32, #tpu.memory_space<vmem>>) attributes {dimension_semantics = [#tpu.dimension_semantics<arbitrary>], iteration_bounds = array<i64: 10>, scalar_prefetch = 0 : i64, scratch_operands = 0 : i64, tpu.core_type = #tpu.core_type<tc>, window_params = [{transform_indices = @transform_0, window_bounds = array<i64: 1000, 128>}, {pipeline_mode = #tpu.pipeline_mode<synchronous>, transform_indices = @transform_1, window_bounds = array<i64: 128, 128>}, {transform_indices = @transform_2, window_bounds = array<i64: 1000, 16>}, {transform_indices = @transform_3, window_bounds = array<i64: 1000, 16>}, {transform_indices = @transform_4, window_bounds = array<i64: 2, 1000, 64>}, {transform_indices = @transform_5, window_bounds = array<i64: 1000, 128>}]} {
    %get3A = arith.constant 0 : index
    %get3A_0 = arith.constant 0 : index
    %get3A_1 = vector.load %arg3[%get3A, %get3A_0] : memref<1000x16xf32, #tpu.memory_space<vmem>>, vector<1000x16xf32>
    %slice3A = vector.extract_strided_slice %get3A_1 {offsets = [0, 0], sizes = [1000, 1], strides = [1, 1]} : vector<1000x16xf32> to vector<1000x1xf32>
    %get3A_2 = arith.constant 0 : index
    %get3A_3 = arith.constant 0 : index
    %get3A_4 = vector.load %arg4[%get3A_2, %get3A_3] : memref<1000x16xf32, #tpu.memory_space<vmem>>, vector<1000x16xf32>
    %slice3A_5 = vector.extract_strided_slice %get3A_4 {offsets = [0, 0], sizes = [1000, 1], strides = [1, 1]} : vector<1000x16xf32> to vector<1000x1xf32>
    %add3A = arith.addf %slice3A, %slice3A_5 : vector<1000x1xf32>
    %add3A_6 = arith.constant 1.000000e+00 : f32
    %add3A_7 = vector.broadcast %add3A_6 : f32 to vector<1000x1xf32>
    %add3A_8 = arith.addf %add3A, %add3A_7 : vector<1000x1xf32>
    %rsqrt3A = math.rsqrt %add3A_8 : vector<1000x1xf32>
    %get3A_9 = arith.constant 0 : index
    %get3A_10 = arith.constant 0 : index
    %get3A_11 = vector.load %arg1[%get3A_9, %get3A_10] : memref<1000x128xf32, #tpu.memory_space<vmem>>, vector<1000x128xf32>
    %get3A_12 = arith.constant 0 : index
    %get3A_13 = arith.constant 0 : index
    %get3A_14 = vector.load %arg2[%get3A_12, %get3A_13] : memref<128x128xf32, #tpu.memory_space<vmem>>, vector<128x128xf32>
    %dot_general3A = arith.constant dense<0.000000e+00> : vector<1000x128xf32>
    %dot_general3A_15 = tpu.matmul %get3A_11, %get3A_14, %dot_general3A {dimension_numbers = #tpu.dot_dimension_numbers<[1], [0], [0], [1], [0, 0, 1, 1], [], []>, transpose_lhs_hint = false} : vector<1000x128xf32>, vector<128x128xf32>, vector<1000x128xf32> -> vector<1000x128xf32>
    %mul3A = vector.broadcast %rsqrt3A : vector<1000x1xf32> to vector<1000x128xf32>
    %mul3A_16 = arith.mulf %dot_general3A_15, %mul3A : vector<1000x128xf32>
    %slice3A_17 = vector.extract_strided_slice %mul3A_16 {offsets = [0, 0], sizes = [1000, 64], strides = [1, 1]} : vector<1000x128xf32> to vector<1000x64xf32>
    %swap3A = arith.constant 0 : index
    %swap3A_18 = arith.constant 0 : index
    %swap3A_19 = arith.constant 0 : index
    %swap3A_20 = vector.load %arg5[%swap3A, %swap3A_18, %swap3A_19] : memref<2x1000x64xf32, #tpu.memory_space<vmem>>, vector<1x1000x64xf32>
    %swap3A_21 = vector.shape_cast %swap3A_20 : vector<1x1000x64xf32> to vector<1000x64xf32>
    %swap3A_22 = vector.shape_cast %slice3A_17 : vector<1000x64xf32> to vector<1x1000x64xf32>
    tpu.vector_store %arg5[%swap3A, %swap3A_18, %swap3A_19], %swap3A_22 {strides = array<i32>} : memref<2x1000x64xf32, #tpu.memory_space<vmem>>, vector<1x1000x64xf32>,
    %slice3A_23 = vector.extract_strided_slice %mul3A_16 {offsets = [0, 64], sizes = [1000, 64], strides = [1, 1]} : vector<1000x128xf32> to vector<1000x64xf32>
    %swap3A_24 = arith.constant 1 : index
    %swap3A_25 = arith.constant 0 : index
    %swap3A_26 = arith.constant 0 : index
    %swap3A_27 = vector.load %arg5[%swap3A_24, %swap3A_25, %swap3A_26] : memref<2x1000x64xf32, #tpu.memory_space<vmem>>, vector<1x1000x64xf32>
    %swap3A_28 = vector.shape_cast %swap3A_27 : vector<1x1000x64xf32> to vector<1000x64xf32>
    %swap3A_29 = vector.shape_cast %slice3A_23 : vector<1000x64xf32> to vector<1x1000x64xf32>
    tpu.vector_store %arg5[%swap3A_24, %swap3A_25, %swap3A_26], %swap3A_29 {strides = array<i32>} : memref<2x1000x64xf32, #tpu.memory_space<vmem>>, vector<1x1000x64xf32>,
    %broadcast_in_dim3A = vector.shape_cast %rsqrt3A : vector<1000x1xf32> to vector<1000x1xf32>
    %broadcast_in_dim3A_30 = vector.broadcast %broadcast_in_dim3A : vector<1000x1xf32> to vector<1000x128xf32>
    %swap3A_31 = arith.constant 0 : index
    %swap3A_32 = arith.constant 0 : index
    %swap3A_33 = vector.load %arg6[%swap3A_31, %swap3A_32] : memref<1000x128xf32, #tpu.memory_space<vmem>>, vector<1000x128xf32>
    tpu.vector_store %arg6[%swap3A_31, %swap3A_32], %broadcast_in_dim3A_30 {strides = array<i32>} : memref<1000x128xf32, #tpu.memory_space<vmem>>, vector<1000x128xf32>,
    return
  }
  func.func @transform_0(%arg0: i32) -> (i32, i32) {
    %c0_i32 = arith.constant 0 : i32
    %c0_i32_0 = arith.constant 0 : i32
    return %arg0, %c0_i32 : i32, i32
  }
  func.func @transform_1(%arg0: i32) -> (i32, i32) {
    %c0_i32 = arith.constant 0 : i32
    %c0_i32_0 = arith.constant 0 : i32
    %c0_i32_1 = arith.constant 0 : i32
    return %c0_i32, %c0_i32_0 : i32, i32
  }
  func.func @transform_2(%arg0: i32) -> (i32, i32) {
    %c0_i32 = arith.constant 0 : i32
    %c0_i32_0 = arith.constant 0 : i32
    return %arg0, %c0_i32 : i32, i32
  }
  func.func @transform_3(%arg0: i32) -> (i32, i32) {
    %c0_i32 = arith.constant 0 : i32
    %c0_i32_0 = arith.constant 0 : i32
    return %arg0, %c0_i32 : i32, i32
  }
  func.func @transform_4(%arg0: i32) -> (i32, i32, i32) {
    %c0_i32 = arith.constant 0 : i32
    %c0_i32_0 = arith.constant 0 : i32
    %c0_i32_1 = arith.constant 0 : i32
    return %c0_i32, %arg0, %c0_i32_0 : i32, i32, i32
  }
  func.func @transform_5(%arg0: i32) -> (i32, i32) {
    %c0_i32 = arith.constant 0 : i32
    %c0_i32_0 = arith.constant 0 : i32
    return %arg0, %c0_i32 : i32, i32
  }
}

module attributes {stable_mosaic.version = 14 : i64} {
  func.func @body(%arg0: i32, %arg1: memref<2x1000x64xf32, #tpu.memory_space<vmem>>, %arg2: memref<2x1000x64xf32, #tpu.memory_space<vmem>>, %arg3: memref<1000x128xf32, #tpu.memory_space<vmem>>, %arg4: memref<1x128xf32, #tpu.memory_space<vmem>>, %arg5: memref<128x128xf32, #tpu.memory_space<vmem>>, %arg6: memref<2x1000x64xf32, #tpu.memory_space<vmem>>) attributes {dimension_semantics = [#tpu.dimension_semantics<arbitrary>], iteration_bounds = array<i64: 10>, scalar_prefetch = 0 : i64, scratch_operands = 0 : i64, tpu.core_type = #tpu.core_type<tc>, window_params = [{transform_indices = @transform_0, window_bounds = array<i64: 2, 1000, 64>}, {transform_indices = @transform_1, window_bounds = array<i64: 2, 1000, 64>}, {transform_indices = @transform_2, window_bounds = array<i64: 1000, 128>}, {pipeline_mode = #tpu.pipeline_mode<synchronous>, transform_indices = @transform_3, window_bounds = array<i64: 1, 128>}, {pipeline_mode = #tpu.pipeline_mode<synchronous>, transform_indices = @transform_4, window_bounds = array<i64: 128, 128>}, {transform_indices = @transform_5, window_bounds = array<i64: 2, 1000, 64>}]} {
    %get3A = arith.constant 0 : index
    %get3A_0 = arith.constant 0 : index
    %get3A_1 = arith.constant 0 : index
    %get3A_2 = vector.load %arg1[%get3A, %get3A_0, %get3A_1] : memref<2x1000x64xf32, #tpu.memory_space<vmem>>, vector<1x1000x64xf32>
    %get3A_3 = vector.shape_cast %get3A_2 : vector<1x1000x64xf32> to vector<1000x64xf32>
    %get3A_4 = arith.constant 0 : index
    %get3A_5 = arith.constant 0 : index
    %get3A_6 = arith.constant 0 : index
    %get3A_7 = vector.load %arg2[%get3A_4, %get3A_5, %get3A_6] : memref<2x1000x64xf32, #tpu.memory_space<vmem>>, vector<1x1000x64xf32>
    %get3A_8 = vector.shape_cast %get3A_7 : vector<1x1000x64xf32> to vector<1000x64xf32>
    %add3A = arith.addf %get3A_3, %get3A_8 : vector<1000x64xf32>
    %get3A_9 = arith.constant 1 : index
    %get3A_10 = arith.constant 0 : index
    %get3A_11 = arith.constant 0 : index
    %get3A_12 = vector.load %arg1[%get3A_9, %get3A_10, %get3A_11] : memref<2x1000x64xf32, #tpu.memory_space<vmem>>, vector<1x1000x64xf32>
    %get3A_13 = vector.shape_cast %get3A_12 : vector<1x1000x64xf32> to vector<1000x64xf32>
    %get3A_14 = arith.constant 1 : index
    %get3A_15 = arith.constant 0 : index
    %get3A_16 = arith.constant 0 : index
    %get3A_17 = vector.load %arg2[%get3A_14, %get3A_15, %get3A_16] : memref<2x1000x64xf32, #tpu.memory_space<vmem>>, vector<1x1000x64xf32>
    %get3A_18 = vector.shape_cast %get3A_17 : vector<1x1000x64xf32> to vector<1000x64xf32>
    %add3A_19 = arith.addf %get3A_13, %get3A_18 : vector<1000x64xf32>
    %concatenate3A = tpu.concatenate %add3A, %add3A_19 in 1 : vector<1000x64xf32>, vector<1000x64xf32> -> vector<1000x128xf32>
    %get3A_20 = arith.constant 0 : index
    %get3A_21 = arith.constant 0 : index
    %get3A_22 = vector.load %arg3[%get3A_20, %get3A_21] : memref<1000x128xf32, #tpu.memory_space<vmem>>, vector<1000x128xf32>
    %mul3A = arith.mulf %get3A_22, %concatenate3A : vector<1000x128xf32>
    %get3A_23 = arith.constant 0 : index
    %get3A_24 = arith.constant 0 : index
    %get3A_25 = vector.load %arg4[%get3A_23, %get3A_24] : memref<1x128xf32, #tpu.memory_space<vmem>>, vector<1x128xf32>
    %add3A_26 = vector.broadcast %get3A_25 : vector<1x128xf32> to vector<1000x128xf32>
    %add3A_27 = arith.addf %mul3A, %add3A_26 : vector<1000x128xf32>
    %max3A = arith.constant 0.000000e+00 : f32
    %max3A_28 = vector.broadcast %max3A : f32 to vector<1000x128xf32>
    %max3A_29 = arith.maximumf %add3A_27, %max3A_28 : vector<1000x128xf32>
    %get3A_30 = arith.constant 0 : index
    %get3A_31 = arith.constant 0 : index
    %get3A_32 = vector.load %arg3[%get3A_30, %get3A_31] : memref<1000x128xf32, #tpu.memory_space<vmem>>, vector<1000x128xf32>
    %get3A_33 = arith.constant 0 : index
    %get3A_34 = arith.constant 0 : index
    %get3A_35 = vector.load %arg5[%get3A_33, %get3A_34] : memref<128x128xf32, #tpu.memory_space<vmem>>, vector<128x128xf32>
    %dot_general3A = arith.constant dense<0.000000e+00> : vector<1000x128xf32>
    %dot_general3A_36 = tpu.matmul %max3A_29, %get3A_35, %dot_general3A {dimension_numbers = #tpu.dot_dimension_numbers<[1], [0], [0], [1], [0, 0, 1, 1], [], []>, transpose_lhs_hint = false} : vector<1000x128xf32>, vector<128x128xf32>, vector<1000x128xf32> -> vector<1000x128xf32>
    %mul3A_37 = arith.mulf %get3A_32, %dot_general3A_36 : vector<1000x128xf32>
    %slice3A = vector.extract_strided_slice %mul3A_37 {offsets = [0, 0], sizes = [1000, 64], strides = [1, 1]} : vector<1000x128xf32> to vector<1000x64xf32>
    %swap3A = arith.constant 0 : index
    %swap3A_38 = arith.constant 0 : index
    %swap3A_39 = arith.constant 0 : index
    %swap3A_40 = vector.load %arg6[%swap3A, %swap3A_38, %swap3A_39] : memref<2x1000x64xf32, #tpu.memory_space<vmem>>, vector<1x1000x64xf32>
    %swap3A_41 = vector.shape_cast %swap3A_40 : vector<1x1000x64xf32> to vector<1000x64xf32>
    %swap3A_42 = vector.shape_cast %slice3A : vector<1000x64xf32> to vector<1x1000x64xf32>
    tpu.vector_store %arg6[%swap3A, %swap3A_38, %swap3A_39], %swap3A_42 {strides = array<i32>} : memref<2x1000x64xf32, #tpu.memory_space<vmem>>, vector<1x1000x64xf32>,
    %slice3A_43 = vector.extract_strided_slice %mul3A_37 {offsets = [0, 64], sizes = [1000, 64], strides = [1, 1]} : vector<1000x128xf32> to vector<1000x64xf32>
    %swap3A_44 = arith.constant 1 : index
    %swap3A_45 = arith.constant 0 : index
    %swap3A_46 = arith.constant 0 : index
    %swap3A_47 = vector.load %arg6[%swap3A_44, %swap3A_45, %swap3A_46] : memref<2x1000x64xf32, #tpu.memory_space<vmem>>, vector<1x1000x64xf32>
    %swap3A_48 = vector.shape_cast %swap3A_47 : vector<1x1000x64xf32> to vector<1000x64xf32>
    %swap3A_49 = vector.shape_cast %slice3A_43 : vector<1000x64xf32> to vector<1x1000x64xf32>
    tpu.vector_store %arg6[%swap3A_44, %swap3A_45, %swap3A_46], %swap3A_49 {strides = array<i32>} : memref<2x1000x64xf32, #tpu.memory_space<vmem>>, vector<1x1000x64xf32>,
    return
  }
  func.func @transform_0(%arg0: i32) -> (i32, i32, i32) {
    %c0_i32 = arith.constant 0 : i32
    %c0_i32_0 = arith.constant 0 : i32
    %c0_i32_1 = arith.constant 0 : i32
    return %c0_i32, %arg0, %c0_i32_0 : i32, i32, i32
  }
  func.func @transform_1(%arg0: i32) -> (i32, i32, i32) {
    %c0_i32 = arith.constant 0 : i32
    %c0_i32_0 = arith.constant 0 : i32
    %c0_i32_1 = arith.constant 0 : i32
    return %c0_i32, %arg0, %c0_i32_0 : i32, i32, i32
  }
  func.func @transform_2(%arg0: i32) -> (i32, i32) {
    %c0_i32 = arith.constant 0 : i32
    %c0_i32_0 = arith.constant 0 : i32
    return %arg0, %c0_i32 : i32, i32
  }
  func.func @transform_3(%arg0: i32) -> (i32, i32) {
    %c0_i32 = arith.constant 0 : i32
    %c0_i32_0 = arith.constant 0 : i32
    %c0_i32_1 = arith.constant 0 : i32
    return %c0_i32, %c0_i32_0 : i32, i32
  }
  func.func @transform_4(%arg0: i32) -> (i32, i32) {
    %c0_i32 = arith.constant 0 : i32
    %c0_i32_0 = arith.constant 0 : i32
    %c0_i32_1 = arith.constant 0 : i32
    return %c0_i32, %c0_i32_0 : i32, i32
  }
  func.func @transform_5(%arg0: i32) -> (i32, i32, i32) {
    %c0_i32 = arith.constant 0 : i32
    %c0_i32_0 = arith.constant 0 : i32
    %c0_i32_1 = arith.constant 0 : i32
    return %c0_i32, %arg0, %c0_i32_0 : i32, i32, i32
  }
}

module attributes {stable_mosaic.version = 14 : i64} {
  func.func @body(%arg0: i32, %arg1: memref<2x1000x64xf32, #tpu.memory_space<vmem>>, %arg2: memref<2x1000x64xf32, #tpu.memory_space<vmem>>, %arg3: memref<1000x128xf32, #tpu.memory_space<vmem>>, %arg4: memref<1x128xf32, #tpu.memory_space<vmem>>, %arg5: memref<1000x128xf32, #tpu.memory_space<vmem>>) attributes {dimension_semantics = [#tpu.dimension_semantics<arbitrary>], iteration_bounds = array<i64: 10>, scalar_prefetch = 0 : i64, scratch_operands = 0 : i64, tpu.core_type = #tpu.core_type<tc>, window_params = [{transform_indices = @transform_0, window_bounds = array<i64: 2, 1000, 64>}, {transform_indices = @transform_1, window_bounds = array<i64: 2, 1000, 64>}, {transform_indices = @transform_2, window_bounds = array<i64: 1000, 128>}, {pipeline_mode = #tpu.pipeline_mode<synchronous>, transform_indices = @transform_3, window_bounds = array<i64: 1, 128>}, {transform_indices = @transform_4, window_bounds = array<i64: 1000, 128>}]} {
    %get3A = arith.constant 0 : index
    %get3A_0 = arith.constant 0 : index
    %get3A_1 = arith.constant 0 : index
    %get3A_2 = vector.load %arg1[%get3A, %get3A_0, %get3A_1] : memref<2x1000x64xf32, #tpu.memory_space<vmem>>, vector<1x1000x64xf32>
    %get3A_3 = vector.shape_cast %get3A_2 : vector<1x1000x64xf32> to vector<1000x64xf32>
    %get3A_4 = arith.constant 0 : index
    %get3A_5 = arith.constant 0 : index
    %get3A_6 = arith.constant 0 : index
    %get3A_7 = vector.load %arg2[%get3A_4, %get3A_5, %get3A_6] : memref<2x1000x64xf32, #tpu.memory_space<vmem>>, vector<1x1000x64xf32>
    %get3A_8 = vector.shape_cast %get3A_7 : vector<1x1000x64xf32> to vector<1000x64xf32>
    %add3A = arith.addf %get3A_3, %get3A_8 : vector<1000x64xf32>
    %get3A_9 = arith.constant 1 : index
    %get3A_10 = arith.constant 0 : index
    %get3A_11 = arith.constant 0 : index
    %get3A_12 = vector.load %arg1[%get3A_9, %get3A_10, %get3A_11] : memref<2x1000x64xf32, #tpu.memory_space<vmem>>, vector<1x1000x64xf32>
    %get3A_13 = vector.shape_cast %get3A_12 : vector<1x1000x64xf32> to vector<1000x64xf32>
    %get3A_14 = arith.constant 1 : index
    %get3A_15 = arith.constant 0 : index
    %get3A_16 = arith.constant 0 : index
    %get3A_17 = vector.load %arg2[%get3A_14, %get3A_15, %get3A_16] : memref<2x1000x64xf32, #tpu.memory_space<vmem>>, vector<1x1000x64xf32>
    %get3A_18 = vector.shape_cast %get3A_17 : vector<1x1000x64xf32> to vector<1000x64xf32>
    %add3A_19 = arith.addf %get3A_13, %get3A_18 : vector<1000x64xf32>
    %concatenate3A = tpu.concatenate %add3A, %add3A_19 in 1 : vector<1000x64xf32>, vector<1000x64xf32> -> vector<1000x128xf32>
    %get3A_20 = arith.constant 0 : index
    %get3A_21 = arith.constant 0 : index
    %get3A_22 = vector.load %arg3[%get3A_20, %get3A_21] : memref<1000x128xf32, #tpu.memory_space<vmem>>, vector<1000x128xf32>
    %mul3A = arith.mulf %get3A_22, %concatenate3A : vector<1000x128xf32>
    %get3A_23 = arith.constant 0 : index
    %get3A_24 = arith.constant 0 : index
    %get3A_25 = vector.load %arg4[%get3A_23, %get3A_24] : memref<1x128xf32, #tpu.memory_space<vmem>>, vector<1x128xf32>
    %add3A_26 = vector.broadcast %get3A_25 : vector<1x128xf32> to vector<1000x128xf32>
    %add3A_27 = arith.addf %mul3A, %add3A_26 : vector<1000x128xf32>
    %swap3A = arith.constant 0 : index
    %swap3A_28 = arith.constant 0 : index
    %swap3A_29 = vector.load %arg5[%swap3A, %swap3A_28] : memref<1000x128xf32, #tpu.memory_space<vmem>>, vector<1000x128xf32>
    tpu.vector_store %arg5[%swap3A, %swap3A_28], %add3A_27 {strides = array<i32>} : memref<1000x128xf32, #tpu.memory_space<vmem>>, vector<1000x128xf32>,
    return
  }
  func.func @transform_0(%arg0: i32) -> (i32, i32, i32) {
    %c0_i32 = arith.constant 0 : i32
    %c0_i32_0 = arith.constant 0 : i32
    %c0_i32_1 = arith.constant 0 : i32
    return %c0_i32, %arg0, %c0_i32_0 : i32, i32, i32
  }
  func.func @transform_1(%arg0: i32) -> (i32, i32, i32) {
    %c0_i32 = arith.constant 0 : i32
    %c0_i32_0 = arith.constant 0 : i32
    %c0_i32_1 = arith.constant 0 : i32
    return %c0_i32, %arg0, %c0_i32_0 : i32, i32, i32
  }
  func.func @transform_2(%arg0: i32) -> (i32, i32) {
    %c0_i32 = arith.constant 0 : i32
    %c0_i32_0 = arith.constant 0 : i32
    return %arg0, %c0_i32 : i32, i32
  }
  func.func @transform_3(%arg0: i32) -> (i32, i32) {
    %c0_i32 = arith.constant 0 : i32
    %c0_i32_0 = arith.constant 0 : i32
    %c0_i32_1 = arith.constant 0 : i32
    return %c0_i32, %c0_i32_0 : i32, i32
  }
  func.func @transform_4(%arg0: i32) -> (i32, i32) {
    %c0_i32 = arith.constant 0 : i32
    %c0_i32_0 = arith.constant 0 : i32
    return %arg0, %c0_i32 : i32, i32
  }
}

</mosaic_0001>

<sc_bundles>
// kernel: kernel.11.cloned.1.call-start
scs
__scs_entry_jumppad:
0x0: {  	(pc) =	sbr.rel $0x88, $3  }
0x1: {  	(tag) =	ssettag $0x0;
	lr =	simm.s32 $0x1  }
0x2: {  	[smem:$0x3F9B] =	sst lr;
	_ =	strace $0xD0000000  }
0x3: {  	_ = 	snop  }
0x4: {  	_ = 	snop  }
0x5: {  	_ = 	snop  }
0x6: {  	_ = 	snop  }
0x7: {  	_ = 	snop  }
__scs_overlays_trampoline_lowered:
0x8: {  	[smem:$0x3FAA] =	sst s0  }
0x9: {  	[smem:$0x3FAB] =	sst s1  }
0xa: {  	[smem:$0x3FAC] =	sst s2  }
0xb: {  	[smem:$0x3FAD] =	sst s3  }
0xc: {  	[smem:$0x3FAE] =	sst s4  }
0xd: {  	[smem:$0x3FAF] =	sst s5  }
0xe: {  	[smem:$0x3FB0] =	sst s6  }
0xf: {  	[smem:$0x3FB1] =	sst s7  }
0x10: {  	[smem:$0x3FB2] =	sst s8  }
0x11: {  	[smem:$0x3FB3] =	sst s9;
	s0 =	simm.s32 @!p0 $0x0  }
0x12: {  	s1 =	sld [smem:$0x3F99];
	s0 =	simm.s32 @p0 $0x1  }
0x13: {  	[smem:$0x3FB4] =	sst s0;
	s0 =	simm.s32 @!p1 $0x0  }
0x14: {  	s2 =	sld [smem:$0x3F98];
	s0 =	simm.s32 @p1 $0x1  }
0x15: {  	[smem:$0x3FB5] =	sst s0;
	s0 =	simm.s32 @!p2 $0x0  }
0x16: {  	s3 =	sld [smem:$0x3FDB];
	s0 =	simm.s32 @p2 $0x1  }
0x17: {  	s4 =	simm.s32 $0x1BF5;
	[smem:$0x3FB7] =	sst s0  }
0x18: {  	s0 =	sld [smem:$0x3F9A];
	_ =	swait.ge [sflag:s4], $0x0  }
0x19: {  	s7 =	sld [smem:$0x3F9B]  }
0x1a: {  	s8 =	sadd.s32 $0xFFFFE003, lr  }
0x1b: {  	s9 =	sadd.s32 $0xFFFFFEF7, lr;
	s5 =	simm.s32 $0xFFFFFFFF;
	p2 =	slt.u32 s8, $0xFFFFF086  }
0x1c: {  	p1 =	slt.u32 s9, $0xF7A;
	s5 =	simm.s32 @!p2 $0x0  }
0x1d: {  	s5 =	simm.s32 @p1 $0x1;
	p0 =	seq.s32 s7, s2  }
0x1e: {  	s7 =	smul.u32 @!p0 $0xF7A, s2;
	p2 =	seq.s32 @!p0 s5, $0x0  }
0x1f: {  	s9 =	smul.u32 $0xF7A, s1;
	s8 =	simm.s32 @!p0 $0x1BF5;
	p2 =	por !p2, p0  }
0x20: {  	[sflag:s8] =	ssyncset.s32 @!p0 $0xFFFFF086;
	s6 =	sadd.s32 @!p0 s3, s7;
	s7 =	simm.s32 @!p0 $0x108  }
0x21: {  	s3 =	sadd.s32 s3, s9;
	s6 =	sadd.s32 @!p0 $0x88, s6;
	s7 =	simm.s32 @p2 $0x1082  }
0x22: {  	[simem:s7], [sflag:s8] =	dma.local @!p0 [hbm:s6], $0xF7A  }
0x23: {  	s9 =	sor.u32 $0xD0000000, s2;
	s6 =	simm.s32 $0x108;
	_ =	swait.ge @!p0 [sflag:s8], $0x0  }
0x24: {  	s3 =	sadd.s32 $0x88, s3;
	s6 =	simm.s32 @!p1 $0x1082;
	[sflag:s4] =	ssyncset.s32 $0xFFFFF086  }
0x25: {  	[simem:s6], [sflag:s4] =	dma.local [hbm:s3], $0xF7A  }
0x26: {  	[smem:$0x3F9B] =	sst s1;
	(tag) =	ssettag s2;
	_ =	strace s9  }
0x27: {  	s1 =	sld [smem:$0x3FAB]  }
0x28: {  	s2 =	sld [smem:$0x3FAC]  }
0x29: {  	s4 =	sld [smem:$0x3FAE]  }
0x2a: {  	p0 =	seq.s32 s5, $0x0;
	s5 =	sld [smem:$0x3FAF]  }
0x2b: {  	s6 =	sld [smem:$0x3FB0]  }
0x2c: {  	s7 =	sld [smem:$0x3FB1]  }
0x2d: {  	s3 =	simm.s32 $0x108;
	s8 =	sld [smem:$0x3FB2]  }
0x2e: {  	s3 =	simm.s32 @!p0 $0x1082;
	s9 =	sld [smem:$0x3FB3]  }
0x2f: {  	lr =	sadd.s32 s0, s3;
	s0 =	sld [smem:$0x3FAA]  }
0x30: {  	s3 =	sld [smem:$0x3FAD]  }
0x31: {  	[smem:$0x3FB6] =	sst s10  }
0x32: {  	s10 =	sld [smem:$0x3FB4];
	_ =	sdelay $0x3  }
0x33: {  	p0 =	seq.s32 s10, $0x1;
	s10 =	sld [smem:$0x3FB6];
	_ =	sdelay $0x3  }
0x34: {  	[smem:$0x3FB6] =	sst s10  }
0x35: {  	s10 =	sld [smem:$0x3FB5];
	_ =	sdelay $0x3  }
0x36: {  	p1 =	seq.s32 s10, $0x1;
	s10 =	sld [smem:$0x3FB6];
	_ =	sdelay $0x3  }
0x37: {  	[smem:$0x3FB6] =	sst s10  }
0x38: {  	s10 =	sld [smem:$0x3FB7]  }
0x39: {  	_ = 	snop;
	(pc) =	sbr.ind lr, $3  }
0x3a: {  	_ = 	snop  }
0x3b: {  	_ = 	snop  }
0x3c: {  	p2 =	seq.s32 s10, $0x1;
	s10 =	sld [smem:$0x3FB6]  }
0x3d: {  	_ =	shalt  }
0x3e: {  	_ =	shalt  }
0x3f: {  	_ =	shalt  }
0x40: {  	_ =	shalt  }
0x41: {  	_ =	shalt  }
0x42: {  	_ =	shalt  }
0x43: {  	_ =	shalt  }
0x44: {  	_ =	shalt  }
0x45: {  	_ =	shalt  }
0x46: {  	_ =	shalt  }
0x47: {  	_ =	shalt  }
0x48: {  	_ =	shalt  }
0x49: {  	_ =	shalt  }
0x4a: {  	_ =	shalt  }
0x4b: {  	_ =	shalt  }
0x4c: {  	_ =	shalt  }
0x4d: {  	_ =	shalt  }
0x4e: {  	_ =	shalt  }
0x4f: {  	_ =	shalt  }
0x50: {  	_ =	shalt  }
0x51: {  	_ =	shalt  }
0x52: {  	_ =	shalt  }
0x53: {  	_ =	shalt  }
0x54: {  	_ =	shalt  }
0x55: {  	_ =	shalt  }
0x56: {  	_ =	shalt  }
0x57: {  	_ =	shalt  }
0x58: {  	_ =	shalt  }
0x59: {  	_ =	shalt  }
0x5a: {  	_ =	shalt  }
0x5b: {  	_ =	shalt  }
0x5c: {  	_ =	shalt  }
0x5d: {  	_ =	shalt  }
0x5e: {  	_ =	shalt  }
0x5f: {  	_ =	shalt  }
0x60: {  	_ =	shalt  }
0x61: {  	_ =	shalt  }
0x62: {  	_ =	shalt  }
0x63: {  	_ =	shalt  }
0x64: {  	_ =	shalt  }
0x65: {  	_ =	shalt  }
0x66: {  	_ =	shalt  }
0x67: {  	_ =	shalt  }
0x68: {  	_ =	shalt  }
0x69: {  	_ =	shalt  }
0x6a: {  	_ =	shalt  }
0x6b: {  	_ =	shalt  }
0x6c: {  	_ =	shalt  }
0x6d: {  	_ =	shalt  }
0x6e: {  	_ =	shalt  }
0x6f: {  	_ =	shalt  }
0x70: {  	_ =	shalt  }
0x71: {  	_ =	shalt  }
0x72: {  	_ =	shalt  }
0x73: {  	_ =	shalt  }
0x74: {  	_ =	shalt  }
0x75: {  	_ =	shalt  }
0x76: {  	_ =	shalt  }
0x77: {  	_ =	shalt  }
0x78: {  	_ =	shalt  }
0x79: {  	_ =	shalt  }
0x7a: {  	_ =	shalt  }
0x7b: {  	_ =	shalt  }
0x7c: {  	_ =	shalt  }
0x7d: {  	_ =	shalt  }
0x7e: {  	_ =	shalt  }
0x7f: {  	_ =	shalt  }
0x80: {  	_ =	shalt  }
0x81: {  	_ =	shalt  }
0x82: {  	_ =	shalt  }
0x83: {  	_ =	shalt  }
0x84: {  	_ =	shalt  }
0x85: {  	_ =	shalt  }
0x86: {  	_ =	shalt  }
0x87: {  	_ =	shalt  }
.Lfunc_end0:
.L_simem_size_0:
called_computation.1_lowered:
.L_overlay_start_0:
0x88: {  	s2 =	sld [smem:$0x3FD9]  }
0x89: {  	s3 =	sld [smem:$0x3FFE];
	_ =	sdelay $0x1  }
0x8a: {  	s1 =	srdreg.scid  }
0x8b: {  	s0 =	sand.u32 $0x1, s1  }
0x8c: {  	s17 =	sshll.u32 s0, $0xA;
	s2 =	sadd.s32 s3, s2  }
0x8d: {  	s2 =	sadd.s32 s2, s17  }
0x8e: {  	[smem:$0x3FC2] =	sst s2  }
0x8f: {  	_ = 	snop  }
0x90: {  	s2 =	sld [smem:$0x3FD0];
	(tm) =	ssettm $0x1  }
0x91: {  	s18 =	sld [smem:$0x3FFB];
	_ =	sdelay $0x3  }
0x92: {  	_ =	strace s18  }
0x93: {  	s3 =	sld [smem:$0x3FFC];
	_ =	sdelay $0x3  }
0x94: {  	_ =	strace s3  }
0x95: {  	s3 =	sld [smem:$0x3FFD];
	_ =	sdelay $0x3  }
0x96: {  	_ =	strace s3  }
0x97: {  	_ =	strace $0x8FFFFFFF  }
0x98: {  	s19 =	sld [smem:$0x3FDB];
	_ =	sdelay $0x1  }
0x99: {  	s4 =	simm.s32 $_scs_section_size  }
0x9a: {  	s5 =	simm.s32 $_size__tile_overlayer_lowered;
	s6 =	simm.s32 $_tile_overlayer_lowered  }
0x9b: {  	s22 =	simm.s32 $0x1BFF;
	s21 =	sshll.u32 s6, $0x1;
	s3 =	sadd.s32 s4, s19  }
0x9c: {  	s7 =	simm.s32 $0x0;
	s20 =	sshll.u32 s5, $0x1;
	s5 =	sadd.s32 s21, s3  }
0x9d: {  	[timem:s7], [sflag:s22] =	dma.local [hbm:s5], s20  }
0x9e: {  	_ =	swait.ge [sflag:s22], s20  }
0x9f: {  	s4 =	ssub.s32 $0x0, s20;
	[sflag:s22] =	ssyncset.done $0x0  }
0xa0: {  	[sflag:s22] =	ssyncadd.s32 s4;
	_ =	sdelay $0x1  }
0xa1: {  	s23 =	simm.s32 $0x1B8B  }
0xa2: {  	_ =	swait.ge [sflag:s23], $0x1  }
0xa3: {  	[sflag:s23] =	ssyncset.done $0x0  }
0xa4: {  	s25 =	simm.s32 $0x1B8E;
	s24 =	sld [smem:$0x3FFE];
	[sflag:s23] =	ssyncadd.s32 $0xFFFFFFFF  }
0xa5: {  	s26 =	simm.s32 $execute0_lowered;
	[smem:$0x3FD2] =	sst s25  }
0xa6: {  	s5 =	sshll.u32 s26, $0x1;
	_ =	strace $0x80000049;
	[dreg:$0x1] =	wrdreg $0xFFFFFFFF  }
0xa7: {  	s28 =	simm.s32 $_size_execute0_lowered;
	s3 =	sadd.s32 s3, s5;
	[dreg:$0x0] =	wrdreg $0x0  }
0xa8: {  	s5 =	sshll.u32 s28, $0x1;
	[dreg:$0x2] =	wrdreg s3  }
0xa9: {  	[dreg:$0x3] =	wrdreg s5  }
0xaa: {  	[dreg:$0x4] =	wrdreg $0xC0  }
0xab: {  	_ =	task [dreg:s7], $0x5FFFF  }
0xac: {  	[dreg:$0x1] =	wrdreg $0xFFFFFFFF  }
0xad: {  	[dreg:$0x0] =	wrdreg $0x60  }
0xae: {  	[dreg:$0x2] =	wrdreg s2  }
0xaf: {  	[dreg:$0x3] =	wrdreg s24  }
0xb0: {  	[dreg:$0x4] =	wrdreg $0x140000  }
0xb1: {  	[dreg:$0x5] =	wrdreg $0x9  }
0xb2: {  	_ =	task.clear_ibuf [dreg:s7], $0x6FFFF;
	_ =	strace $0x90000049  }
0xb3: {  	s29 =	simm.s32 $0x9;
	_ =	strace $0x8000004B  }
0xb4: {  	_ =	swait.ge [sflag:s29], $0x1  }
0xb5: {  	[sflag:s29] =	ssyncadd.s32 $0xFFFFFFFF  }
0xb6: {  	_ =	strace $0x9000004B  }
0xb7: {  	_ =	sfence  }
0xb8: {  	s30 =	sld [smem:$0x0];
	_ =	sdelay $0x2  }
0xb9: {  	s31 =	sshll.u32 s1, $0xD;
	s1 =	sshrl.u32 s1, $0x2  }
0xba: {  	s3 =	sand.u32 $0x4000, s31;
	s1 =	sadd.s32 s1, s30  }
0xbb: {  	s0 =	sor.u32 s3, s0;
	s1 =	sshll.u32 s1, $0x11  }
0xbc: {  	s0 =	sor.u32 s1, s0  }
0xbd: {  	s0 =	sadd.s32 $0x8F2B, s0  }
0xbe: {  	[sflag:s0] =	ssyncadd.remote.s32 $0x1  }
0xbf: {  	_ =	sfence.sel $0xFFFF  }
0xc0: {  	[dreg:$0x0] =	wrdreg $0xFFFFFFFF;
	(pc) =	sbr.abs _section_cstart, $3  }
0xc1: {  	[dreg:$0x1] =	wrdreg $0xFFFFFFFF  }
0xc2: {  	_ =	task.clear_ibuf [dreg:s7], $0x2FFFF;
	_ =	strace $0x9FFFFFFF  }
0xc3: {  	(tm) =	ssettm $0x7FFFFFFF  }
tec
execute0_lowered:
.L_overlay_start_1:
0x0: {  	(tag) =	ssettag $0x1  }
0x1: {  	s0 =	rddreg [dreg:$0x0]  }
0x2: {  	s1 =	rddreg [dreg:$0x1]  }
0x3: {  	s2 =	rddreg [dreg:$0x2];
	s9 =	stileid.u32  }
0x4: {  	s4 =	simm.s32 $0x0;
	s3 =	srdreg.scid;
	s10 =	smul.u32 $0xA00, s9  }
0x5: {  	s28 =	simm.s32 $0x2;
	s29 =	simm.s32 $0x80;
	s8 =	smul.u32 $0x28000, s9  }
0x6: {  	s30 =	simm.s32 $0xC000;
	s3 =	sand.u32 $0x1, s3;
	s14 =	smul.u32 $0xA000, s9  }
0x7: {  	s31 =	simm.s32 $0x3;
	[smem:$0x7FF] =	sst s4;
	s5 =	smul.u32 $0x14000, s3  }
0x8: {  	_ =	strace $0x8000004A;
	s6 =	ssub.s32 $0x2, s3;
	s3 =	smul.u32 $0x13880, s3  }
0x9: {  	s4 =	sadd.s32 s10, s1;
	s7 =	sshrl.u32 s6, $0x1;
	s13 =	sshrl.u32 s8, $0x2  }
0xa: {  	s16 =	sshrl.u32 s14, $0x3;
	s22 =	sadd.s32 s14, s2;
	s23 =	sadd.s32 $0x2000, s14  }
0xb: {  	s9 =	sadd.s32 $0x4000, s14;
	s8 =	sadd.s32 $0x8000, s14;
	s1 =	sadd.s32 s5, s1  }
0xc: {  	s11 =	ssub.s32 s6, s7;
	s12 =	sadd.s32 $0x5B800, s4;
	s4 =	sadd.s32 $0x1800, s4  }
0xd: {  	s6 =	sadd.s32 s13, s2;
	s7 =	sadd.s32 s0, s3;
	s24 =	sshrl.u32 s23, $0x3  }
0xe: {  	s10 =	sshrl.u32 s9, $0x3;
	s9 =	sadd.s32 s9, s2;
	s13 =	sshrl.u32 s8, $0x3  }
0xf: {  	s8 =	sadd.s32 s8, s2;
	s0 =	simm.s32 $0xE000;
	[dreg:$0x4] =	wrdreg s12  }
0x10: {  	s3 =	simm.s32 $0x4;
	s5 =	simm.s32 $0x6;
	[dreg:$0x5] =	wrdreg s4  }
0x11: {  	s15 =	sadd.s32 $0x65800, s1;
	s17 =	smax.u32 s11, $0x1;
	s18 =	sadd.s32 $0x2000, s6  }
0x12: {  	s19 =	sadd.s32 $0x4000, s6;
	s20 =	sadd.s32 $0x6000, s6;
	[dreg:$0x6] =	wrdreg s17  }
0x13: {  	s21 =	sadd.s32 $0x8000, s6;
	s4 =	sadd.s32 s23, s2;
	[dreg:$0x7] =	wrdreg s18  }
0x14: {  	s11 =	sadd.s32 $0x6000, s14;
	s14 =	simm.s32 $0xA000;
	[dreg:$0x8] =	wrdreg s19  }
0x15: {  	s23 =	sshrl.u32 s9, $0x3;
	s9 =	simm.s32 $0x8;
	[dreg:$0x9] =	wrdreg s20  }
0x16: {  	[dreg:$0xa] =	wrdreg s21;
	s12 =	sshrl.u32 s11, $0x3;
	s11 =	sadd.s32 s11, s2  }
0x17: {  	s1 =	sadd.s32 s16, s15;
	s25 =	sadd.s32 s24, s15;
	s26 =	sadd.s32 s10, s15  }
0x18: {  	s19 =	sadd.s32 s13, s15;
	s20 =	simm.s32 $0xB;
	s21 =	sshrl.u32 s22, $0x3  }
0x19: {  	s22 =	sshrl.u32 s4, $0x3;
	s13 =	simm.s32 $0x10000;
	[dreg:$0xb] =	wrdreg s1  }
0x1a: {  	s4 =	simm.s32 $0x5;
	s10 =	simm.s32 $0x9;
	[dreg:$0xc] =	wrdreg s25  }
0x1b: {  	[dreg:$0xd] =	wrdreg s26;
	s18 =	sadd.s32 s12, s15;
	s24 =	sshrl.u32 s11, $0x3  }
0x1c: {  	s25 =	sshrl.u32 s8, $0x3;
	s26 =	simm.s32 $0x1;
	s1 =	simm.s32 $0x12000  }
0x1d: {  	v0 =	vimm.f32 $0.0e+00;
	s8 =	simm.s32 $0x7;
	s11 =	simm.s32 $0xA;
	s12 =	simm.s32 $0x0  }
.LBB2_1:
0x1e: {  	s15 =	simm.s32 $0x0;
	s16 =	rddreg [dreg:$0x4]  }
0x1f: {  	[tilespmem:s15], [sflag:$0x1] =	stream.linear.gather [hbm4b:s16+s15], $0x5000, $0x38;
	[tilespmem:$0x1E000] =	vst v63  }
0x20: {  	s17 =	simm.s32 $0x5000;
	s16 =	rddreg [dreg:$0x5]  }
0x21: {  	[tilespmem:s17], [sflag:$0x2] =	stream.linear.gather [hbm4b:s16+s15], $0x5000, $0x38;
	[tilespmem:$0x1E000] =	vst v63  }
0x22: {  	s16 =	simm.s32 $0x100;
	s15 =	simm.s32 $0x0  }
.LBB2_2:
0x23: {  	p0 =	sne.s32 s16, $0x7F00;
	[tilespmem:s15+$0xA030] =	vst v0;
	s17 =	smov.u32 s16;
	s16 =	sadd.s32 $0x100, s16  }
.Ltmp0:
0x24: {  	[tilespmem:s15+$0xA020] =	vst v0;
	(pc) =	sbr.rel @p0 .LBB2_2-.Ltmp0, $3  }
0x25: {  	[tilespmem:s15+$0xA000] =	vst v0  }
0x26: {  	[tilespmem:s15+$0xA010] =	vst v0;
	_ =	sdelay $0x1  }
0x27: {  	s15 =	sshra.s32 s17, $0x2  }
0x28: {  	[tilespmem:s15+$0xA030] =	vst v0  }
0x29: {  	[tilespmem:s15+$0xA020] =	vst v0  }
0x2a: {  	[tilespmem:s15+$0xA000] =	vst v0  }
0x2b: {  	[tilespmem:s15+$0xA010] =	vst v0  }
0x2c: {  	[spmem:s6] =	stream.linear.scatter [tilespmem:s14], [sflag:$0xB], $0x2000, $0x38;
	[tilespmem:$0x1E000] =	vst v63  }
0x2d: {  	_ =	swait.ge [sflag:s20], $0x2000  }
0x2e: {  	[sflag:s20] =	ssyncset.done $0x0  }
0x2f: {  	s17 =	rddreg [dreg:$0x7];
	[sflag:s20] =	ssyncadd.s32 $0xFFFFE000  }
0x30: {  	[spmem:s17] =	stream.linear.scatter [tilespmem:s14], [sflag:$0xB], $0x2000, $0x38;
	[tilespmem:$0x1E000] =	vst v63  }
0x31: {  	_ =	swait.ge [sflag:s20], $0x2000  }
0x32: {  	[sflag:s20] =	ssyncset.done $0x0  }
0x33: {  	s16 =	rddreg [dreg:$0x8];
	[sflag:s20] =	ssyncadd.s32 $0xFFFFE000  }
0x34: {  	[spmem:s16] =	stream.linear.scatter [tilespmem:s14], [sflag:$0xB], $0x2000, $0x38;
	[tilespmem:$0x1E000] =	vst v63  }
0x35: {  	_ =	swait.ge [sflag:s20], $0x2000  }
0x36: {  	[sflag:s20] =	ssyncset.done $0x0  }
0x37: {  	s17 =	rddreg [dreg:$0x9];
	[sflag:s20] =	ssyncadd.s32 $0xFFFFE000  }
0x38: {  	[spmem:s17] =	stream.linear.scatter [tilespmem:s14], [sflag:$0xB], $0x2000, $0x38;
	[tilespmem:$0x1E000] =	vst v63  }
0x39: {  	_ =	swait.ge [sflag:s20], $0x2000  }
0x3a: {  	[sflag:s20] =	ssyncset.done $0x0  }
0x3b: {  	s16 =	rddreg [dreg:$0xa];
	[sflag:s20] =	ssyncadd.s32 $0xFFFFE000  }
0x3c: {  	[spmem:s16] =	stream.linear.scatter [tilespmem:s14], [sflag:$0xB], $0x2000, $0x38;
	[tilespmem:$0x1E000] =	vst v63  }
0x3d: {  	_ =	swait.ge [sflag:s20], $0x2000  }
0x3e: {  	[sflag:s20] =	ssyncset.done $0x0  }
0x3f: {  	[sflag:s20] =	ssyncadd.s32 $0xFFFFE000  }
0x40: {  	_ =	swait.ge [sflag:s26], $0x5000  }
0x41: {  	[sflag:s26] =	ssyncset.done $0x0  }
0x42: {  	[sflag:s26] =	ssyncadd.s32 $0xFFFFB000  }
0x43: {  	_ =	swait.ge [sflag:s28], $0x5000  }
0x44: {  	[sflag:s28] =	ssyncset.done $0x0  }
0x45: {  	[sflag:s28] =	ssyncadd.s32 $0xFFFFB000  }
0x46: {  	s17 =	simm.s32 $0x0;
	[bflag:$0x0] =	sbarrier.arrive $0xFFFF  }
0x47: {  	[tilespmem:s14], [sflag:$0x1] =	stream.indirect.gather [hbm4b:s7+s29], $0x40, s17, s29, $0xb8;
	[tilespmem:$0x1E000] =	vst v63  }
0x48: {  	_ = 	snop  }
0x49: {  	[tilespmem:s30], [sflag:$0x2] =	stream.indirect.gather [hbm4b:s7+s29], $0x40, s29, s29, $0xb8;
	[tilespmem:$0x1E000] =	vst v63  }
0x4a: {  	s16 =	simm.s32 $0x100  }
0x4b: {  	[tilespmem:s0], [sflag:$0x3] =	stream.indirect.gather [hbm4b:s7+s29], $0x40, s16, s29, $0xb8;
	[tilespmem:$0x1E000] =	vst v63  }
0x4c: {  	s17 =	simm.s32 $0x180  }
0x4d: {  	[tilespmem:s13], [sflag:$0x4] =	stream.indirect.gather [hbm4b:s7+s29], $0x40, s17, s29, $0xb8;
	[tilespmem:$0x1E000] =	vst v63  }
0x4e: {  	s16 =	simm.s32 $0x200  }
0x4f: {  	[tilespmem:s1], [sflag:$0x5] =	stream.indirect.gather [hbm4b:s7+s29], $0x40, s16, s29, $0xb8;
	[tilespmem:$0x1E000] =	vst v63  }
0x50: {  	_ =	swait.ge [sflag:s26], $0x2000  }
0x51: {  	[sflag:s26] =	ssyncset.done $0x0  }
0x52: {  	s17 =	simm.s32 $0x5000;
	[sflag:s26] =	ssyncadd.s32 $0xFFFFE000  }
0x53: {  	[spmem:s2] =	stream.indirect.scatter.add.f32 [tilespmem:s14], [sflag:$0x6], $0x40, s17, s29, $0xb8;
	[tilespmem:$0x1E000] =	vst v63  }
0x54: {  	_ =	swait.ge [sflag:s28], $0x2000  }
0x55: {  	[sflag:s28] =	ssyncset.done $0x0  }
0x56: {  	s16 =	simm.s32 $0x5080;
	[sflag:s28] =	ssyncadd.s32 $0xFFFFE000  }
0x57: {  	[spmem:s2] =	stream.indirect.scatter.add.f32 [tilespmem:s30], [sflag:$0x7], $0x40, s16, s29, $0xb8;
	[tilespmem:$0x1E000] =	vst v63  }
0x58: {  	_ =	swait.ge [sflag:s31], $0x2000  }
0x59: {  	[sflag:s31] =	ssyncset.done $0x0  }
0x5a: {  	s17 =	simm.s32 $0x5100;
	[sflag:s31] =	ssyncadd.s32 $0xFFFFE000  }
0x5b: {  	[spmem:s2] =	stream.indirect.scatter.add.f32 [tilespmem:s0], [sflag:$0x8], $0x40, s17, s29, $0xb8;
	[tilespmem:$0x1E000] =	vst v63  }
0x5c: {  	_ =	swait.ge [sflag:s3], $0x2000  }
0x5d: {  	[sflag:s3] =	ssyncset.done $0x0  }
0x5e: {  	s16 =	simm.s32 $0x5180;
	[sflag:s3] =	ssyncadd.s32 $0xFFFFE000  }
0x5f: {  	[spmem:s2] =	stream.indirect.scatter.add.f32 [tilespmem:s13], [sflag:$0x9], $0x40, s16, s29, $0xb8;
	[tilespmem:$0x1E000] =	vst v63  }
0x60: {  	_ =	swait.ge [sflag:s4], $0x2000  }
0x61: {  	[sflag:s4] =	ssyncset.done $0x0  }
0x62: {  	s17 =	simm.s32 $0x5200;
	[sflag:s4] =	ssyncadd.s32 $0xFFFFE000  }
0x63: {  	[spmem:s2] =	stream.indirect.scatter.add.f32 [tilespmem:s1], [sflag:$0xA], $0x40, s17, s29, $0xb8;
	[tilespmem:$0x1E000] =	vst v63  }
0x64: {  	_ =	swait.ge [sflag:s5], $0x2000  }
0x65: {  	[sflag:s5] =	ssyncset.done $0x0  }
0x66: {  	s16 =	simm.s32 $0x280;
	[sflag:s5] =	ssyncadd.s32 $0xFFFFE000  }
0x67: {  	[tilespmem:s14], [sflag:$0x1] =	stream.indirect.gather [hbm4b:s7+s29], $0x40, s16, s29, $0xb8;
	[tilespmem:$0x1E000] =	vst v63  }
0x68: {  	_ =	swait.ge [sflag:s8], $0x2000  }
0x69: {  	[sflag:s8] =	ssyncset.done $0x0  }
0x6a: {  	s17 =	simm.s32 $0x300;
	[sflag:s8] =	ssyncadd.s32 $0xFFFFE000  }
0x6b: {  	[tilespmem:s30], [sflag:$0x2] =	stream.indirect.gather [hbm4b:s7+s29], $0x40, s17, s29, $0xb8;
	[tilespmem:$0x1E000] =	vst v63  }
0x6c: {  	_ =	swait.ge [sflag:s9], $0x2000  }
0x6d: {  	[sflag:s9] =	ssyncset.done $0x0  }
0x6e: {  	s16 =	simm.s32 $0x380;
	[sflag:s9] =	ssyncadd.s32 $0xFFFFE000  }
0x6f: {  	[tilespmem:s0], [sflag:$0x3] =	stream.indirect.gather [hbm4b:s7+s29], $0x40, s16, s29, $0xb8;
	[tilespmem:$0x1E000] =	vst v63  }
0x70: {  	_ =	swait.ge [sflag:s10], $0x2000  }
0x71: {  	[sflag:s10] =	ssyncset.done $0x0  }
0x72: {  	s17 =	simm.s32 $0x400;
	[sflag:s10] =	ssyncadd.s32 $0xFFFFE000  }
0x73: {  	[tilespmem:s13], [sflag:$0x4] =	stream.indirect.gather [hbm4b:s7+s29], $0x40, s17, s29, $0xb8;
	[tilespmem:$0x1E000] =	vst v63  }
0x74: {  	_ =	swait.ge [sflag:s11], $0x2000  }
0x75: {  	[sflag:s11] =	ssyncset.done $0x0  }
0x76: {  	s15 =	simm.s32 $0xA00;
	s16 =	simm.s32 $0x480;
	[sflag:s11] =	ssyncadd.s32 $0xFFFFE000  }
.LBB2_4:
0x77: {  	[tilespmem:s1], [sflag:$0x5] =	stream.indirect.gather [hbm4b:s7+s29], $0x40, s16, s29, $0xb8;
	[tilespmem:$0x1E000] =	vst v63  }
0x78: {  	s16 =	smov.u32 s15  }
0x79: {  	p0 =	sne.s32 s15, $0x12C00;
	s15 =	sadd.s32 $0xA00, s15;
	_ =	swait.ge [sflag:s26], $0x2000  }
0x7a: {  	s16 =	sshra.s32 s16, $0x2;
	[sflag:s26] =	ssyncset.done $0x0  }
0x7b: {  	s17 =	sadd.s32 $0x5000, s16;
	[sflag:s26] =	ssyncadd.s32 $0xFFFFE000  }
0x7c: {  	[spmem:s2] =	stream.indirect.scatter.add.f32 [tilespmem:s14], [sflag:$0x6], $0x40, s17, s29, $0xb8;
	[tilespmem:$0x1E000] =	vst v63  }
0x7d: {  	_ =	swait.ge [sflag:s28], $0x2000  }
0x7e: {  	[sflag:s28] =	ssyncset.done $0x0  }
0x7f: {  	s17 =	sadd.s32 $0x5080, s16;
	[sflag:s28] =	ssyncadd.s32 $0xFFFFE000  }
0x80: {  	[spmem:s2] =	stream.indirect.scatter.add.f32 [tilespmem:s30], [sflag:$0x7], $0x40, s17, s29, $0xb8;
	[tilespmem:$0x1E000] =	vst v63  }
0x81: {  	_ =	swait.ge [sflag:s31], $0x2000  }
0x82: {  	[sflag:s31] =	ssyncset.done $0x0  }
0x83: {  	s17 =	sadd.s32 $0x5100, s16;
	[sflag:s31] =	ssyncadd.s32 $0xFFFFE000  }
0x84: {  	[spmem:s2] =	stream.indirect.scatter.add.f32 [tilespmem:s0], [sflag:$0x8], $0x40, s17, s29, $0xb8;
	[tilespmem:$0x1E000] =	vst v63  }
0x85: {  	_ =	swait.ge [sflag:s3], $0x2000  }
0x86: {  	[sflag:s3] =	ssyncset.done $0x0  }
0x87: {  	s17 =	sadd.s32 $0x5180, s16;
	[sflag:s3] =	ssyncadd.s32 $0xFFFFE000  }
0x88: {  	[spmem:s2] =	stream.indirect.scatter.add.f32 [tilespmem:s13], [sflag:$0x9], $0x40, s17, s29, $0xb8;
	[tilespmem:$0x1E000] =	vst v63  }
0x89: {  	_ =	swait.ge [sflag:s4], $0x2000  }
0x8a: {  	[sflag:s4] =	ssyncset.done $0x0  }
0x8b: {  	s17 =	sadd.s32 $0x5200, s16;
	[sflag:s4] =	ssyncadd.s32 $0xFFFFE000  }
0x8c: {  	[spmem:s2] =	stream.indirect.scatter.add.f32 [tilespmem:s1], [sflag:$0xA], $0x40, s17, s29, $0xb8;
	[tilespmem:$0x1E000] =	vst v63  }
0x8d: {  	_ =	swait.ge [sflag:s5], $0x2000  }
0x8e: {  	[sflag:s5] =	ssyncset.done $0x0  }
0x8f: {  	s17 =	sadd.s32 $0x280, s16;
	[sflag:s5] =	ssyncadd.s32 $0xFFFFE000  }
0x90: {  	[tilespmem:s14], [sflag:$0x1] =	stream.indirect.gather [hbm4b:s7+s29], $0x40, s17, s29, $0xb8;
	[tilespmem:$0x1E000] =	vst v63  }
0x91: {  	_ =	swait.ge [sflag:s8], $0x2000  }
0x92: {  	[sflag:s8] =	ssyncset.done $0x0  }
0x93: {  	s17 =	sadd.s32 $0x300, s16;
	[sflag:s8] =	ssyncadd.s32 $0xFFFFE000  }
0x94: {  	[tilespmem:s30], [sflag:$0x2] =	stream.indirect.gather [hbm4b:s7+s29], $0x40, s17, s29, $0xb8;
	[tilespmem:$0x1E000] =	vst v63  }
0x95: {  	_ =	swait.ge [sflag:s9], $0x2000  }
0x96: {  	[sflag:s9] =	ssyncset.done $0x0  }
0x97: {  	s17 =	sadd.s32 $0x380, s16;
	[sflag:s9] =	ssyncadd.s32 $0xFFFFE000  }
0x98: {  	[tilespmem:s0], [sflag:$0x3] =	stream.indirect.gather [hbm4b:s7+s29], $0x40, s17, s29, $0xb8;
	[tilespmem:$0x1E000] =	vst v63  }
0x99: {  	_ =	swait.ge [sflag:s10], $0x2000  }
0x9a: {  	[sflag:s10] =	ssyncset.done $0x0  }
.Ltmp1:
0x9b: {  	s17 =	sadd.s32 $0x400, s16;
	[sflag:s10] =	ssyncadd.s32 $0xFFFFE000;
	(pc) =	sbr.rel @p0 .LBB2_4-.Ltmp1, $4  }
0x9c: {  	[tilespmem:s13], [sflag:$0x4] =	stream.indirect.gather [hbm4b:s7+s29], $0x40, s17, s29, $0xb8;
	[tilespmem:$0x1E000] =	vst v63  }
0x9d: {  	_ =	swait.ge [sflag:s11], $0x2000  }
0x9e: {  	[sflag:s11] =	ssyncset.done $0x0  }
0x9f: {  	s16 =	sadd.s32 $0x480, s16;
	[sflag:s11] =	ssyncadd.s32 $0xFFFFE000  }
0xa0: {  	[tilespmem:s1], [sflag:$0x5] =	stream.indirect.gather [hbm4b:s7+s29], $0x40, s16, s29, $0xb8;
	[tilespmem:$0x1E000] =	vst v63  }
0xa1: {  	_ =	swait.ge [sflag:s26], $0x2000  }
0xa2: {  	[sflag:s26] =	ssyncset.done $0x0  }
0xa3: {  	s15 =	simm.s32 $0x9D80;
	[sflag:s26] =	ssyncadd.s32 $0xFFFFE000  }
0xa4: {  	[spmem:s2] =	stream.indirect.scatter.add.f32 [tilespmem:s14], [sflag:$0x6], $0x40, s15, s29, $0xb8;
	[tilespmem:$0x1E000] =	vst v63  }
0xa5: {  	_ =	swait.ge [sflag:s28], $0x2000  }
0xa6: {  	[sflag:s28] =	ssyncset.done $0x0  }
0xa7: {  	s16 =	simm.s32 $0x9E00;
	[sflag:s28] =	ssyncadd.s32 $0xFFFFE000  }
0xa8: {  	[spmem:s2] =	stream.indirect.scatter.add.f32 [tilespmem:s30], [sflag:$0x7], $0x40, s16, s29, $0xb8;
	[tilespmem:$0x1E000] =	vst v63  }
0xa9: {  	_ =	swait.ge [sflag:s31], $0x2000  }
0xaa: {  	[sflag:s31] =	ssyncset.done $0x0  }
0xab: {  	s17 =	simm.s32 $0x9E80;
	[sflag:s31] =	ssyncadd.s32 $0xFFFFE000  }
0xac: {  	[spmem:s2] =	stream.indirect.scatter.add.f32 [tilespmem:s0], [sflag:$0x8], $0x40, s17, s29, $0xb8;
	[tilespmem:$0x1E000] =	vst v63  }
0xad: {  	_ =	swait.ge [sflag:s3], $0x2000  }
0xae: {  	[sflag:s3] =	ssyncset.done $0x0  }
0xaf: {  	s16 =	simm.s32 $0x9F00;
	[sflag:s3] =	ssyncadd.s32 $0xFFFFE000  }
0xb0: {  	[spmem:s2] =	stream.indirect.scatter.add.f32 [tilespmem:s13], [sflag:$0x9], $0x40, s16, s29, $0xb8;
	[tilespmem:$0x1E000] =	vst v63  }
0xb1: {  	_ =	swait.ge [sflag:s4], $0x2000  }
0xb2: {  	[sflag:s4] =	ssyncset.done $0x0  }
0xb3: {  	s17 =	simm.s32 $0x9F80;
	[sflag:s4] =	ssyncadd.s32 $0xFFFFE000  }
0xb4: {  	[spmem:s2] =	stream.indirect.scatter.add.f32 [tilespmem:s1], [sflag:$0xA], $0x40, s17, s29, $0xb8;
	[tilespmem:$0x1E000] =	vst v63  }
0xb5: {  	_ =	swait.ge [sflag:s5], $0x2000  }
0xb6: {  	[sflag:s5] =	ssyncset.done $0x0  }
0xb7: {  	[sflag:s5] =	ssyncadd.s32 $0xFFFFE000  }
0xb8: {  	_ =	swait.ge [sflag:s8], $0x2000  }
0xb9: {  	[sflag:s8] =	ssyncset.done $0x0  }
0xba: {  	[sflag:s8] =	ssyncadd.s32 $0xFFFFE000  }
0xbb: {  	_ =	swait.ge [sflag:s9], $0x2000  }
0xbc: {  	[sflag:s9] =	ssyncset.done $0x0  }
0xbd: {  	[sflag:s9] =	ssyncadd.s32 $0xFFFFE000  }
0xbe: {  	_ =	swait.ge [sflag:s10], $0x2000  }
0xbf: {  	[sflag:s10] =	ssyncset.done $0x0  }
0xc0: {  	[sflag:s10] =	ssyncadd.s32 $0xFFFFE000  }
0xc1: {  	_ =	swait.ge [sflag:s11], $0x2000  }
0xc2: {  	[sflag:s11] =	ssyncset.done $0x0  }
0xc3: {  	s16 =	stileid.u32;
	[sflag:s11] =	ssyncadd.s32 $0xFFFFE000  }
0xc4: {  	s15 =	sshll.u32 s16, $0x6;
	[bflag:$0x0] =	sbarrier.arrive $0xFFFF  }
0xc5: {  	s15 =	sor.u32 $0x1C0B, s15;
	s17 =	rddreg [dreg:$0xb]  }
0xc6: {  	[hbm:s17], [sflag:s15] =	dma.local [spmem:s21], $0x400  }
0xc7: {  	_ =	swait.ge [sflag:s20], $0x400  }
0xc8: {  	[sflag:s20] =	ssyncset.done $0x0  }
0xc9: {  	s17 =	rddreg [dreg:$0xc];
	[sflag:s20] =	ssyncadd.s32 $0xFFFFFC00  }
0xca: {  	[hbm:s17], [sflag:s15] =	dma.local [spmem:s22], $0x400  }
0xcb: {  	_ =	swait.ge [sflag:s20], $0x400  }
0xcc: {  	[sflag:s20] =	ssyncset.done $0x0  }
0xcd: {  	s17 =	rddreg [dreg:$0xd];
	[sflag:s20] =	ssyncadd.s32 $0xFFFFFC00  }
0xce: {  	[hbm:s17], [sflag:s15] =	dma.local [spmem:s23], $0x400  }
0xcf: {  	_ =	swait.ge [sflag:s20], $0x400  }
0xd0: {  	[sflag:s20] =	ssyncset.done $0x0  }
0xd1: {  	[sflag:s20] =	ssyncadd.s32 $0xFFFFFC00  }
0xd2: {  	[hbm:s18], [sflag:s15] =	dma.local [spmem:s24], $0x400  }
0xd3: {  	_ =	swait.ge [sflag:s20], $0x400  }
0xd4: {  	[sflag:s20] =	ssyncset.done $0x0  }
0xd5: {  	[sflag:s20] =	ssyncadd.s32 $0xFFFFFC00  }
0xd6: {  	[hbm:s19], [sflag:s15] =	dma.local [spmem:s25], $0x400  }
0xd7: {  	_ =	swait.ge [sflag:s20], $0x400  }
0xd8: {  	s12 =	sadd.s32 $0x1, s12;
	s17 =	rddreg [dreg:$0x6]  }
0xd9: {  	p0 =	sne.s32 s12, s17  }
.Ltmp2:
0xda: {  	_ = 	snop;
	(pc) =	sbr.rel @p0 .LBB2_1-.Ltmp2, $3  }
0xdb: {  	_ =	sdelay $0x1  }
0xdc: {  	[sflag:s20] =	ssyncset.done $0x0  }
0xdd: {  	[sflag:s20] =	ssyncadd.s32 $0xFFFFFC00  }
0xde: {  	_ =	sfence.sel $0x180000  }
0xdf: {  	[bflag:$0x0] =	sbarrier.arrive $0xFFFF  }
0xe0: {  	_ =	strace $0x9000004A  }
0xe1: {  	s0 =	stileid.u32;
	[bflag:$0x2] =	sbarrier.arrive $0xFFFF  }
0xe2: {  	p0 =	sne.s32 s0, $0x0;
	s0 =	rddreg [dreg:$0x3]  }
0xe3: {  	s0 =	sadd.s32 @!p0 $0x100000, s0  }
0xe4: {  	[sflag:s0] =	ssyncadd.tile.s32 @!p0 $0x1;
	_ =	shalt  }
.Lfunc_end2:
_tile_overlayer_lowered:
.L_overlay_start_2:
0xe5: {  	(tag) =	ssettag $0x2  }
0xe6: {  	s0 =	rddreg [dreg:$0x0];
	s2 =	stileid.u32  }
0xe7: {  	s1 =	rddreg [dreg:$0x1];
	p0 =	sne.s32 s2, $0x0  }
0xe8: {  	s3 =	rddreg [dreg:$0x2];
	[bflag:$0x3] =	sbarrier.arrive $0xFFFF;
	s2 =	simm.s32 @!p0 $0x1C0B  }
0xe9: {  	[timem:s3], [sflag:s2] =	dma.local @!p0 [hbm:s0], s1  }
0xea: {  	s0 =	simm.s32 @!p0 $0xB  }
0xeb: {  	_ =	swait.ge @!p0 [sflag:s0], s1  }
0xec: {  	s1 =	ssub.s32 @!p0 $0x0, s1;
	[sflag:s0] =	ssyncset.done @!p0 $0x0  }
0xed: {  	[sflag:s0] =	ssyncadd.s32 @!p0 s1  }
0xee: {  	[bflag:$0x3] =	sbarrier.arrive $0xFFFF  }
0xef: {  	_ =	shalt  }

// kernel: kernel.14.cloned.1.call-start
scs
__scs_entry_jumppad:
0x0: {  	(pc) =	sbr.rel $0x88, $3  }
0x1: {  	(tag) =	ssettag $0x0;
	lr =	simm.s32 $0x1  }
0x2: {  	[smem:$0x3F9B] =	sst lr;
	_ =	strace $0xD0000000  }
0x3: {  	_ = 	snop  }
0x4: {  	_ = 	snop  }
0x5: {  	_ = 	snop  }
0x6: {  	_ = 	snop  }
0x7: {  	_ = 	snop  }
__scs_overlays_trampoline_lowered:
0x8: {  	[smem:$0x3FAA] =	sst s0  }
0x9: {  	[smem:$0x3FAB] =	sst s1  }
0xa: {  	[smem:$0x3FAC] =	sst s2  }
0xb: {  	[smem:$0x3FAD] =	sst s3  }
0xc: {  	[smem:$0x3FAE] =	sst s4  }
0xd: {  	[smem:$0x3FAF] =	sst s5  }
0xe: {  	[smem:$0x3FB0] =	sst s6  }
0xf: {  	[smem:$0x3FB1] =	sst s7  }
0x10: {  	[smem:$0x3FB2] =	sst s8  }
0x11: {  	[smem:$0x3FB3] =	sst s9;
	s0 =	simm.s32 @!p0 $0x0  }
0x12: {  	s1 =	sld [smem:$0x3F99];
	s0 =	simm.s32 @p0 $0x1  }
0x13: {  	[smem:$0x3FB4] =	sst s0;
	s0 =	simm.s32 @!p1 $0x0  }
0x14: {  	s2 =	sld [smem:$0x3F98];
	s0 =	simm.s32 @p1 $0x1  }
0x15: {  	[smem:$0x3FB5] =	sst s0;
	s0 =	simm.s32 @!p2 $0x0  }
0x16: {  	s3 =	sld [smem:$0x3FDB];
	s0 =	simm.s32 @p2 $0x1  }
0x17: {  	s4 =	simm.s32 $0x1BF5;
	[smem:$0x3FB7] =	sst s0  }
0x18: {  	s0 =	sld [smem:$0x3F9A];
	_ =	swait.ge [sflag:s4], $0x0  }
0x19: {  	s7 =	sld [smem:$0x3F9B]  }
0x1a: {  	s8 =	sadd.s32 $0xFFFFE003, lr  }
0x1b: {  	s9 =	sadd.s32 $0xFFFFFEF7, lr;
	s5 =	simm.s32 $0xFFFFFFFF;
	p2 =	slt.u32 s8, $0xFFFFF086  }
0x1c: {  	p1 =	slt.u32 s9, $0xF7A;
	s5 =	simm.s32 @!p2 $0x0  }
0x1d: {  	s5 =	simm.s32 @p1 $0x1;
	p0 =	seq.s32 s7, s2  }
0x1e: {  	s7 =	smul.u32 @!p0 $0xF7A, s2;
	p2 =	seq.s32 @!p0 s5, $0x0  }
0x1f: {  	s9 =	smul.u32 $0xF7A, s1;
	s8 =	simm.s32 @!p0 $0x1BF5;
	p2 =	por !p2, p0  }
0x20: {  	[sflag:s8] =	ssyncset.s32 @!p0 $0xFFFFF086;
	s6 =	sadd.s32 @!p0 s3, s7;
	s7 =	simm.s32 @!p0 $0x108  }
0x21: {  	s3 =	sadd.s32 s3, s9;
	s6 =	sadd.s32 @!p0 $0x88, s6;
	s7 =	simm.s32 @p2 $0x1082  }
0x22: {  	[simem:s7], [sflag:s8] =	dma.local @!p0 [hbm:s6], $0xF7A  }
0x23: {  	s9 =	sor.u32 $0xD0000000, s2;
	s6 =	simm.s32 $0x108;
	_ =	swait.ge @!p0 [sflag:s8], $0x0  }
0x24: {  	s3 =	sadd.s32 $0x88, s3;
	s6 =	simm.s32 @!p1 $0x1082;
	[sflag:s4] =	ssyncset.s32 $0xFFFFF086  }
0x25: {  	[simem:s6], [sflag:s4] =	dma.local [hbm:s3], $0xF7A  }
0x26: {  	[smem:$0x3F9B] =	sst s1;
	(tag) =	ssettag s2;
	_ =	strace s9  }
0x27: {  	s1 =	sld [smem:$0x3FAB]  }
0x28: {  	s2 =	sld [smem:$0x3FAC]  }
0x29: {  	s4 =	sld [smem:$0x3FAE]  }
0x2a: {  	p0 =	seq.s32 s5, $0x0;
	s5 =	sld [smem:$0x3FAF]  }
0x2b: {  	s6 =	sld [smem:$0x3FB0]  }
0x2c: {  	s7 =	sld [smem:$0x3FB1]  }
0x2d: {  	s3 =	simm.s32 $0x108;
	s8 =	sld [smem:$0x3FB2]  }
0x2e: {  	s3 =	simm.s32 @!p0 $0x1082;
	s9 =	sld [smem:$0x3FB3]  }
0x2f: {  	lr =	sadd.s32 s0, s3;
	s0 =	sld [smem:$0x3FAA]  }
0x30: {  	s3 =	sld [smem:$0x3FAD]  }
0x31: {  	[smem:$0x3FB6] =	sst s10  }
0x32: {  	s10 =	sld [smem:$0x3FB4];
	_ =	sdelay $0x3  }
0x33: {  	p0 =	seq.s32 s10, $0x1;
	s10 =	sld [smem:$0x3FB6];
	_ =	sdelay $0x3  }
0x34: {  	[smem:$0x3FB6] =	sst s10  }
0x35: {  	s10 =	sld [smem:$0x3FB5];
	_ =	sdelay $0x3  }
0x36: {  	p1 =	seq.s32 s10, $0x1;
	s10 =	sld [smem:$0x3FB6];
	_ =	sdelay $0x3  }
0x37: {  	[smem:$0x3FB6] =	sst s10  }
0x38: {  	s10 =	sld [smem:$0x3FB7]  }
0x39: {  	_ = 	snop;
	(pc) =	sbr.ind lr, $3  }
0x3a: {  	_ = 	snop  }
0x3b: {  	_ = 	snop  }
0x3c: {  	p2 =	seq.s32 s10, $0x1;
	s10 =	sld [smem:$0x3FB6]  }
0x3d: {  	_ =	shalt  }
0x3e: {  	_ =	shalt  }
0x3f: {  	_ =	shalt  }
0x40: {  	_ =	shalt  }
0x41: {  	_ =	shalt  }
0x42: {  	_ =	shalt  }
0x43: {  	_ =	shalt  }
0x44: {  	_ =	shalt  }
0x45: {  	_ =	shalt  }
0x46: {  	_ =	shalt  }
0x47: {  	_ =	shalt  }
0x48: {  	_ =	shalt  }
0x49: {  	_ =	shalt  }
0x4a: {  	_ =	shalt  }
0x4b: {  	_ =	shalt  }
0x4c: {  	_ =	shalt  }
0x4d: {  	_ =	shalt  }
0x4e: {  	_ =	shalt  }
0x4f: {  	_ =	shalt  }
0x50: {  	_ =	shalt  }
0x51: {  	_ =	shalt  }
0x52: {  	_ =	shalt  }
0x53: {  	_ =	shalt  }
0x54: {  	_ =	shalt  }
0x55: {  	_ =	shalt  }
0x56: {  	_ =	shalt  }
0x57: {  	_ =	shalt  }
0x58: {  	_ =	shalt  }
0x59: {  	_ =	shalt  }
0x5a: {  	_ =	shalt  }
0x5b: {  	_ =	shalt  }
0x5c: {  	_ =	shalt  }
0x5d: {  	_ =	shalt  }
0x5e: {  	_ =	shalt  }
0x5f: {  	_ =	shalt  }
0x60: {  	_ =	shalt  }
0x61: {  	_ =	shalt  }
0x62: {  	_ =	shalt  }
0x63: {  	_ =	shalt  }
0x64: {  	_ =	shalt  }
0x65: {  	_ =	shalt  }
0x66: {  	_ =	shalt  }
0x67: {  	_ =	shalt  }
0x68: {  	_ =	shalt  }
0x69: {  	_ =	shalt  }
0x6a: {  	_ =	shalt  }
0x6b: {  	_ =	shalt  }
0x6c: {  	_ =	shalt  }
0x6d: {  	_ =	shalt  }
0x6e: {  	_ =	shalt  }
0x6f: {  	_ =	shalt  }
0x70: {  	_ =	shalt  }
0x71: {  	_ =	shalt  }
0x72: {  	_ =	shalt  }
0x73: {  	_ =	shalt  }
0x74: {  	_ =	shalt  }
0x75: {  	_ =	shalt  }
0x76: {  	_ =	shalt  }
0x77: {  	_ =	shalt  }
0x78: {  	_ =	shalt  }
0x79: {  	_ =	shalt  }
0x7a: {  	_ =	shalt  }
0x7b: {  	_ =	shalt  }
0x7c: {  	_ =	shalt  }
0x7d: {  	_ =	shalt  }
0x7e: {  	_ =	shalt  }
0x7f: {  	_ =	shalt  }
0x80: {  	_ =	shalt  }
0x81: {  	_ =	shalt  }
0x82: {  	_ =	shalt  }
0x83: {  	_ =	shalt  }
0x84: {  	_ =	shalt  }
0x85: {  	_ =	shalt  }
0x86: {  	_ =	shalt  }
0x87: {  	_ =	shalt  }
.Lfunc_end0:
.L_simem_size_0:
called_computation.2_lowered:
.L_overlay_start_0:
0x88: {  	s2 =	sld [smem:$0x3FD9]  }
0x89: {  	s3 =	sld [smem:$0x3FFE];
	_ =	sdelay $0x1  }
0x8a: {  	s1 =	srdreg.scid  }
0x8b: {  	s0 =	sand.u32 $0x1, s1  }
0x8c: {  	s17 =	sshll.u32 s0, $0xA;
	s2 =	sadd.s32 s3, s2  }
0x8d: {  	s2 =	sadd.s32 s2, s17  }
0x8e: {  	[smem:$0x3FC2] =	sst s2  }
0x8f: {  	_ = 	snop  }
0x90: {  	s2 =	sld [smem:$0x3FD0];
	(tm) =	ssettm $0x1  }
0x91: {  	s18 =	sld [smem:$0x3FFB];
	_ =	sdelay $0x3  }
0x92: {  	_ =	strace s18  }
0x93: {  	s3 =	sld [smem:$0x3FFC];
	_ =	sdelay $0x3  }
0x94: {  	_ =	strace s3  }
0x95: {  	s3 =	sld [smem:$0x3FFD];
	_ =	sdelay $0x3  }
0x96: {  	_ =	strace s3  }
0x97: {  	_ =	strace $0x8FFFFFFF  }
0x98: {  	s19 =	sld [smem:$0x3FDB];
	_ =	sdelay $0x1  }
0x99: {  	s4 =	simm.s32 $_scs_section_size  }
0x9a: {  	s5 =	simm.s32 $_size__tile_overlayer_lowered;
	s6 =	simm.s32 $_tile_overlayer_lowered  }
0x9b: {  	s22 =	simm.s32 $0x1BFF;
	s21 =	sshll.u32 s6, $0x1;
	s3 =	sadd.s32 s4, s19  }
0x9c: {  	s7 =	simm.s32 $0x0;
	s20 =	sshll.u32 s5, $0x1;
	s5 =	sadd.s32 s21, s3  }
0x9d: {  	[timem:s7], [sflag:s22] =	dma.local [hbm:s5], s20  }
0x9e: {  	_ =	swait.ge [sflag:s22], s20  }
0x9f: {  	s4 =	ssub.s32 $0x0, s20;
	[sflag:s22] =	ssyncset.done $0x0  }
0xa0: {  	[sflag:s22] =	ssyncadd.s32 s4;
	_ =	sdelay $0x1  }
0xa1: {  	s23 =	simm.s32 $0x1B8B  }
0xa2: {  	_ =	swait.ge [sflag:s23], $0x1  }
0xa3: {  	[sflag:s23] =	ssyncset.done $0x0  }
0xa4: {  	s25 =	simm.s32 $0x1B8E;
	s24 =	sld [smem:$0x3FFE];
	[sflag:s23] =	ssyncadd.s32 $0xFFFFFFFF  }
0xa5: {  	s26 =	simm.s32 $execute0_lowered;
	[smem:$0x3FD2] =	sst s25  }
0xa6: {  	s5 =	sshll.u32 s26, $0x1;
	_ =	strace $0x8000004C;
	[dreg:$0x1] =	wrdreg $0xFFFFFFFF  }
0xa7: {  	s28 =	simm.s32 $_size_execute0_lowered;
	s3 =	sadd.s32 s3, s5;
	[dreg:$0x0] =	wrdreg $0x0  }
0xa8: {  	s5 =	sshll.u32 s28, $0x1;
	[dreg:$0x2] =	wrdreg s3  }
0xa9: {  	[dreg:$0x3] =	wrdreg s5  }
0xaa: {  	[dreg:$0x4] =	wrdreg $0xC0  }
0xab: {  	_ =	task [dreg:s7], $0x5FFFF  }
0xac: {  	[dreg:$0x1] =	wrdreg $0xFFFFFFFF  }
0xad: {  	[dreg:$0x0] =	wrdreg $0x60  }
0xae: {  	[dreg:$0x2] =	wrdreg s2  }
0xaf: {  	[dreg:$0x3] =	wrdreg s24  }
0xb0: {  	[dreg:$0x4] =	wrdreg $0x140000  }
0xb1: {  	[dreg:$0x5] =	wrdreg $0x9  }
0xb2: {  	_ =	task.clear_ibuf [dreg:s7], $0x6FFFF;
	_ =	strace $0x9000004C  }
0xb3: {  	s29 =	simm.s32 $0x9;
	_ =	strace $0x8000004E  }
0xb4: {  	_ =	swait.ge [sflag:s29], $0x1  }
0xb5: {  	[sflag:s29] =	ssyncadd.s32 $0xFFFFFFFF  }
0xb6: {  	_ =	strace $0x9000004E  }
0xb7: {  	_ =	sfence  }
0xb8: {  	s30 =	sld [smem:$0x0];
	_ =	sdelay $0x2  }
0xb9: {  	s31 =	sshll.u32 s1, $0xD;
	s1 =	sshrl.u32 s1, $0x2  }
0xba: {  	s3 =	sand.u32 $0x4000, s31;
	s1 =	sadd.s32 s1, s30  }
0xbb: {  	s0 =	sor.u32 s3, s0;
	s1 =	sshll.u32 s1, $0x11  }
0xbc: {  	s0 =	sor.u32 s1, s0  }
0xbd: {  	s0 =	sadd.s32 $0x8F2B, s0  }
0xbe: {  	[sflag:s0] =	ssyncadd.remote.s32 $0x1  }
0xbf: {  	_ =	sfence.sel $0xFFFF  }
0xc0: {  	[dreg:$0x0] =	wrdreg $0xFFFFFFFF;
	(pc) =	sbr.abs _section_cstart, $3  }
0xc1: {  	[dreg:$0x1] =	wrdreg $0xFFFFFFFF  }
0xc2: {  	_ =	task.clear_ibuf [dreg:s7], $0x2FFFF;
	_ =	strace $0x9FFFFFFF  }
0xc3: {  	(tm) =	ssettm $0x7FFFFFFF  }
tec
execute0_lowered:
.L_overlay_start_1:
0x0: {  	(tag) =	ssettag $0x1  }
0x1: {  	s0 =	rddreg [dreg:$0x0]  }
0x2: {  	s1 =	rddreg [dreg:$0x1]  }
0x3: {  	s2 =	rddreg [dreg:$0x2];
	s9 =	stileid.u32  }
0x4: {  	s4 =	simm.s32 $0x0;
	s3 =	srdreg.scid;
	s10 =	smul.u32 $0xA00, s9  }
0x5: {  	s28 =	simm.s32 $0x2;
	s29 =	simm.s32 $0x80;
	s8 =	smul.u32 $0x28000, s9  }
0x6: {  	s30 =	simm.s32 $0xC000;
	s3 =	sand.u32 $0x1, s3;
	s14 =	smul.u32 $0xA000, s9  }
0x7: {  	s31 =	simm.s32 $0x3;
	[smem:$0x7FF] =	sst s4;
	s5 =	smul.u32 $0x14000, s3  }
0x8: {  	_ =	strace $0x8000004D;
	s6 =	ssub.s32 $0x2, s3;
	s3 =	smul.u32 $0x13880, s3  }
0x9: {  	s4 =	sadd.s32 s10, s1;
	s7 =	sshrl.u32 s6, $0x1;
	s13 =	sshrl.u32 s8, $0x2  }
0xa: {  	s16 =	sshrl.u32 s14, $0x3;
	s22 =	sadd.s32 s14, s2;
	s23 =	sadd.s32 $0x2000, s14  }
0xb: {  	s9 =	sadd.s32 $0x4000, s14;
	s8 =	sadd.s32 $0x8000, s14;
	s1 =	sadd.s32 s5, s1  }
0xc: {  	s11 =	ssub.s32 s6, s7;
	s12 =	sadd.s32 $0x5B800, s4;
	s4 =	sadd.s32 $0x1800, s4  }
0xd: {  	s6 =	sadd.s32 s13, s2;
	s7 =	sadd.s32 s0, s3;
	s24 =	sshrl.u32 s23, $0x3  }
0xe: {  	s10 =	sshrl.u32 s9, $0x3;
	s9 =	sadd.s32 s9, s2;
	s13 =	sshrl.u32 s8, $0x3  }
0xf: {  	s8 =	sadd.s32 s8, s2;
	s0 =	simm.s32 $0xE000;
	[dreg:$0x4] =	wrdreg s12  }
0x10: {  	s3 =	simm.s32 $0x4;
	s5 =	simm.s32 $0x6;
	[dreg:$0x5] =	wrdreg s4  }
0x11: {  	s15 =	sadd.s32 $0xB800, s1;
	s17 =	smax.u32 s11, $0x1;
	s18 =	sadd.s32 $0x2000, s6  }
0x12: {  	s19 =	sadd.s32 $0x4000, s6;
	s20 =	sadd.s32 $0x6000, s6;
	[dreg:$0x6] =	wrdreg s17  }
0x13: {  	s21 =	sadd.s32 $0x8000, s6;
	s4 =	sadd.s32 s23, s2;
	[dreg:$0x7] =	wrdreg s18  }
0x14: {  	s11 =	sadd.s32 $0x6000, s14;
	s14 =	simm.s32 $0xA000;
	[dreg:$0x8] =	wrdreg s19  }
0x15: {  	s23 =	sshrl.u32 s9, $0x3;
	s9 =	simm.s32 $0x8;
	[dreg:$0x9] =	wrdreg s20  }
0x16: {  	[dreg:$0xa] =	wrdreg s21;
	s12 =	sshrl.u32 s11, $0x3;
	s11 =	sadd.s32 s11, s2  }
0x17: {  	s1 =	sadd.s32 s16, s15;
	s25 =	sadd.s32 s24, s15;
	s26 =	sadd.s32 s10, s15  }
0x18: {  	s19 =	sadd.s32 s13, s15;
	s20 =	simm.s32 $0xB;
	s21 =	sshrl.u32 s22, $0x3  }
0x19: {  	s22 =	sshrl.u32 s4, $0x3;
	s13 =	simm.s32 $0x10000;
	[dreg:$0xb] =	wrdreg s1  }
0x1a: {  	s4 =	simm.s32 $0x5;
	s10 =	simm.s32 $0x9;
	[dreg:$0xc] =	wrdreg s25  }
0x1b: {  	[dreg:$0xd] =	wrdreg s26;
	s18 =	sadd.s32 s12, s15;
	s24 =	sshrl.u32 s11, $0x3  }
0x1c: {  	s25 =	sshrl.u32 s8, $0x3;
	s26 =	simm.s32 $0x1;
	s1 =	simm.s32 $0x12000  }
0x1d: {  	v0 =	vimm.f32 $0.0e+00;
	s8 =	simm.s32 $0x7;
	s11 =	simm.s32 $0xA;
	s12 =	simm.s32 $0x0  }
.LBB2_1:
0x1e: {  	s15 =	simm.s32 $0x0;
	s16 =	rddreg [dreg:$0x4]  }
0x1f: {  	[tilespmem:s15], [sflag:$0x1] =	stream.linear.gather [hbm4b:s16+s15], $0x5000, $0x38;
	[tilespmem:$0x1E000] =	vst v63  }
0x20: {  	s17 =	simm.s32 $0x5000;
	s16 =	rddreg [dreg:$0x5]  }
0x21: {  	[tilespmem:s17], [sflag:$0x2] =	stream.linear.gather [hbm4b:s16+s15], $0x5000, $0x38;
	[tilespmem:$0x1E000] =	vst v63  }
0x22: {  	s16 =	simm.s32 $0x100;
	s15 =	simm.s32 $0x0  }
.LBB2_2:
0x23: {  	p0 =	sne.s32 s16, $0x7F00;
	[tilespmem:s15+$0xA030] =	vst v0;
	s17 =	smov.u32 s16;
	s16 =	sadd.s32 $0x100, s16  }
.Ltmp0:
0x24: {  	[tilespmem:s15+$0xA020] =	vst v0;
	(pc) =	sbr.rel @p0 .LBB2_2-.Ltmp0, $3  }
0x25: {  	[tilespmem:s15+$0xA000] =	vst v0  }
0x26: {  	[tilespmem:s15+$0xA010] =	vst v0;
	_ =	sdelay $0x1  }
0x27: {  	s15 =	sshra.s32 s17, $0x2  }
0x28: {  	[tilespmem:s15+$0xA030] =	vst v0  }
0x29: {  	[tilespmem:s15+$0xA020] =	vst v0  }
0x2a: {  	[tilespmem:s15+$0xA000] =	vst v0  }
0x2b: {  	[tilespmem:s15+$0xA010] =	vst v0  }
0x2c: {  	[spmem:s6] =	stream.linear.scatter [tilespmem:s14], [sflag:$0xB], $0x2000, $0x38;
	[tilespmem:$0x1E000] =	vst v63  }
0x2d: {  	_ =	swait.ge [sflag:s20], $0x2000  }
0x2e: {  	[sflag:s20] =	ssyncset.done $0x0  }
0x2f: {  	s17 =	rddreg [dreg:$0x7];
	[sflag:s20] =	ssyncadd.s32 $0xFFFFE000  }
0x30: {  	[spmem:s17] =	stream.linear.scatter [tilespmem:s14], [sflag:$0xB], $0x2000, $0x38;
	[tilespmem:$0x1E000] =	vst v63  }
0x31: {  	_ =	swait.ge [sflag:s20], $0x2000  }
0x32: {  	[sflag:s20] =	ssyncset.done $0x0  }
0x33: {  	s16 =	rddreg [dreg:$0x8];
	[sflag:s20] =	ssyncadd.s32 $0xFFFFE000  }
0x34: {  	[spmem:s16] =	stream.linear.scatter [tilespmem:s14], [sflag:$0xB], $0x2000, $0x38;
	[tilespmem:$0x1E000] =	vst v63  }
0x35: {  	_ =	swait.ge [sflag:s20], $0x2000  }
0x36: {  	[sflag:s20] =	ssyncset.done $0x0  }
0x37: {  	s17 =	rddreg [dreg:$0x9];
	[sflag:s20] =	ssyncadd.s32 $0xFFFFE000  }
0x38: {  	[spmem:s17] =	stream.linear.scatter [tilespmem:s14], [sflag:$0xB], $0x2000, $0x38;
	[tilespmem:$0x1E000] =	vst v63  }
0x39: {  	_ =	swait.ge [sflag:s20], $0x2000  }
0x3a: {  	[sflag:s20] =	ssyncset.done $0x0  }
0x3b: {  	s16 =	rddreg [dreg:$0xa];
	[sflag:s20] =	ssyncadd.s32 $0xFFFFE000  }
0x3c: {  	[spmem:s16] =	stream.linear.scatter [tilespmem:s14], [sflag:$0xB], $0x2000, $0x38;
	[tilespmem:$0x1E000] =	vst v63  }
0x3d: {  	_ =	swait.ge [sflag:s20], $0x2000  }
0x3e: {  	[sflag:s20] =	ssyncset.done $0x0  }
0x3f: {  	[sflag:s20] =	ssyncadd.s32 $0xFFFFE000  }
0x40: {  	_ =	swait.ge [sflag:s26], $0x5000  }
0x41: {  	[sflag:s26] =	ssyncset.done $0x0  }
0x42: {  	[sflag:s26] =	ssyncadd.s32 $0xFFFFB000  }
0x43: {  	_ =	swait.ge [sflag:s28], $0x5000  }
0x44: {  	[sflag:s28] =	ssyncset.done $0x0  }
0x45: {  	[sflag:s28] =	ssyncadd.s32 $0xFFFFB000  }
0x46: {  	s17 =	simm.s32 $0x0;
	[bflag:$0x0] =	sbarrier.arrive $0xFFFF  }
0x47: {  	[tilespmem:s14], [sflag:$0x1] =	stream.indirect.gather [hbm4b:s7+s29], $0x40, s17, s29, $0xb8;
	[tilespmem:$0x1E000] =	vst v63  }
0x48: {  	_ = 	snop  }
0x49: {  	[tilespmem:s30], [sflag:$0x2] =	stream.indirect.gather [hbm4b:s7+s29], $0x40, s29, s29, $0xb8;
	[tilespmem:$0x1E000] =	vst v63  }
0x4a: {  	s16 =	simm.s32 $0x100  }
0x4b: {  	[tilespmem:s0], [sflag:$0x3] =	stream.indirect.gather [hbm4b:s7+s29], $0x40, s16, s29, $0xb8;
	[tilespmem:$0x1E000] =	vst v63  }
0x4c: {  	s17 =	simm.s32 $0x180  }
0x4d: {  	[tilespmem:s13], [sflag:$0x4] =	stream.indirect.gather [hbm4b:s7+s29], $0x40, s17, s29, $0xb8;
	[tilespmem:$0x1E000] =	vst v63  }
0x4e: {  	s16 =	simm.s32 $0x200  }
0x4f: {  	[tilespmem:s1], [sflag:$0x5] =	stream.indirect.gather [hbm4b:s7+s29], $0x40, s16, s29, $0xb8;
	[tilespmem:$0x1E000] =	vst v63  }
0x50: {  	_ =	swait.ge [sflag:s26], $0x2000  }
0x51: {  	[sflag:s26] =	ssyncset.done $0x0  }
0x52: {  	s17 =	simm.s32 $0x5000;
	[sflag:s26] =	ssyncadd.s32 $0xFFFFE000  }
0x53: {  	[spmem:s2] =	stream.indirect.scatter.add.f32 [tilespmem:s14], [sflag:$0x6], $0x40, s17, s29, $0xb8;
	[tilespmem:$0x1E000] =	vst v63  }
0x54: {  	_ =	swait.ge [sflag:s28], $0x2000  }
0x55: {  	[sflag:s28] =	ssyncset.done $0x0  }
0x56: {  	s16 =	simm.s32 $0x5080;
	[sflag:s28] =	ssyncadd.s32 $0xFFFFE000  }
0x57: {  	[spmem:s2] =	stream.indirect.scatter.add.f32 [tilespmem:s30], [sflag:$0x7], $0x40, s16, s29, $0xb8;
	[tilespmem:$0x1E000] =	vst v63  }
0x58: {  	_ =	swait.ge [sflag:s31], $0x2000  }
0x59: {  	[sflag:s31] =	ssyncset.done $0x0  }
0x5a: {  	s17 =	simm.s32 $0x5100;
	[sflag:s31] =	ssyncadd.s32 $0xFFFFE000  }
0x5b: {  	[spmem:s2] =	stream.indirect.scatter.add.f32 [tilespmem:s0], [sflag:$0x8], $0x40, s17, s29, $0xb8;
	[tilespmem:$0x1E000] =	vst v63  }
0x5c: {  	_ =	swait.ge [sflag:s3], $0x2000  }
0x5d: {  	[sflag:s3] =	ssyncset.done $0x0  }
0x5e: {  	s16 =	simm.s32 $0x5180;
	[sflag:s3] =	ssyncadd.s32 $0xFFFFE000  }
0x5f: {  	[spmem:s2] =	stream.indirect.scatter.add.f32 [tilespmem:s13], [sflag:$0x9], $0x40, s16, s29, $0xb8;
	[tilespmem:$0x1E000] =	vst v63  }
0x60: {  	_ =	swait.ge [sflag:s4], $0x2000  }
0x61: {  	[sflag:s4] =	ssyncset.done $0x0  }
0x62: {  	s17 =	simm.s32 $0x5200;
	[sflag:s4] =	ssyncadd.s32 $0xFFFFE000  }
0x63: {  	[spmem:s2] =	stream.indirect.scatter.add.f32 [tilespmem:s1], [sflag:$0xA], $0x40, s17, s29, $0xb8;
	[tilespmem:$0x1E000] =	vst v63  }
0x64: {  	_ =	swait.ge [sflag:s5], $0x2000  }
0x65: {  	[sflag:s5] =	ssyncset.done $0x0  }
0x66: {  	s16 =	simm.s32 $0x280;
	[sflag:s5] =	ssyncadd.s32 $0xFFFFE000  }
0x67: {  	[tilespmem:s14], [sflag:$0x1] =	stream.indirect.gather [hbm4b:s7+s29], $0x40, s16, s29, $0xb8;
	[tilespmem:$0x1E000] =	vst v63  }
0x68: {  	_ =	swait.ge [sflag:s8], $0x2000  }
0x69: {  	[sflag:s8] =	ssyncset.done $0x0  }
0x6a: {  	s17 =	simm.s32 $0x300;
	[sflag:s8] =	ssyncadd.s32 $0xFFFFE000  }
0x6b: {  	[tilespmem:s30], [sflag:$0x2] =	stream.indirect.gather [hbm4b:s7+s29], $0x40, s17, s29, $0xb8;
	[tilespmem:$0x1E000] =	vst v63  }
0x6c: {  	_ =	swait.ge [sflag:s9], $0x2000  }
0x6d: {  	[sflag:s9] =	ssyncset.done $0x0  }
0x6e: {  	s16 =	simm.s32 $0x380;
	[sflag:s9] =	ssyncadd.s32 $0xFFFFE000  }
0x6f: {  	[tilespmem:s0], [sflag:$0x3] =	stream.indirect.gather [hbm4b:s7+s29], $0x40, s16, s29, $0xb8;
	[tilespmem:$0x1E000] =	vst v63  }
0x70: {  	_ =	swait.ge [sflag:s10], $0x2000  }
0x71: {  	[sflag:s10] =	ssyncset.done $0x0  }
0x72: {  	s17 =	simm.s32 $0x400;
	[sflag:s10] =	ssyncadd.s32 $0xFFFFE000  }
0x73: {  	[tilespmem:s13], [sflag:$0x4] =	stream.indirect.gather [hbm4b:s7+s29], $0x40, s17, s29, $0xb8;
	[tilespmem:$0x1E000] =	vst v63  }
0x74: {  	_ =	swait.ge [sflag:s11], $0x2000  }
0x75: {  	[sflag:s11] =	ssyncset.done $0x0  }
0x76: {  	s15 =	simm.s32 $0xA00;
	s16 =	simm.s32 $0x480;
	[sflag:s11] =	ssyncadd.s32 $0xFFFFE000  }
.LBB2_4:
0x77: {  	[tilespmem:s1], [sflag:$0x5] =	stream.indirect.gather [hbm4b:s7+s29], $0x40, s16, s29, $0xb8;
	[tilespmem:$0x1E000] =	vst v63  }
0x78: {  	s16 =	smov.u32 s15  }
0x79: {  	p0 =	sne.s32 s15, $0x12C00;
	s15 =	sadd.s32 $0xA00, s15;
	_ =	swait.ge [sflag:s26], $0x2000  }
0x7a: {  	s16 =	sshra.s32 s16, $0x2;
	[sflag:s26] =	ssyncset.done $0x0  }
0x7b: {  	s17 =	sadd.s32 $0x5000, s16;
	[sflag:s26] =	ssyncadd.s32 $0xFFFFE000  }
0x7c: {  	[spmem:s2] =	stream.indirect.scatter.add.f32 [tilespmem:s14], [sflag:$0x6], $0x40, s17, s29, $0xb8;
	[tilespmem:$0x1E000] =	vst v63  }
0x7d: {  	_ =	swait.ge [sflag:s28], $0x2000  }
0x7e: {  	[sflag:s28] =	ssyncset.done $0x0  }
0x7f: {  	s17 =	sadd.s32 $0x5080, s16;
	[sflag:s28] =	ssyncadd.s32 $0xFFFFE000  }
0x80: {  	[spmem:s2] =	stream.indirect.scatter.add.f32 [tilespmem:s30], [sflag:$0x7], $0x40, s17, s29, $0xb8;
	[tilespmem:$0x1E000] =	vst v63  }
0x81: {  	_ =	swait.ge [sflag:s31], $0x2000  }
0x82: {  	[sflag:s31] =	ssyncset.done $0x0  }
0x83: {  	s17 =	sadd.s32 $0x5100, s16;
	[sflag:s31] =	ssyncadd.s32 $0xFFFFE000  }
0x84: {  	[spmem:s2] =	stream.indirect.scatter.add.f32 [tilespmem:s0], [sflag:$0x8], $0x40, s17, s29, $0xb8;
	[tilespmem:$0x1E000] =	vst v63  }
0x85: {  	_ =	swait.ge [sflag:s3], $0x2000  }
0x86: {  	[sflag:s3] =	ssyncset.done $0x0  }
0x87: {  	s17 =	sadd.s32 $0x5180, s16;
	[sflag:s3] =	ssyncadd.s32 $0xFFFFE000  }
0x88: {  	[spmem:s2] =	stream.indirect.scatter.add.f32 [tilespmem:s13], [sflag:$0x9], $0x40, s17, s29, $0xb8;
	[tilespmem:$0x1E000] =	vst v63  }
0x89: {  	_ =	swait.ge [sflag:s4], $0x2000  }
0x8a: {  	[sflag:s4] =	ssyncset.done $0x0  }
0x8b: {  	s17 =	sadd.s32 $0x5200, s16;
	[sflag:s4] =	ssyncadd.s32 $0xFFFFE000  }
0x8c: {  	[spmem:s2] =	stream.indirect.scatter.add.f32 [tilespmem:s1], [sflag:$0xA], $0x40, s17, s29, $0xb8;
	[tilespmem:$0x1E000] =	vst v63  }
0x8d: {  	_ =	swait.ge [sflag:s5], $0x2000  }
0x8e: {  	[sflag:s5] =	ssyncset.done $0x0  }
0x8f: {  	s17 =	sadd.s32 $0x280, s16;
	[sflag:s5] =	ssyncadd.s32 $0xFFFFE000  }
0x90: {  	[tilespmem:s14], [sflag:$0x1] =	stream.indirect.gather [hbm4b:s7+s29], $0x40, s17, s29, $0xb8;
	[tilespmem:$0x1E000] =	vst v63  }
0x91: {  	_ =	swait.ge [sflag:s8], $0x2000  }
0x92: {  	[sflag:s8] =	ssyncset.done $0x0  }
0x93: {  	s17 =	sadd.s32 $0x300, s16;
	[sflag:s8] =	ssyncadd.s32 $0xFFFFE000  }
0x94: {  	[tilespmem:s30], [sflag:$0x2] =	stream.indirect.gather [hbm4b:s7+s29], $0x40, s17, s29, $0xb8;
	[tilespmem:$0x1E000] =	vst v63  }
0x95: {  	_ =	swait.ge [sflag:s9], $0x2000  }
0x96: {  	[sflag:s9] =	ssyncset.done $0x0  }
0x97: {  	s17 =	sadd.s32 $0x380, s16;
	[sflag:s9] =	ssyncadd.s32 $0xFFFFE000  }
0x98: {  	[tilespmem:s0], [sflag:$0x3] =	stream.indirect.gather [hbm4b:s7+s29], $0x40, s17, s29, $0xb8;
	[tilespmem:$0x1E000] =	vst v63  }
0x99: {  	_ =	swait.ge [sflag:s10], $0x2000  }
0x9a: {  	[sflag:s10] =	ssyncset.done $0x0  }
.Ltmp1:
0x9b: {  	s17 =	sadd.s32 $0x400, s16;
	[sflag:s10] =	ssyncadd.s32 $0xFFFFE000;
	(pc) =	sbr.rel @p0 .LBB2_4-.Ltmp1, $4  }
0x9c: {  	[tilespmem:s13], [sflag:$0x4] =	stream.indirect.gather [hbm4b:s7+s29], $0x40, s17, s29, $0xb8;
	[tilespmem:$0x1E000] =	vst v63  }
0x9d: {  	_ =	swait.ge [sflag:s11], $0x2000  }
0x9e: {  	[sflag:s11] =	ssyncset.done $0x0  }
0x9f: {  	s16 =	sadd.s32 $0x480, s16;
	[sflag:s11] =	ssyncadd.s32 $0xFFFFE000  }
0xa0: {  	[tilespmem:s1], [sflag:$0x5] =	stream.indirect.gather [hbm4b:s7+s29], $0x40, s16, s29, $0xb8;
	[tilespmem:$0x1E000] =	vst v63  }
0xa1: {  	_ =	swait.ge [sflag:s26], $0x2000  }
0xa2: {  	[sflag:s26] =	ssyncset.done $0x0  }
0xa3: {  	s15 =	simm.s32 $0x9D80;
	[sflag:s26] =	ssyncadd.s32 $0xFFFFE000  }
0xa4: {  	[spmem:s2] =	stream.indirect.scatter.add.f32 [tilespmem:s14], [sflag:$0x6], $0x40, s15, s29, $0xb8;
	[tilespmem:$0x1E000] =	vst v63  }
0xa5: {  	_ =	swait.ge [sflag:s28], $0x2000  }
0xa6: {  	[sflag:s28] =	ssyncset.done $0x0  }
0xa7: {  	s16 =	simm.s32 $0x9E00;
	[sflag:s28] =	ssyncadd.s32 $0xFFFFE000  }
0xa8: {  	[spmem:s2] =	stream.indirect.scatter.add.f32 [tilespmem:s30], [sflag:$0x7], $0x40, s16, s29, $0xb8;
	[tilespmem:$0x1E000] =	vst v63  }
0xa9: {  	_ =	swait.ge [sflag:s31], $0x2000  }
0xaa: {  	[sflag:s31] =	ssyncset.done $0x0  }
0xab: {  	s17 =	simm.s32 $0x9E80;
	[sflag:s31] =	ssyncadd.s32 $0xFFFFE000  }
0xac: {  	[spmem:s2] =	stream.indirect.scatter.add.f32 [tilespmem:s0], [sflag:$0x8], $0x40, s17, s29, $0xb8;
	[tilespmem:$0x1E000] =	vst v63  }
0xad: {  	_ =	swait.ge [sflag:s3], $0x2000  }
0xae: {  	[sflag:s3] =	ssyncset.done $0x0  }
0xaf: {  	s16 =	simm.s32 $0x9F00;
	[sflag:s3] =	ssyncadd.s32 $0xFFFFE000  }
0xb0: {  	[spmem:s2] =	stream.indirect.scatter.add.f32 [tilespmem:s13], [sflag:$0x9], $0x40, s16, s29, $0xb8;
	[tilespmem:$0x1E000] =	vst v63  }
0xb1: {  	_ =	swait.ge [sflag:s4], $0x2000  }
0xb2: {  	[sflag:s4] =	ssyncset.done $0x0  }
0xb3: {  	s17 =	simm.s32 $0x9F80;
	[sflag:s4] =	ssyncadd.s32 $0xFFFFE000  }
0xb4: {  	[spmem:s2] =	stream.indirect.scatter.add.f32 [tilespmem:s1], [sflag:$0xA], $0x40, s17, s29, $0xb8;
	[tilespmem:$0x1E000] =	vst v63  }
0xb5: {  	_ =	swait.ge [sflag:s5], $0x2000  }
0xb6: {  	[sflag:s5] =	ssyncset.done $0x0  }
0xb7: {  	[sflag:s5] =	ssyncadd.s32 $0xFFFFE000  }
0xb8: {  	_ =	swait.ge [sflag:s8], $0x2000  }
0xb9: {  	[sflag:s8] =	ssyncset.done $0x0  }
0xba: {  	[sflag:s8] =	ssyncadd.s32 $0xFFFFE000  }
0xbb: {  	_ =	swait.ge [sflag:s9], $0x2000  }
0xbc: {  	[sflag:s9] =	ssyncset.done $0x0  }
0xbd: {  	[sflag:s9] =	ssyncadd.s32 $0xFFFFE000  }
0xbe: {  	_ =	swait.ge [sflag:s10], $0x2000  }
0xbf: {  	[sflag:s10] =	ssyncset.done $0x0  }
0xc0: {  	[sflag:s10] =	ssyncadd.s32 $0xFFFFE000  }
0xc1: {  	_ =	swait.ge [sflag:s11], $0x2000  }
0xc2: {  	[sflag:s11] =	ssyncset.done $0x0  }
0xc3: {  	s16 =	stileid.u32;
	[sflag:s11] =	ssyncadd.s32 $0xFFFFE000  }
0xc4: {  	s15 =	sshll.u32 s16, $0x6;
	[bflag:$0x0] =	sbarrier.arrive $0xFFFF  }
0xc5: {  	s15 =	sor.u32 $0x1C0B, s15;
	s17 =	rddreg [dreg:$0xb]  }
0xc6: {  	[hbm:s17], [sflag:s15] =	dma.local [spmem:s21], $0x400  }
0xc7: {  	_ =	swait.ge [sflag:s20], $0x400  }
0xc8: {  	[sflag:s20] =	ssyncset.done $0x0  }
0xc9: {  	s17 =	rddreg [dreg:$0xc];
	[sflag:s20] =	ssyncadd.s32 $0xFFFFFC00  }
0xca: {  	[hbm:s17], [sflag:s15] =	dma.local [spmem:s22], $0x400  }
0xcb: {  	_ =	swait.ge [sflag:s20], $0x400  }
0xcc: {  	[sflag:s20] =	ssyncset.done $0x0  }
0xcd: {  	s17 =	rddreg [dreg:$0xd];
	[sflag:s20] =	ssyncadd.s32 $0xFFFFFC00  }
0xce: {  	[hbm:s17], [sflag:s15] =	dma.local [spmem:s23], $0x400  }
0xcf: {  	_ =	swait.ge [sflag:s20], $0x400  }
0xd0: {  	[sflag:s20] =	ssyncset.done $0x0  }
0xd1: {  	[sflag:s20] =	ssyncadd.s32 $0xFFFFFC00  }
0xd2: {  	[hbm:s18], [sflag:s15] =	dma.local [spmem:s24], $0x400  }
0xd3: {  	_ =	swait.ge [sflag:s20], $0x400  }
0xd4: {  	[sflag:s20] =	ssyncset.done $0x0  }
0xd5: {  	[sflag:s20] =	ssyncadd.s32 $0xFFFFFC00  }
0xd6: {  	[hbm:s19], [sflag:s15] =	dma.local [spmem:s25], $0x400  }
0xd7: {  	_ =	swait.ge [sflag:s20], $0x400  }
0xd8: {  	s12 =	sadd.s32 $0x1, s12;
	s17 =	rddreg [dreg:$0x6]  }
0xd9: {  	p0 =	sne.s32 s12, s17  }
.Ltmp2:
0xda: {  	_ = 	snop;
	(pc) =	sbr.rel @p0 .LBB2_1-.Ltmp2, $3  }
0xdb: {  	_ =	sdelay $0x1  }
0xdc: {  	[sflag:s20] =	ssyncset.done $0x0  }
0xdd: {  	[sflag:s20] =	ssyncadd.s32 $0xFFFFFC00  }
0xde: {  	_ =	sfence.sel $0x180000  }
0xdf: {  	[bflag:$0x0] =	sbarrier.arrive $0xFFFF  }
0xe0: {  	_ =	strace $0x9000004D  }
0xe1: {  	s0 =	stileid.u32;
	[bflag:$0x2] =	sbarrier.arrive $0xFFFF  }
0xe2: {  	p0 =	sne.s32 s0, $0x0;
	s0 =	rddreg [dreg:$0x3]  }
0xe3: {  	s0 =	sadd.s32 @!p0 $0x100000, s0  }
0xe4: {  	[sflag:s0] =	ssyncadd.tile.s32 @!p0 $0x1;
	_ =	shalt  }
.Lfunc_end2:
_tile_overlayer_lowered:
.L_overlay_start_2:
0xe5: {  	(tag) =	ssettag $0x2  }
0xe6: {  	s0 =	rddreg [dreg:$0x0];
	s2 =	stileid.u32  }
0xe7: {  	s1 =	rddreg [dreg:$0x1];
	p0 =	sne.s32 s2, $0x0  }
0xe8: {  	s3 =	rddreg [dreg:$0x2];
	[bflag:$0x3] =	sbarrier.arrive $0xFFFF;
	s2 =	simm.s32 @!p0 $0x1C0B  }
0xe9: {  	[timem:s3], [sflag:s2] =	dma.local @!p0 [hbm:s0], s1  }
0xea: {  	s0 =	simm.s32 @!p0 $0xB  }
0xeb: {  	_ =	swait.ge @!p0 [sflag:s0], s1  }
0xec: {  	s1 =	ssub.s32 @!p0 $0x0, s1;
	[sflag:s0] =	ssyncset.done @!p0 $0x0  }
0xed: {  	[sflag:s0] =	ssyncadd.s32 @!p0 s1  }
0xee: {  	[bflag:$0x3] =	sbarrier.arrive $0xFFFF  }
0xef: {  	_ =	shalt  }

// kernel: kernel.8.cloned.1.call-start
scs
__scs_entry_jumppad:
0x0: {  	(pc) =	sbr.rel $0x88, $3  }
0x1: {  	(tag) =	ssettag $0x0;
	lr =	simm.s32 $0x1  }
0x2: {  	[smem:$0x3F9B] =	sst lr;
	_ =	strace $0xD0000000  }
0x3: {  	_ = 	snop  }
0x4: {  	_ = 	snop  }
0x5: {  	_ = 	snop  }
0x6: {  	_ = 	snop  }
0x7: {  	_ = 	snop  }
__scs_overlays_trampoline_lowered:
0x8: {  	[smem:$0x3FAA] =	sst s0  }
0x9: {  	[smem:$0x3FAB] =	sst s1  }
0xa: {  	[smem:$0x3FAC] =	sst s2  }
0xb: {  	[smem:$0x3FAD] =	sst s3  }
0xc: {  	[smem:$0x3FAE] =	sst s4  }
0xd: {  	[smem:$0x3FAF] =	sst s5  }
0xe: {  	[smem:$0x3FB0] =	sst s6  }
0xf: {  	[smem:$0x3FB1] =	sst s7  }
0x10: {  	[smem:$0x3FB2] =	sst s8  }
0x11: {  	[smem:$0x3FB3] =	sst s9;
	s0 =	simm.s32 @!p0 $0x0  }
0x12: {  	s1 =	sld [smem:$0x3F99];
	s0 =	simm.s32 @p0 $0x1  }
0x13: {  	[smem:$0x3FB4] =	sst s0;
	s0 =	simm.s32 @!p1 $0x0  }
0x14: {  	s2 =	sld [smem:$0x3F98];
	s0 =	simm.s32 @p1 $0x1  }
0x15: {  	[smem:$0x3FB5] =	sst s0;
	s0 =	simm.s32 @!p2 $0x0  }
0x16: {  	s3 =	sld [smem:$0x3FDB];
	s0 =	simm.s32 @p2 $0x1  }
0x17: {  	s4 =	simm.s32 $0x1BF5;
	[smem:$0x3FB7] =	sst s0  }
0x18: {  	s0 =	sld [smem:$0x3F9A];
	_ =	swait.ge [sflag:s4], $0x0  }
0x19: {  	s7 =	sld [smem:$0x3F9B]  }
0x1a: {  	s8 =	sadd.s32 $0xFFFFE003, lr  }
0x1b: {  	s9 =	sadd.s32 $0xFFFFFEF7, lr;
	s5 =	simm.s32 $0xFFFFFFFF;
	p2 =	slt.u32 s8, $0xFFFFF086  }
0x1c: {  	p1 =	slt.u32 s9, $0xF7A;
	s5 =	simm.s32 @!p2 $0x0  }
0x1d: {  	s5 =	simm.s32 @p1 $0x1;
	p0 =	seq.s32 s7, s2  }
0x1e: {  	s7 =	smul.u32 @!p0 $0xF7A, s2;
	p2 =	seq.s32 @!p0 s5, $0x0  }
0x1f: {  	s9 =	smul.u32 $0xF7A, s1;
	s8 =	simm.s32 @!p0 $0x1BF5;
	p2 =	por !p2, p0  }
0x20: {  	[sflag:s8] =	ssyncset.s32 @!p0 $0xFFFFF086;
	s6 =	sadd.s32 @!p0 s3, s7;
	s7 =	simm.s32 @!p0 $0x108  }
0x21: {  	s3 =	sadd.s32 s3, s9;
	s6 =	sadd.s32 @!p0 $0x88, s6;
	s7 =	simm.s32 @p2 $0x1082  }
0x22: {  	[simem:s7], [sflag:s8] =	dma.local @!p0 [hbm:s6], $0xF7A  }
0x23: {  	s9 =	sor.u32 $0xD0000000, s2;
	s6 =	simm.s32 $0x108;
	_ =	swait.ge @!p0 [sflag:s8], $0x0  }
0x24: {  	s3 =	sadd.s32 $0x88, s3;
	s6 =	simm.s32 @!p1 $0x1082;
	[sflag:s4] =	ssyncset.s32 $0xFFFFF086  }
0x25: {  	[simem:s6], [sflag:s4] =	dma.local [hbm:s3], $0xF7A  }
0x26: {  	[smem:$0x3F9B] =	sst s1;
	(tag) =	ssettag s2;
	_ =	strace s9  }
0x27: {  	s1 =	sld [smem:$0x3FAB]  }
0x28: {  	s2 =	sld [smem:$0x3FAC]  }
0x29: {  	s4 =	sld [smem:$0x3FAE]  }
0x2a: {  	p0 =	seq.s32 s5, $0x0;
	s5 =	sld [smem:$0x3FAF]  }
0x2b: {  	s6 =	sld [smem:$0x3FB0]  }
0x2c: {  	s7 =	sld [smem:$0x3FB1]  }
0x2d: {  	s3 =	simm.s32 $0x108;
	s8 =	sld [smem:$0x3FB2]  }
0x2e: {  	s3 =	simm.s32 @!p0 $0x1082;
	s9 =	sld [smem:$0x3FB3]  }
0x2f: {  	lr =	sadd.s32 s0, s3;
	s0 =	sld [smem:$0x3FAA]  }
0x30: {  	s3 =	sld [smem:$0x3FAD]  }
0x31: {  	[smem:$0x3FB6] =	sst s10  }
0x32: {  	s10 =	sld [smem:$0x3FB4];
	_ =	sdelay $0x3  }
0x33: {  	p0 =	seq.s32 s10, $0x1;
	s10 =	sld [smem:$0x3FB6];
	_ =	sdelay $0x3  }
0x34: {  	[smem:$0x3FB6] =	sst s10  }
0x35: {  	s10 =	sld [smem:$0x3FB5];
	_ =	sdelay $0x3  }
0x36: {  	p1 =	seq.s32 s10, $0x1;
	s10 =	sld [smem:$0x3FB6];
	_ =	sdelay $0x3  }
0x37: {  	[smem:$0x3FB6] =	sst s10  }
0x38: {  	s10 =	sld [smem:$0x3FB7]  }
0x39: {  	_ = 	snop;
	(pc) =	sbr.ind lr, $3  }
0x3a: {  	_ = 	snop  }
0x3b: {  	_ = 	snop  }
0x3c: {  	p2 =	seq.s32 s10, $0x1;
	s10 =	sld [smem:$0x3FB6]  }
0x3d: {  	_ =	shalt  }
0x3e: {  	_ =	shalt  }
0x3f: {  	_ =	shalt  }
0x40: {  	_ =	shalt  }
0x41: {  	_ =	shalt  }
0x42: {  	_ =	shalt  }
0x43: {  	_ =	shalt  }
0x44: {  	_ =	shalt  }
0x45: {  	_ =	shalt  }
0x46: {  	_ =	shalt  }
0x47: {  	_ =	shalt  }
0x48: {  	_ =	shalt  }
0x49: {  	_ =	shalt  }
0x4a: {  	_ =	shalt  }
0x4b: {  	_ =	shalt  }
0x4c: {  	_ =	shalt  }
0x4d: {  	_ =	shalt  }
0x4e: {  	_ =	shalt  }
0x4f: {  	_ =	shalt  }
0x50: {  	_ =	shalt  }
0x51: {  	_ =	shalt  }
0x52: {  	_ =	shalt  }
0x53: {  	_ =	shalt  }
0x54: {  	_ =	shalt  }
0x55: {  	_ =	shalt  }
0x56: {  	_ =	shalt  }
0x57: {  	_ =	shalt  }
0x58: {  	_ =	shalt  }
0x59: {  	_ =	shalt  }
0x5a: {  	_ =	shalt  }
0x5b: {  	_ =	shalt  }
0x5c: {  	_ =	shalt  }
0x5d: {  	_ =	shalt  }
0x5e: {  	_ =	shalt  }
0x5f: {  	_ =	shalt  }
0x60: {  	_ =	shalt  }
0x61: {  	_ =	shalt  }
0x62: {  	_ =	shalt  }
0x63: {  	_ =	shalt  }
0x64: {  	_ =	shalt  }
0x65: {  	_ =	shalt  }
0x66: {  	_ =	shalt  }
0x67: {  	_ =	shalt  }
0x68: {  	_ =	shalt  }
0x69: {  	_ =	shalt  }
0x6a: {  	_ =	shalt  }
0x6b: {  	_ =	shalt  }
0x6c: {  	_ =	shalt  }
0x6d: {  	_ =	shalt  }
0x6e: {  	_ =	shalt  }
0x6f: {  	_ =	shalt  }
0x70: {  	_ =	shalt  }
0x71: {  	_ =	shalt  }
0x72: {  	_ =	shalt  }
0x73: {  	_ =	shalt  }
0x74: {  	_ =	shalt  }
0x75: {  	_ =	shalt  }
0x76: {  	_ =	shalt  }
0x77: {  	_ =	shalt  }
0x78: {  	_ =	shalt  }
0x79: {  	_ =	shalt  }
0x7a: {  	_ =	shalt  }
0x7b: {  	_ =	shalt  }
0x7c: {  	_ =	shalt  }
0x7d: {  	_ =	shalt  }
0x7e: {  	_ =	shalt  }
0x7f: {  	_ =	shalt  }
0x80: {  	_ =	shalt  }
0x81: {  	_ =	shalt  }
0x82: {  	_ =	shalt  }
0x83: {  	_ =	shalt  }
0x84: {  	_ =	shalt  }
0x85: {  	_ =	shalt  }
0x86: {  	_ =	shalt  }
0x87: {  	_ =	shalt  }
.Lfunc_end0:
.L_simem_size_0:
called_computation_lowered:
.L_overlay_start_0:
0x88: {  	s2 =	sld [smem:$0x3FD9]  }
0x89: {  	s3 =	sld [smem:$0x3FFE];
	_ =	sdelay $0x1  }
0x8a: {  	s1 =	srdreg.scid  }
0x8b: {  	s0 =	sand.u32 $0x1, s1  }
0x8c: {  	s16 =	sshll.u32 s0, $0xA;
	s2 =	sadd.s32 s3, s2  }
0x8d: {  	s2 =	sadd.s32 s2, s16  }
0x8e: {  	[smem:$0x3FC2] =	sst s2  }
0x8f: {  	_ = 	snop  }
0x90: {  	(tm) =	ssettm $0x1  }
0x91: {  	s17 =	sld [smem:$0x3FFB];
	_ =	sdelay $0x3  }
0x92: {  	_ =	strace s17  }
0x93: {  	s2 =	sld [smem:$0x3FFC];
	_ =	sdelay $0x3  }
0x94: {  	_ =	strace s2  }
0x95: {  	s2 =	sld [smem:$0x3FFD];
	_ =	sdelay $0x3  }
0x96: {  	_ =	strace s2  }
0x97: {  	_ =	strace $0x8FFFFFFF  }
0x98: {  	s18 =	sld [smem:$0x3FDB];
	_ =	sdelay $0x1  }
0x99: {  	s19 =	simm.s32 $_scs_section_size  }
0x9a: {  	s4 =	simm.s32 $_size__tile_overlayer_lowered;
	s5 =	simm.s32 $_tile_overlayer_lowered  }
0x9b: {  	s22 =	simm.s32 $0x1BFF;
	s21 =	sshll.u32 s5, $0x1;
	s2 =	sadd.s32 s19, s18  }
0x9c: {  	s6 =	simm.s32 $0x0;
	s20 =	sshll.u32 s4, $0x1;
	s4 =	sadd.s32 s21, s2  }
0x9d: {  	[timem:s6], [sflag:s22] =	dma.local [hbm:s4], s20  }
0x9e: {  	_ =	swait.ge [sflag:s22], s20  }
0x9f: {  	s3 =	ssub.s32 $0x0, s20;
	[sflag:s22] =	ssyncset.done $0x0  }
0xa0: {  	[sflag:s22] =	ssyncadd.s32 s3;
	_ =	sdelay $0x1  }
0xa1: {  	s23 =	simm.s32 $0x1B8B  }
0xa2: {  	_ =	swait.ge [sflag:s23], $0x1  }
0xa3: {  	[sflag:s23] =	ssyncset.done $0x0  }
0xa4: {  	s25 =	simm.s32 $0x1B8E;
	s24 =	sld [smem:$0x3FFE];
	[sflag:s23] =	ssyncadd.s32 $0xFFFFFFFF  }
0xa5: {  	s26 =	simm.s32 $execute0_lowered;
	[smem:$0x3FD2] =	sst s25  }
0xa6: {  	s4 =	sshll.u32 s26, $0x1;
	_ =	strace $0x80000046;
	[dreg:$0x1] =	wrdreg $0xFFFFFFFF  }
0xa7: {  	s28 =	simm.s32 $_size_execute0_lowered;
	s2 =	sadd.s32 s2, s4;
	[dreg:$0x0] =	wrdreg $0x0  }
0xa8: {  	s4 =	sshll.u32 s28, $0x1;
	[dreg:$0x2] =	wrdreg s2  }
0xa9: {  	[dreg:$0x3] =	wrdreg s4  }
0xaa: {  	[dreg:$0x4] =	wrdreg $0xC0  }
0xab: {  	_ =	task [dreg:s6], $0x5FFFF  }
0xac: {  	[dreg:$0x1] =	wrdreg $0xFFFFFFFF  }
0xad: {  	[dreg:$0x0] =	wrdreg $0x60  }
0xae: {  	[dreg:$0x2] =	wrdreg s24  }
0xaf: {  	[dreg:$0x3] =	wrdreg $0xA8000  }
0xb0: {  	[dreg:$0x4] =	wrdreg $0x9  }
0xb1: {  	_ =	task.clear_ibuf [dreg:s6], $0x5FFFF;
	_ =	strace $0x90000046  }
0xb2: {  	s29 =	simm.s32 $0x9;
	_ =	strace $0x80000048  }
0xb3: {  	_ =	swait.ge [sflag:s29], $0x1  }
0xb4: {  	[sflag:s29] =	ssyncadd.s32 $0xFFFFFFFF  }
0xb5: {  	_ =	strace $0x90000048  }
0xb6: {  	_ =	sfence  }
0xb7: {  	s30 =	sld [smem:$0x0];
	_ =	sdelay $0x2  }
0xb8: {  	s31 =	sshll.u32 s1, $0xD;
	s1 =	sshrl.u32 s1, $0x2  }
0xb9: {  	s3 =	sand.u32 $0x4000, s31;
	s1 =	sadd.s32 s1, s30  }
0xba: {  	s0 =	sor.u32 s3, s0;
	s1 =	sshll.u32 s1, $0x11  }
0xbb: {  	s0 =	sor.u32 s1, s0  }
0xbc: {  	s0 =	sadd.s32 $0x8F2B, s0  }
0xbd: {  	[sflag:s0] =	ssyncadd.remote.s32 $0x1  }
0xbe: {  	_ =	sfence.sel $0xFFFF  }
0xbf: {  	[dreg:$0x0] =	wrdreg $0xFFFFFFFF;
	(pc) =	sbr.abs _section_cstart, $3  }
0xc0: {  	[dreg:$0x1] =	wrdreg $0xFFFFFFFF  }
0xc1: {  	_ =	task.clear_ibuf [dreg:s6], $0x2FFFF;
	_ =	strace $0x9FFFFFFF  }
0xc2: {  	(tm) =	ssettm $0x7FFFFFFF  }
0xc3: {  	_ =	shalt  }
tec
execute0_lowered:
.L_overlay_start_1:
0x0: {  	(tag) =	ssettag $0x1  }
0x1: {  	s0 =	srdreg.scid  }
0x2: {  	s5 =	rddreg [dreg:$0x0];
	s4 =	sand.u32 $0x1, s0  }
0x3: {  	s0 =	stileid.u32;
	s7 =	smul.u32 $0x28000, s4  }
0x4: {  	s2 =	rddreg [dreg:$0x1];
	s3 =	simm.s32 $0x0;
	s8 =	smul.u32 $0x50000, s0  }
0x5: {  	s15 =	simm.s32 $0x1;
	s1 =	sshll.u32 s4, $0x4;
	s11 =	smul.u32 $0x280, s0  }
0x6: {  	s4 =	ssub.s32 $0x2, s4;
	s16 =	smul.u32 $0x2800, s0;
	s1 =	sor.u32 s0, s1  }
0x7: {  	[smem:$0x7FF] =	sst s3;
	s9 =	sshrl.u32 s4, $0x1;
	s6 =	smul.u32 $0x500, s1  }
0x8: {  	s1 =	rddreg [dreg:$0x2];
	_ =	strace $0x80000047;
	s7 =	sadd.s32 s7, s5  }
0x9: {  	s9 =	ssub.s32 s4, s9;
	s26 =	sshrl.u32 s8, $0x2;
	s12 =	sadd.s32 $0x80, s11  }
0xa: {  	s14 =	sadd.s32 $0x100, s11;
	s29 =	sadd.s32 $0x180, s11;
	s11 =	sadd.s32 $0x200, s11  }
0xb: {  	s20 =	sadd.s32 $0xB800, s7;
	s13 =	sshll.u32 s12, $0x7;
	s28 =	sshll.u32 s14, $0x7  }
0xc: {  	s17 =	sshll.u32 s12, $0x4;
	s18 =	sshll.u32 s14, $0x4;
	s30 =	sshll.u32 s29, $0x7  }
0xd: {  	s19 =	sshll.u32 s29, $0x4;
	s31 =	sshll.u32 s11, $0x7;
	s21 =	sshll.u32 s11, $0x4  }
0xe: {  	s11 =	simm.s32 $0x3;
	s12 =	simm.s32 $0x6800;
	s14 =	simm.s32 $0x2800  }
0xf: {  	s6 =	sadd.s32 s6, s5;
	s5 =	sadd.s32 s26, s2;
	s22 =	sadd.s32 s13, s2  }
0x10: {  	s23 =	sadd.s32 s28, s2;
	s24 =	sadd.s32 s30, s2;
	s25 =	sadd.s32 s31, s2  }
0x11: {  	s13 =	simm.s32 $0x80;
	s16 =	sadd.s32 s16, s20;
	s17 =	sadd.s32 s17, s20  }
0x12: {  	s18 =	sadd.s32 s18, s20;
	s19 =	sadd.s32 s19, s20;
	s20 =	sadd.s32 s21, s20  }
0x13: {  	s21 =	simm.s32 $0x2;
	s26 =	simm.s32 $0x0;
	s4 =	sadd.s32 $0x1800, s6  }
0x14: {  	s6 =	smax.u32 s9, $0x1;
	s7 =	sadd.s32 $0x4000, s5;
	s8 =	sadd.s32 $0x8000, s5  }
0x15: {  	s9 =	sadd.s32 $0xC000, s5;
	s10 =	sadd.s32 $0x10000, s5;
	s22 =	sshrl.u32 s22, $0x3  }
0x16: {  	v0 =	vimm.f32 $1.000000000e+00;
	v1 =	vimm.f32 $0.0e+00;
	s23 =	sshrl.u32 s23, $0x3;
	s24 =	sshrl.u32 s24, $0x3;
	s25 =	sshrl.u32 s25, $0x3  }
.LBB2_1:
0x17: {  	[tilespmem:s3], [sflag:$0x3] =	stream.linear.gather [hbm4b:s4+s3], $0x2800, $0x38;
	[tilespmem:$0xD000] =	vst v63  }
0x18: {  	_ =	swait.ge [sflag:s11], $0x2800  }
0x19: {  	[sflag:s11] =	ssyncset.done $0x0  }
0x1a: {  	s28 =	simm.s32 $0x200;
	s29 =	simm.s32 $0x0;
	[sflag:s11] =	ssyncadd.s32 $0xFFFFD800  }
.LBB2_2:
0x1b: {  	p0 =	sne.s32 s28, $0xFE00;
	[tilespmem:s29+$0x2800] =	vst v0;
	s30 =	smov.u32 s28;
	s28 =	sadd.s32 $0x200, s28  }
.Ltmp0:
0x1c: {  	[tilespmem:s29+$0x6800] =	vst v1;
	(pc) =	sbr.rel @p0 .LBB2_2-.Ltmp0, $2  }
0x1d: {  	_ =	sdelay $0x2  }
0x1e: {  	s29 =	sshra.s32 s30, $0x2  }
0x1f: {  	[tilespmem:s29+$0x2800] =	vst v0  }
0x20: {  	[tilespmem:s29+$0x6800] =	vst v1  }
0x21: {  	[spmem:s5] =	stream.linear.scatter [tilespmem:s12], [sflag:$0x3], $0x4000, $0x38;
	[tilespmem:$0xD000] =	vst v63  }
0x22: {  	_ =	swait.ge [sflag:s11], $0x4000  }
0x23: {  	[sflag:s11] =	ssyncset.done $0x0  }
0x24: {  	[sflag:s11] =	ssyncadd.s32 $0xFFFFC000  }
0x25: {  	[spmem:s7] =	stream.linear.scatter [tilespmem:s12], [sflag:$0x3], $0x4000, $0x38;
	[tilespmem:$0xD000] =	vst v63  }
0x26: {  	_ =	swait.ge [sflag:s11], $0x4000  }
0x27: {  	[sflag:s11] =	ssyncset.done $0x0  }
0x28: {  	[sflag:s11] =	ssyncadd.s32 $0xFFFFC000  }
0x29: {  	[spmem:s8] =	stream.linear.scatter [tilespmem:s12], [sflag:$0x3], $0x4000, $0x38;
	[tilespmem:$0xD000] =	vst v63  }
0x2a: {  	_ =	swait.ge [sflag:s11], $0x4000  }
0x2b: {  	[sflag:s11] =	ssyncset.done $0x0  }
0x2c: {  	[sflag:s11] =	ssyncadd.s32 $0xFFFFC000  }
0x2d: {  	[spmem:s9] =	stream.linear.scatter [tilespmem:s12], [sflag:$0x3], $0x4000, $0x38;
	[tilespmem:$0xD000] =	vst v63  }
0x2e: {  	_ =	swait.ge [sflag:s11], $0x4000  }
0x2f: {  	[sflag:s11] =	ssyncset.done $0x0  }
0x30: {  	[sflag:s11] =	ssyncadd.s32 $0xFFFFC000  }
0x31: {  	[spmem:s10] =	stream.linear.scatter [tilespmem:s12], [sflag:$0x3], $0x4000, $0x38;
	[tilespmem:$0xD000] =	vst v63  }
0x32: {  	_ =	swait.ge [sflag:s11], $0x4000  }
0x33: {  	[sflag:s11] =	ssyncset.done $0x0  }
0x34: {  	[sflag:s11] =	ssyncadd.s32 $0xFFFFC000  }
0x35: {  	s28 =	simm.s32 $0x0;
	[bflag:$0x0] =	sbarrier.arrive $0xFFFF  }
0x36: {  	[spmem:s2] =	stream.indirect.scatter.add.f32 [tilespmem:s14], [sflag:$0x1], $0x10, s28, s13, $0xb8;
	[tilespmem:$0xD000] =	vst v63  }
0x37: {  	s28 =	simm.s32 $0x80  }
0x38: {  	[spmem:s2] =	stream.indirect.scatter.add.f32 [tilespmem:s14], [sflag:$0x2], $0x10, s28, s13, $0xb8;
	[tilespmem:$0xD000] =	vst v63  }
0x39: {  	_ =	swait.ge [sflag:s15], $0x800  }
0x3a: {  	[sflag:s15] =	ssyncset.done $0x0  }
0x3b: {  	[sflag:s15] =	ssyncadd.s32 $0xFFFFF800  }
0x3c: {  	_ =	swait.ge [sflag:s21], $0x800  }
0x3d: {  	s29 =	simm.s32 $0x800;
	s28 =	simm.s32 $0x400;
	[sflag:s21] =	ssyncset.done $0x0  }
.LBB2_4:
0x3e: {  	s30 =	sshra.s32 s28, $0x2  }
0x3f: {  	[sflag:s21] =	ssyncadd.s32 $0xFFFFF800;
	s28 =	smov.u32 s29;
	s31 =	sadd.s32 $0x400, s29  }
0x40: {  	[spmem:s2] =	stream.indirect.scatter.add.f32 [tilespmem:s14], [sflag:$0x1], $0x10, s30, s13, $0xb8;
	[tilespmem:$0xD000] =	vst v63  }
0x41: {  	p0 =	sne.s32 s29, $0x9C00;
	s29 =	sadd.s32 $0x80, s30  }
0x42: {  	[spmem:s2] =	stream.indirect.scatter.add.f32 [tilespmem:s14], [sflag:$0x2], $0x10, s29, s13, $0xb8;
	[tilespmem:$0xD000] =	vst v63  }
.Ltmp1:
0x43: {  	_ =	swait.ge [sflag:s15], $0x800;
	(pc) =	sbr.rel @p0 .LBB2_4-.Ltmp1, $4  }
0x44: {  	[sflag:s15] =	ssyncset.done $0x0  }
0x45: {  	[sflag:s15] =	ssyncadd.s32 $0xFFFFF800  }
0x46: {  	_ =	swait.ge [sflag:s21], $0x800  }
0x47: {  	s29 =	smov.u32 s31;
	[sflag:s21] =	ssyncset.done $0x0  }
0x48: {  	s28 =	sshra.s32 s28, $0x2;
	[sflag:s21] =	ssyncadd.s32 $0xFFFFF800  }
0x49: {  	[spmem:s2] =	stream.indirect.scatter.add.f32 [tilespmem:s14], [sflag:$0x1], $0x10, s28, s13, $0xb8;
	[tilespmem:$0xD000] =	vst v63  }
0x4a: {  	s28 =	sadd.s32 $0x80, s28  }
0x4b: {  	[spmem:s2] =	stream.indirect.scatter.add.f32 [tilespmem:s14], [sflag:$0x2], $0x10, s28, s13, $0xb8;
	[tilespmem:$0xD000] =	vst v63  }
0x4c: {  	_ =	swait.ge [sflag:s15], $0x800  }
0x4d: {  	[sflag:s15] =	ssyncset.done $0x0  }
0x4e: {  	[sflag:s15] =	ssyncadd.s32 $0xFFFFF800  }
0x4f: {  	_ =	swait.ge [sflag:s21], $0x800  }
0x50: {  	[sflag:s21] =	ssyncset.done $0x0  }
0x51: {  	s31 =	sshll.u32 s0, $0x6;
	[sflag:s21] =	ssyncadd.s32 $0xFFFFF800  }
0x52: {  	s29 =	sshrl.u32 s5, $0x3;
	s28 =	sor.u32 $0x1C03, s31;
	[bflag:$0x0] =	sbarrier.arrive $0xFFFF  }
0x53: {  	[hbm:s16], [sflag:s28] =	dma.local [spmem:s29], $0x800  }
0x54: {  	_ =	swait.ge [sflag:s11], $0x800  }
0x55: {  	[sflag:s11] =	ssyncset.done $0x0  }
0x56: {  	[sflag:s11] =	ssyncadd.s32 $0xFFFFF800  }
0x57: {  	[hbm:s17], [sflag:s28] =	dma.local [spmem:s22], $0x800  }
0x58: {  	_ =	swait.ge [sflag:s11], $0x800  }
0x59: {  	[sflag:s11] =	ssyncset.done $0x0  }
0x5a: {  	[sflag:s11] =	ssyncadd.s32 $0xFFFFF800  }
0x5b: {  	[hbm:s18], [sflag:s28] =	dma.local [spmem:s23], $0x800  }
0x5c: {  	_ =	swait.ge [sflag:s11], $0x800  }
0x5d: {  	[sflag:s11] =	ssyncset.done $0x0  }
0x5e: {  	[sflag:s11] =	ssyncadd.s32 $0xFFFFF800  }
0x5f: {  	[hbm:s19], [sflag:s28] =	dma.local [spmem:s24], $0x800  }
0x60: {  	s26 =	sadd.s32 $0x1, s26;
	_ =	swait.ge [sflag:s11], $0x800  }
0x61: {  	p0 =	sne.s32 s26, s6;
	[sflag:s11] =	ssyncset.done $0x0  }
.Ltmp2:
0x62: {  	[sflag:s11] =	ssyncadd.s32 $0xFFFFF800;
	(pc) =	sbr.rel @p0 .LBB2_1-.Ltmp2, $4  }
0x63: {  	[hbm:s20], [sflag:s28] =	dma.local [spmem:s25], $0x800  }
0x64: {  	_ =	swait.ge [sflag:s11], $0x800  }
0x65: {  	[sflag:s11] =	ssyncset.done $0x0  }
0x66: {  	[sflag:s11] =	ssyncadd.s32 $0xFFFFF800  }
0x67: {  	_ =	sfence.sel $0x180000  }
0x68: {  	[bflag:$0x0] =	sbarrier.arrive $0xFFFF  }
0x69: {  	p0 =	sne.s32 s0, $0x0;
	_ =	strace $0x90000047  }
0x6a: {  	s0 =	sadd.s32 @!p0 $0x100000, s1;
	[bflag:$0x2] =	sbarrier.arrive $0xFFFF  }
0x6b: {  	[sflag:s0] =	ssyncadd.tile.s32 @!p0 $0x1;
	_ =	shalt  }
.Lfunc_end2:
_tile_overlayer_lowered:
.L_overlay_start_2:
0x6c: {  	(tag) =	ssettag $0x2  }
0x6d: {  	s0 =	rddreg [dreg:$0x0];
	s2 =	stileid.u32  }
0x6e: {  	s1 =	rddreg [dreg:$0x1];
	p0 =	sne.s32 s2, $0x0  }
0x6f: {  	s3 =	rddreg [dreg:$0x2];
	[bflag:$0x3] =	sbarrier.arrive $0xFFFF;
	s2 =	simm.s32 @!p0 $0x1C03  }
0x70: {  	[timem:s3], [sflag:s2] =	dma.local @!p0 [hbm:s0], s1  }
0x71: {  	s0 =	simm.s32 @!p0 $0x3  }
0x72: {  	_ =	swait.ge @!p0 [sflag:s0], s1  }
0x73: {  	s1 =	ssub.s32 @!p0 $0x0, s1;
	[sflag:s0] =	ssyncset.done @!p0 $0x0  }
0x74: {  	[sflag:s0] =	ssyncadd.s32 @!p0 s1  }
0x75: {  	[bflag:$0x3] =	sbarrier.arrive $0xFFFF  }
0x76: {  	_ =	shalt  }

</sc_bundles>
